<compile_context>
chip_gen: v7x
topology: tpu7x:2x2x1
jax: 0.10.2.dev20260603
libtpu: 0.0.44.dev20260713+nightly
codegen_flags: <defaults>
</compile_context>

<pallas_src>
import functools

import jax
import jax.numpy as jnp
from jax import lax
from jax.experimental import pallas as pl
from jax.experimental.pallas import tpu as pltpu
from jax.experimental.pallas import tpu_sc as plsc

_H = 64
_V = 64
_S = 64
_HI = jax.lax.Precision.HIGHEST

_B, _LSEQ = 128, 8192
_NC, _NS, _LANES = 2, 16, 16
_NW = _NC * _NS
_RPW = _B // _NW
_NH = _LSEQ - 3

@functools.lru_cache(maxsize=None)
def _make_hist_sc():
    mesh = plsc.VectorSubcoreMesh(core_axis_name="c", subcore_axis_name="s",
                                  num_cores=_NC, num_subcores=_NS)
    return functools.partial(
        pl.kernel,
        out_type=jax.ShapeDtypeStruct((_B, _V), jnp.float32),
        mesh=mesh,
        scratch_types=[
            pltpu.VMEM((_RPW, _LSEQ), jnp.int32),
            pltpu.VMEM((_RPW * _LANES * _V,), jnp.float32),
            pltpu.VMEM((_RPW, _V), jnp.float32),
        ],
        compiler_params=pltpu.CompilerParams(needs_layout_passes=False),
    )(_hist_sc)


def _hist_sc(seq_hbm, out_hbm, toks_v, hist_v, cnt_v):
    wid = lax.axis_index("s") * _NC + lax.axis_index("c")
    base = wid * _RPW
    pltpu.sync_copy(seq_hbm.at[pl.ds(base, _RPW)], toks_v)

    lane = lax.broadcasted_iota(jnp.int32, (_LANES,), 0)
    ones = jnp.ones((_LANES,), jnp.float32)
    zeros = jnp.zeros((_LANES,), jnp.float32)
    lane_base = lane * _V
    nfull = _NH // _LANES
    rem = _NH - nfull * _LANES

    for j in range(_RPW * _V):
        hist_v[pl.ds(j * _LANES, _LANES)] = zeros

    for r in range(_RPW):
        roff = r * _LANES * _V

        def chunk(i, _, r=r, roff=roff):
            x = toks_v[r, pl.ds(i * _LANES, _LANES)]
            plsc.addupdate_scatter(hist_v, [roff + lane_base + x], ones)
            return 0

        lax.fori_loop(0, nfull, chunk, 0, unroll=8)
        x = toks_v[r, pl.ds(nfull * _LANES, _LANES)]
        plsc.addupdate_scatter(hist_v, [roff + lane_base + x], ones,
                               mask=lane < rem)

        for j in range(_V // _LANES):
            acc = zeros
            for l in range(_LANES):
                acc = acc + hist_v[pl.ds(roff + l * _V + j * _LANES, _LANES)]
            cnt_v[r, pl.ds(j * _LANES, _LANES)] = acc

    pltpu.sync_copy(cnt_v, out_hbm.at[pl.ds(base, _RPW)])


def _attn_body(counts_ref, tlast_ref, embed_ref, W1_ref, b1_ref, W2_ref,
               b2_ref, gamma_ref, beta_ref, Wq_ref, bq_ref, Wout_ref,
               bout_ref, out_ref):
    counts = counts_ref[...]
    B = counts.shape[0]

    embed = embed_ref[...]
    ff = jnp.maximum(
        jax.lax.dot_general(embed, W1_ref[...], (((1,), (0,)), ((), ())),
                            precision=_HI) + b1_ref[...], 0.0)
    ff = jax.lax.dot_general(ff, W2_ref[...], (((1,), (0,)), ((), ())),
                             precision=_HI) + b2_ref[...]
    h = embed + ff
    mu = jnp.mean(h, axis=-1, keepdims=True)
    var = jnp.mean((h - mu) ** 2, axis=-1, keepdims=True)
    T = gamma_ref[...] * (h - mu) / jnp.sqrt(var + 1e-5) + beta_ref[...]

    nsq = jnp.sum(T * T, axis=-1)
    gt = (nsq[:, None] > nsq[None, :]).astype(jnp.float32)
    prior = jax.lax.dot_general(counts, gt, (((1,), (0,)), ((), ())),
                                precision=_HI)
    prior = jnp.round(prior)
    c = jnp.clip(float(_S) - prior, 0.0, counts)

    t_last = tlast_ref[...]
    onehot = (t_last == lax.broadcasted_iota(jnp.int32, (B, _V), 1)
              ).astype(jnp.float32)
    hs_last = jax.lax.dot_general(onehot, T, (((1,), (0,)), ((), ())),
                                  precision=_HI)
    q = jax.lax.dot_general(hs_last, Wq_ref[...], (((1,), (0,)), ((), ())),
                            precision=_HI) + bq_ref[...]

    logits = jax.lax.dot_general(q, T, (((1,), (1,)), ((), ())),
                                 precision=_HI) * (1.0 / (_H ** 0.5))
    m = jnp.max(jnp.where(c > 0, logits, -1e30), axis=1, keepdims=True)
    w = c * jnp.exp(logits - m)
    ctx = jax.lax.dot_general(w, T, (((1,), (0,)), ((), ())),
                              precision=_HI) / jnp.sum(w, axis=1,
                                                       keepdims=True)
    out_ref[...] = jax.lax.dot_general(
        ctx, Wout_ref[...], (((1,), (0,)), ((), ())),
        precision=_HI) + bout_ref[...]


def kernel(seq, embed, W1, b1, W2, b2, gamma, beta, Wq, bq, Wout, bout):
    counts = _make_hist_sc()(seq)
    t_last = seq[:, -1:]
    out = pl.pallas_call(
        _attn_body,
        out_shape=jax.ShapeDtypeStruct((_B, _V), jnp.float32),
    )(counts, t_last, embed, W1, b1, W2, b2, gamma, beta, Wq, bq,
      Wout, bout)
    return out

# --- scband reference (transcript-rebuilt; emitter-appended) ---
"""Pipeline reference for scband-slot-model-3204045603465 (READ-ONLY COPY).

The authoritative reference and input builder live on the scoring server;
editing this copy changes nothing except your own understanding.
"""

import jax, jax.numpy as jnp
import numpy as np

HIDDEN_DIM = 64
VOCAB_SIZE = 64
NUM_SLOTS = 64

def setup_inputs(seed: int = 0) -> dict:
    key = jax.random.key(seed)
    ks = jax.random.split(key, 12)
    B, L, H = 128, 8192, HIDDEN_DIM
    seq = jax.random.randint(ks[0], (B, L), 0, VOCAB_SIZE, dtype=jnp.int64 if jax.config.jax_enable_x64 else jnp.int32)
    embed = jax.random.normal(ks[1], (VOCAB_SIZE, H), dtype=jnp.float32) * 0.02
    W1 = jax.random.normal(ks[2], (H, 2 * H), dtype=jnp.float32) * (1.0 / np.sqrt(H))
    b1 = jnp.zeros((2 * H,), dtype=jnp.float32)
    W2 = jax.random.normal(ks[3], (2 * H, H), dtype=jnp.float32) * (1.0 / np.sqrt(2 * H))
    b2 = jnp.zeros((H,), dtype=jnp.float32)
    gamma = jnp.ones((H,), dtype=jnp.float32)
    beta = jnp.zeros((H,), dtype=jnp.float32)
    Wq = jax.random.normal(ks[4], (H, H), dtype=jnp.float32) * (1.0 / np.sqrt(H))
    bq = jnp.zeros((H,), dtype=jnp.float32)
    Wout = jax.random.normal(ks[5], (H, VOCAB_SIZE), dtype=jnp.float32) * (1.0 / np.sqrt(H))
    bout = jnp.zeros((VOCAB_SIZE,), dtype=jnp.float32)
    return {"seq": seq, "embed": embed, "W1": W1, "b1": b1, "W2": W2, "b2": b2,
            "gamma": gamma, "beta": beta, "Wq": Wq, "bq": bq, "Wout": Wout, "bout": bout}

def _layernorm(x, gamma, beta, eps=1e-5):
    mu = jnp.mean(x, axis=-1, keepdims=True)
    var = jnp.mean((x - mu) ** 2, axis=-1, keepdims=True)
    return gamma * (x - mu) / jnp.sqrt(var + eps) + beta

def reference(seq, embed, W1, b1, W2, b2, gamma, beta, Wq, bq, Wout, bout):
    H = HIDDEN_DIM
    e = jnp.take(embed, seq, axis=0)                       # [B, L, H]
    ff = jnp.maximum(e @ W1 + b1, 0.0) @ W2 + b2
    hs = _layernorm(e + ff, gamma, beta)                   # [B, L, H]
    content = hs[:, :-3, :]                                # [B, L-3, H]
    k = min(NUM_SLOTS, content.shape[1])
    gate_scores = jnp.sqrt(jnp.sum(content * content, axis=-1))  # [B, L-3]
    _, idx = jax.lax.top_k(gate_scores, k)                 # [B, k]
    slots = jnp.take_along_axis(content, idx[:, :, None], axis=1)  # [B, k, H]
    if k < NUM_SLOTS:
        B = seq.shape[0]
        slots = jnp.concatenate([slots, jnp.zeros((B, NUM_SLOTS - k, H), dtype=slots.dtype)], axis=1)
    q = (hs[:, -1, :] @ Wq + bq)[:, None, :]               # [B, 1, H]
    logits = jnp.einsum('bqh,bsh->bqs', q, slots) / (H ** 0.5)
    attn = jax.nn.softmax(logits, axis=-1)                 # [B, 1, S]
    ctx = jnp.einsum('bqs,bsh->bqh', attn, slots)[:, 0, :] # [B, H]
    return ctx @ Wout + bout                               # [B, VOCAB_SIZE]

if __name__ == "__main__":
    import jax
    _d = setup_inputs()
    print(jax.jit(kernel)(*tuple(_d.values())))

</pallas_src>

<mosaic_0001>
#map = affine_map<(d0, d1) -> (0, 0)>
module attributes {stable_mosaic.version = 14 : i64} {
  func.func @_hist_sc(%arg0: i32, %arg1: i32, %arg2: memref<128x8192xi32, #tpu.memory_space<hbm>>, %arg3: memref<128x64xf32, #tpu.memory_space<hbm>>, %arg4: memref<4x8192xi32, #tpu.memory_space<vmem>>, %arg5: memref<4096xf32, #tpu.memory_space<vmem>>, %arg6: memref<4x64xf32, #tpu.memory_space<vmem>>) attributes {dimension_semantics = [#tpu.dimension_semantics<core_parallel>, #tpu.dimension_semantics<subcore_parallel>], iteration_bounds = array<i64: 2, 16>, scalar_prefetch = 0 : i64, scratch_operands = 3 : i64, tpu.core_type = #tpu.core_type<sc_vector_subcore>, window_params = [{transform_indices = #map}, {transform_indices = #map}]} {
    %mul3A = arith.constant 2 : i32
    %mul3A_0 = arith.muli %arg1, %mul3A : i32
    %add3A = arith.addi %mul3A_0, %arg0 : i32
    %mul3A_1 = arith.constant 4 : i32
    %mul3A_2 = arith.muli %add3A, %mul3A_1 : i32
    "tpu.region"() ({
      %run_scoped3A = tpu.sem_alloc : memref<!tpu.dma_semaphore, #tpu.memory_space<semaphore_mem>>
      %dma_start3A = arith.constant 0 : i32
      %dma_start3A_1785 = tpu.memref_slice %arg2[%mul3A_2, %dma_start3A] : memref<128x8192xi32, #tpu.memory_space<hbm>> -> memref<4x8192xi32, #tpu.memory_space<hbm>>
      %dma_start3A_1786 = arith.constant 0 : i32
      %dma_start3A_1787 = tpu.memref_slice %arg2[%mul3A_2, %dma_start3A_1786] : memref<128x8192xi32, #tpu.memory_space<hbm>> -> memref<4x8192xi32, #tpu.memory_space<hbm>>
      tpu.enqueue_dma source(%dma_start3A_1787 : memref<4x8192xi32, #tpu.memory_space<hbm>>) target(%arg4 : memref<4x8192xi32, #tpu.memory_space<vmem>>) target_semaphore(%run_scoped3A : memref<!tpu.dma_semaphore, #tpu.memory_space<semaphore_mem>>)
      %dma_wait3A = arith.constant 0 : i32
      %dma_wait3A_1788 = tpu.memref_slice %arg2[%mul3A_2, %dma_wait3A] : memref<128x8192xi32, #tpu.memory_space<hbm>> -> memref<4x8192xi32, #tpu.memory_space<hbm>>
      %dma_wait3A_1789 = arith.constant 0 : i32
      %dma_wait3A_1790 = tpu.memref_slice %arg2[%mul3A_2, %dma_wait3A_1789] : memref<128x8192xi32, #tpu.memory_space<hbm>> -> memref<4x8192xi32, #tpu.memory_space<hbm>>
      tpu.wait_dma2 semaphore(%run_scoped3A : memref<!tpu.dma_semaphore, #tpu.memory_space<semaphore_mem>>) src(%dma_wait3A_1790 : memref<4x8192xi32, #tpu.memory_space<hbm>>) dst(%arg4 : memref<4x8192xi32, #tpu.memory_space<vmem>>)
      tpu.yield
    }) : () -> ()
    %iota3A = tpu.iota {dimensions = array<i32: 0>} : vector<16xi32>
    %broadcast_in_dim3A = arith.constant 1.000000e+00 : f32
    %broadcast_in_dim3A_3 = vector.broadcast %broadcast_in_dim3A : f32 to vector<16xf32>
    %broadcast_in_dim3A_4 = arith.constant 0.000000e+00 : f32
    %broadcast_in_dim3A_5 = vector.broadcast %broadcast_in_dim3A_4 : f32 to vector<16xf32>
    %mul3A_6 = arith.constant 64 : i32
    %mul3A_7 = vector.broadcast %mul3A_6 : i32 to vector<16xi32>
    %mul3A_8 = arith.muli %iota3A, %mul3A_7 : vector<16xi32>
    %swap3A = arith.constant 0 : index
    %swap3A_9 = tpu.vector_load %arg5[%swap3A] {strides = array<i32>} : memref<4096xf32, #tpu.memory_space<vmem>>, vector<16xf32>,
    tpu.vector_store %arg5[%swap3A], %broadcast_in_dim3A_5 {strides = array<i32>} : memref<4096xf32, #tpu.memory_space<vmem>>, vector<16xf32>,
    %swap3A_10 = arith.constant 16 : index
    %swap3A_11 = tpu.vector_load %arg5[%swap3A_10] {strides = array<i32>} : memref<4096xf32, #tpu.memory_space<vmem>>, vector<16xf32>,
    tpu.vector_store %arg5[%swap3A_10], %broadcast_in_dim3A_5 {strides = array<i32>} : memref<4096xf32, #tpu.memory_space<vmem>>, vector<16xf32>,
    %swap3A_12 = arith.constant 32 : index
    %swap3A_13 = tpu.vector_load %arg5[%swap3A_12] {strides = array<i32>} : memref<4096xf32, #tpu.memory_space<vmem>>, vector<16xf32>,
    tpu.vector_store %arg5[%swap3A_12], %broadcast_in_dim3A_5 {strides = array<i32>} : memref<4096xf32, #tpu.memory_space<vmem>>, vector<16xf32>,
    %swap3A_14 = arith.constant 48 : index
    %swap3A_15 = tpu.vector_load %arg5[%swap3A_14] {strides = array<i32>} : memref<4096xf32, #tpu.memory_space<vmem>>, vector<16xf32>,
    tpu.vector_store %arg5[%swap3A_14], %broadcast_in_dim3A_5 {strides = array<i32>} : memref<4096xf32, #tpu.memory_space<vmem>>, vector<16xf32>,
    %swap3A_16 = arith.constant 64 : index
    %swap3A_17 = tpu.vector_load %arg5[%swap3A_16] {strides = array<i32>} : memref<4096xf32, #tpu.memory_space<vmem>>, vector<16xf32>,
    tpu.vector_store %arg5[%swap3A_16], %broadcast_in_dim3A_5 {strides = array<i32>} : memref<4096xf32, #tpu.memory_space<vmem>>, vector<16xf32>,
    %swap3A_18 = arith.constant 80 : index
    %swap3A_19 = tpu.vector_load %arg5[%swap3A_18] {strides = array<i32>} : memref<4096xf32, #tpu.memory_space<vmem>>, vector<16xf32>,
    tpu.vector_store %arg5[%swap3A_18], %broadcast_in_dim3A_5 {strides = array<i32>} : memref<4096xf32, #tpu.memory_space<vmem>>, vector<16xf32>,
    %swap3A_20 = arith.constant 96 : index
    %swap3A_21 = tpu.vector_load %arg5[%swap3A_20] {strides = array<i32>} : memref<4096xf32, #tpu.memory_space<vmem>>, vector<16xf32>,
    tpu.vector_store %arg5[%swap3A_20], %broadcast_in_dim3A_5 {strides = array<i32>} : memref<4096xf32, #tpu.memory_space<vmem>>, vector<16xf32>,
    %swap3A_22 = arith.constant 112 : index
    %swap3A_23 = tpu.vector_load %arg5[%swap3A_22] {strides = array<i32>} : memref<4096xf32, #tpu.memory_space<vmem>>, vector<16xf32>,
    tpu.vector_store %arg5[%swap3A_22], %broadcast_in_dim3A_5 {strides = array<i32>} : memref<4096xf32, #tpu.memory_space<vmem>>, vector<16xf32>,
    %swap3A_24 = arith.constant 128 : index
    %swap3A_25 = tpu.vector_load %arg5[%swap3A_24] {strides = array<i32>} : memref<4096xf32, #tpu.memory_space<vmem>>, vector<16xf32>,
    tpu.vector_store %arg5[%swap3A_24], %broadcast_in_dim3A_5 {strides = array<i32>} : memref<4096xf32, #tpu.memory_space<vmem>>, vector<16xf32>,
    %swap3A_26 = arith.constant 144 : index
    %swap3A_27 = tpu.vector_load %arg5[%swap3A_26] {strides = array<i32>} : memref<4096xf32, #tpu.memory_space<vmem>>, vector<16xf32>,
    tpu.vector_store %arg5[%swap3A_26], %broadcast_in_dim3A_5 {strides = array<i32>} : memref<4096xf32, #tpu.memory_space<vmem>>, vector<16xf32>,
    %swap3A_28 = arith.constant 160 : index
    %swap3A_29 = tpu.vector_load %arg5[%swap3A_28] {strides = array<i32>} : memref<4096xf32, #tpu.memory_space<vmem>>, vector<16xf32>,
    tpu.vector_store %arg5[%swap3A_28], %broadcast_in_dim3A_5 {strides = array<i32>} : memref<4096xf32, #tpu.memory_space<vmem>>, vector<16xf32>,
    %swap3A_30 = arith.constant 176 : index
    %swap3A_31 = tpu.vector_load %arg5[%swap3A_30] {strides = array<i32>} : memref<4096xf32, #tpu.memory_space<vmem>>, vector<16xf32>,
    tpu.vector_store %arg5[%swap3A_30], %broadcast_in_dim3A_5 {strides = array<i32>} : memref<4096xf32, #tpu.memory_space<vmem>>, vector<16xf32>,
    %swap3A_32 = arith.constant 192 : index
    %swap3A_33 = tpu.vector_load %arg5[%swap3A_32] {strides = array<i32>} : memref<4096xf32, #tpu.memory_space<vmem>>, vector<16xf32>,
    tpu.vector_store %arg5[%swap3A_32], %broadcast_in_dim3A_5 {strides = array<i32>} : memref<4096xf32, #tpu.memory_space<vmem>>, vector<16xf32>,
    %swap3A_34 = arith.constant 208 : index
    %swap3A_35 = tpu.vector_load %arg5[%swap3A_34] {strides = array<i32>} : memref<4096xf32, #tpu.memory_space<vmem>>, vector<16xf32>,
    tpu.vector_store %arg5[%swap3A_34], %broadcast_in_dim3A_5 {strides = array<i32>} : memref<4096xf32, #tpu.memory_space<vmem>>, vector<16xf32>,
    %swap3A_36 = arith.constant 224 : index
    %swap3A_37 = tpu.vector_load %arg5[%swap3A_36] {strides = array<i32>} : memref<4096xf32, #tpu.memory_space<vmem>>, vector<16xf32>,
    tpu.vector_store %arg5[%swap3A_36], %broadcast_in_dim3A_5 {strides = array<i32>} : memref<4096xf32, #tpu.memory_space<vmem>>, vector<16xf32>,
    %swap3A_38 = arith.constant 240 : index
    %swap3A_39 = tpu.vector_load %arg5[%swap3A_38] {strides = array<i32>} : memref<4096xf32, #tpu.memory_space<vmem>>, vector<16xf32>,
    tpu.vector_store %arg5[%swap3A_38], %broadcast_in_dim3A_5 {strides = array<i32>} : memref<4096xf32, #tpu.memory_space<vmem>>, vector<16xf32>,
    %swap3A_40 = arith.constant 256 : index
    %swap3A_41 = tpu.vector_load %arg5[%swap3A_40] {strides = array<i32>} : memref<4096xf32, #tpu.memory_space<vmem>>, vector<16xf32>,
    tpu.vector_store %arg5[%swap3A_40], %broadcast_in_dim3A_5 {strides = array<i32>} : memref<4096xf32, #tpu.memory_space<vmem>>, vector<16xf32>,
    %swap3A_42 = arith.constant 272 : index
    %swap3A_43 = tpu.vector_load %arg5[%swap3A_42] {strides = array<i32>} : memref<4096xf32, #tpu.memory_space<vmem>>, vector<16xf32>,
    tpu.vector_store %arg5[%swap3A_42], %broadcast_in_dim3A_5 {strides = array<i32>} : memref<4096xf32, #tpu.memory_space<vmem>>, vector<16xf32>,
    %swap3A_44 = arith.constant 288 : index
    %swap3A_45 = tpu.vector_load %arg5[%swap3A_44] {strides = array<i32>} : memref<4096xf32, #tpu.memory_space<vmem>>, vector<16xf32>,
    tpu.vector_store %arg5[%swap3A_44], %broadcast_in_dim3A_5 {strides = array<i32>} : memref<4096xf32, #tpu.memory_space<vmem>>, vector<16xf32>,
    %swap3A_46 = arith.constant 304 : index
    %swap3A_47 = tpu.vector_load %arg5[%swap3A_46] {strides = array<i32>} : memref<4096xf32, #tpu.memory_space<vmem>>, vector<16xf32>,
    tpu.vector_store %arg5[%swap3A_46], %broadcast_in_dim3A_5 {strides = array<i32>} : memref<4096xf32, #tpu.memory_space<vmem>>, vector<16xf32>,
    %swap3A_48 = arith.constant 320 : index
    %swap3A_49 = tpu.vector_load %arg5[%swap3A_48] {strides = array<i32>} : memref<4096xf32, #tpu.memory_space<vmem>>, vector<16xf32>,
    tpu.vector_store %arg5[%swap3A_48], %broadcast_in_dim3A_5 {strides = array<i32>} : memref<4096xf32, #tpu.memory_space<vmem>>, vector<16xf32>,
    %swap3A_50 = arith.constant 336 : index
    %swap3A_51 = tpu.vector_load %arg5[%swap3A_50] {strides = array<i32>} : memref<4096xf32, #tpu.memory_space<vmem>>, vector<16xf32>,
    tpu.vector_store %arg5[%swap3A_50], %broadcast_in_dim3A_5 {strides = array<i32>} : memref<4096xf32, #tpu.memory_space<vmem>>, vector<16xf32>,
    %swap3A_52 = arith.constant 352 : index
    %swap3A_53 = tpu.vector_load %arg5[%swap3A_52] {strides = array<i32>} : memref<4096xf32, #tpu.memory_space<vmem>>, vector<16xf32>,
    tpu.vector_store %arg5[%swap3A_52], %broadcast_in_dim3A_5 {strides = array<i32>} : memref<4096xf32, #tpu.memory_space<vmem>>, vector<16xf32>,
    %swap3A_54 = arith.constant 368 : index
    %swap3A_55 = tpu.vector_load %arg5[%swap3A_54] {strides = array<i32>} : memref<4096xf32, #tpu.memory_space<vmem>>, vector<16xf32>,
    tpu.vector_store %arg5[%swap3A_54], %broadcast_in_dim3A_5 {strides = array<i32>} : memref<4096xf32, #tpu.memory_space<vmem>>, vector<16xf32>,
    %swap3A_56 = arith.constant 384 : index
    %swap3A_57 = tpu.vector_load %arg5[%swap3A_56] {strides = array<i32>} : memref<4096xf32, #tpu.memory_space<vmem>>, vector<16xf32>,
    tpu.vector_store %arg5[%swap3A_56], %broadcast_in_dim3A_5 {strides = array<i32>} : memref<4096xf32, #tpu.memory_space<vmem>>, vector<16xf32>,
    %swap3A_58 = arith.constant 400 : index
    %swap3A_59 = tpu.vector_load %arg5[%swap3A_58] {strides = array<i32>} : memref<4096xf32, #tpu.memory_space<vmem>>, vector<16xf32>,
    tpu.vector_store %arg5[%swap3A_58], %broadcast_in_dim3A_5 {strides = array<i32>} : memref<4096xf32, #tpu.memory_space<vmem>>, vector<16xf32>,
    %swap3A_60 = arith.constant 416 : index
    %swap3A_61 = tpu.vector_load %arg5[%swap3A_60] {strides = array<i32>} : memref<4096xf32, #tpu.memory_space<vmem>>, vector<16xf32>,
    tpu.vector_store %arg5[%swap3A_60], %broadcast_in_dim3A_5 {strides = array<i32>} : memref<4096xf32, #tpu.memory_space<vmem>>, vector<16xf32>,
    %swap3A_62 = arith.constant 432 : index
    %swap3A_63 = tpu.vector_load %arg5[%swap3A_62] {strides = array<i32>} : memref<4096xf32, #tpu.memory_space<vmem>>, vector<16xf32>,
    tpu.vector_store %arg5[%swap3A_62], %broadcast_in_dim3A_5 {strides = array<i32>} : memref<4096xf32, #tpu.memory_space<vmem>>, vector<16xf32>,
    %swap3A_64 = arith.constant 448 : index
    %swap3A_65 = tpu.vector_load %arg5[%swap3A_64] {strides = array<i32>} : memref<4096xf32, #tpu.memory_space<vmem>>, vector<16xf32>,
    tpu.vector_store %arg5[%swap3A_64], %broadcast_in_dim3A_5 {strides = array<i32>} : memref<4096xf32, #tpu.memory_space<vmem>>, vector<16xf32>,
    %swap3A_66 = arith.constant 464 : index
    %swap3A_67 = tpu.vector_load %arg5[%swap3A_66] {strides = array<i32>} : memref<4096xf32, #tpu.memory_space<vmem>>, vector<16xf32>,
    tpu.vector_store %arg5[%swap3A_66], %broadcast_in_dim3A_5 {strides = array<i32>} : memref<4096xf32, #tpu.memory_space<vmem>>, vector<16xf32>,
    %swap3A_68 = arith.constant 480 : index
    %swap3A_69 = tpu.vector_load %arg5[%swap3A_68] {strides = array<i32>} : memref<4096xf32, #tpu.memory_space<vmem>>, vector<16xf32>,
    tpu.vector_store %arg5[%swap3A_68], %broadcast_in_dim3A_5 {strides = array<i32>} : memref<4096xf32, #tpu.memory_space<vmem>>, vector<16xf32>,
    %swap3A_70 = arith.constant 496 : index
    %swap3A_71 = tpu.vector_load %arg5[%swap3A_70] {strides = array<i32>} : memref<4096xf32, #tpu.memory_space<vmem>>, vector<16xf32>,
    tpu.vector_store %arg5[%swap3A_70], %broadcast_in_dim3A_5 {strides = array<i32>} : memref<4096xf32, #tpu.memory_space<vmem>>, vector<16xf32>,
    %swap3A_72 = arith.constant 512 : index
    %swap3A_73 = tpu.vector_load %arg5[%swap3A_72] {strides = array<i32>} : memref<4096xf32, #tpu.memory_space<vmem>>, vector<16xf32>,
    tpu.vector_store %arg5[%swap3A_72], %broadcast_in_dim3A_5 {strides = array<i32>} : memref<4096xf32, #tpu.memory_space<vmem>>, vector<16xf32>,
    %swap3A_74 = arith.constant 528 : index
    %swap3A_75 = tpu.vector_load %arg5[%swap3A_74] {strides = array<i32>} : memref<4096xf32, #tpu.memory_space<vmem>>, vector<16xf32>,
    tpu.vector_store %arg5[%swap3A_74], %broadcast_in_dim3A_5 {strides = array<i32>} : memref<4096xf32, #tpu.memory_space<vmem>>, vector<16xf32>,
    %swap3A_76 = arith.constant 544 : index
    %swap3A_77 = tpu.vector_load %arg5[%swap3A_76] {strides = array<i32>} : memref<4096xf32, #tpu.memory_space<vmem>>, vector<16xf32>,
    tpu.vector_store %arg5[%swap3A_76], %broadcast_in_dim3A_5 {strides = array<i32>} : memref<4096xf32, #tpu.memory_space<vmem>>, vector<16xf32>,
    %swap3A_78 = arith.constant 560 : index
    %swap3A_79 = tpu.vector_load %arg5[%swap3A_78] {strides = array<i32>} : memref<4096xf32, #tpu.memory_space<vmem>>, vector<16xf32>,
    tpu.vector_store %arg5[%swap3A_78], %broadcast_in_dim3A_5 {strides = array<i32>} : memref<4096xf32, #tpu.memory_space<vmem>>, vector<16xf32>,
    %swap3A_80 = arith.constant 576 : index
    %swap3A_81 = tpu.vector_load %arg5[%swap3A_80] {strides = array<i32>} : memref<4096xf32, #tpu.memory_space<vmem>>, vector<16xf32>,
    tpu.vector_store %arg5[%swap3A_80], %broadcast_in_dim3A_5 {strides = array<i32>} : memref<4096xf32, #tpu.memory_space<vmem>>, vector<16xf32>,
    %swap3A_82 = arith.constant 592 : index
    %swap3A_83 = tpu.vector_load %arg5[%swap3A_82] {strides = array<i32>} : memref<4096xf32, #tpu.memory_space<vmem>>, vector<16xf32>,
    tpu.vector_store %arg5[%swap3A_82], %broadcast_in_dim3A_5 {strides = array<i32>} : memref<4096xf32, #tpu.memory_space<vmem>>, vector<16xf32>,
    %swap3A_84 = arith.constant 608 : index
    %swap3A_85 = tpu.vector_load %arg5[%swap3A_84] {strides = array<i32>} : memref<4096xf32, #tpu.memory_space<vmem>>, vector<16xf32>,
    tpu.vector_store %arg5[%swap3A_84], %broadcast_in_dim3A_5 {strides = array<i32>} : memref<4096xf32, #tpu.memory_space<vmem>>, vector<16xf32>,
    %swap3A_86 = arith.constant 624 : index
    %swap3A_87 = tpu.vector_load %arg5[%swap3A_86] {strides = array<i32>} : memref<4096xf32, #tpu.memory_space<vmem>>, vector<16xf32>,
    tpu.vector_store %arg5[%swap3A_86], %broadcast_in_dim3A_5 {strides = array<i32>} : memref<4096xf32, #tpu.memory_space<vmem>>, vector<16xf32>,
    %swap3A_88 = arith.constant 640 : index
    %swap3A_89 = tpu.vector_load %arg5[%swap3A_88] {strides = array<i32>} : memref<4096xf32, #tpu.memory_space<vmem>>, vector<16xf32>,
    tpu.vector_store %arg5[%swap3A_88], %broadcast_in_dim3A_5 {strides = array<i32>} : memref<4096xf32, #tpu.memory_space<vmem>>, vector<16xf32>,
    %swap3A_90 = arith.constant 656 : index
    %swap3A_91 = tpu.vector_load %arg5[%swap3A_90] {strides = array<i32>} : memref<4096xf32, #tpu.memory_space<vmem>>, vector<16xf32>,
    tpu.vector_store %arg5[%swap3A_90], %broadcast_in_dim3A_5 {strides = array<i32>} : memref<4096xf32, #tpu.memory_space<vmem>>, vector<16xf32>,
    %swap3A_92 = arith.constant 672 : index
    %swap3A_93 = tpu.vector_load %arg5[%swap3A_92] {strides = array<i32>} : memref<4096xf32, #tpu.memory_space<vmem>>, vector<16xf32>,
    tpu.vector_store %arg5[%swap3A_92], %broadcast_in_dim3A_5 {strides = array<i32>} : memref<4096xf32, #tpu.memory_space<vmem>>, vector<16xf32>,
    %swap3A_94 = arith.constant 688 : index
    %swap3A_95 = tpu.vector_load %arg5[%swap3A_94] {strides = array<i32>} : memref<4096xf32, #tpu.memory_space<vmem>>, vector<16xf32>,
    tpu.vector_store %arg5[%swap3A_94], %broadcast_in_dim3A_5 {strides = array<i32>} : memref<4096xf32, #tpu.memory_space<vmem>>, vector<16xf32>,
    %swap3A_96 = arith.constant 704 : index
    %swap3A_97 = tpu.vector_load %arg5[%swap3A_96] {strides = array<i32>} : memref<4096xf32, #tpu.memory_space<vmem>>, vector<16xf32>,
    tpu.vector_store %arg5[%swap3A_96], %broadcast_in_dim3A_5 {strides = array<i32>} : memref<4096xf32, #tpu.memory_space<vmem>>, vector<16xf32>,
    %swap3A_98 = arith.constant 720 : index
    %swap3A_99 = tpu.vector_load %arg5[%swap3A_98] {strides = array<i32>} : memref<4096xf32, #tpu.memory_space<vmem>>, vector<16xf32>,
    tpu.vector_store %arg5[%swap3A_98], %broadcast_in_dim3A_5 {strides = array<i32>} : memref<4096xf32, #tpu.memory_space<vmem>>, vector<16xf32>,
    %swap3A_100 = arith.constant 736 : index
    %swap3A_101 = tpu.vector_load %arg5[%swap3A_100] {strides = array<i32>} : memref<4096xf32, #tpu.memory_space<vmem>>, vector<16xf32>,
    tpu.vector_store %arg5[%swap3A_100], %broadcast_in_dim3A_5 {strides = array<i32>} : memref<4096xf32, #tpu.memory_space<vmem>>, vector<16xf32>,
    %swap3A_102 = arith.constant 752 : index
    %swap3A_103 = tpu.vector_load %arg5[%swap3A_102] {strides = array<i32>} : memref<4096xf32, #tpu.memory_space<vmem>>, vector<16xf32>,
    tpu.vector_store %arg5[%swap3A_102], %broadcast_in_dim3A_5 {strides = array<i32>} : memref<4096xf32, #tpu.memory_space<vmem>>, vector<16xf32>,
    %swap3A_104 = arith.constant 768 : index
    %swap3A_105 = tpu.vector_load %arg5[%swap3A_104] {strides = array<i32>} : memref<4096xf32, #tpu.memory_space<vmem>>, vector<16xf32>,
    tpu.vector_store %arg5[%swap3A_104], %broadcast_in_dim3A_5 {strides = array<i32>} : memref<4096xf32, #tpu.memory_space<vmem>>, vector<16xf32>,
    %swap3A_106 = arith.constant 784 : index
    %swap3A_107 = tpu.vector_load %arg5[%swap3A_106] {strides = array<i32>} : memref<4096xf32, #tpu.memory_space<vmem>>, vector<16xf32>,
    tpu.vector_store %arg5[%swap3A_106], %broadcast_in_dim3A_5 {strides = array<i32>} : memref<4096xf32, #tpu.memory_space<vmem>>, vector<16xf32>,
    %swap3A_108 = arith.constant 800 : index
    %swap3A_109 = tpu.vector_load %arg5[%swap3A_108] {strides = array<i32>} : memref<4096xf32, #tpu.memory_space<vmem>>, vector<16xf32>,
    tpu.vector_store %arg5[%swap3A_108], %broadcast_in_dim3A_5 {strides = array<i32>} : memref<4096xf32, #tpu.memory_space<vmem>>, vector<16xf32>,
    %swap3A_110 = arith.constant 816 : index
    %swap3A_111 = tpu.vector_load %arg5[%swap3A_110] {strides = array<i32>} : memref<4096xf32, #tpu.memory_space<vmem>>, vector<16xf32>,
    tpu.vector_store %arg5[%swap3A_110], %broadcast_in_dim3A_5 {strides = array<i32>} : memref<4096xf32, #tpu.memory_space<vmem>>, vector<16xf32>,
    %swap3A_112 = arith.constant 832 : index
    %swap3A_113 = tpu.vector_load %arg5[%swap3A_112] {strides = array<i32>} : memref<4096xf32, #tpu.memory_space<vmem>>, vector<16xf32>,
    tpu.vector_store %arg5[%swap3A_112], %broadcast_in_dim3A_5 {strides = array<i32>} : memref<4096xf32, #tpu.memory_space<vmem>>, vector<16xf32>,
    %swap3A_114 = arith.constant 848 : index
    %swap3A_115 = tpu.vector_load %arg5[%swap3A_114] {strides = array<i32>} : memref<4096xf32, #tpu.memory_space<vmem>>, vector<16xf32>,
    tpu.vector_store %arg5[%swap3A_114], %broadcast_in_dim3A_5 {strides = array<i32>} : memref<4096xf32, #tpu.memory_space<vmem>>, vector<16xf32>,
    %swap3A_116 = arith.constant 864 : index
    %swap3A_117 = tpu.vector_load %arg5[%swap3A_116] {strides = array<i32>} : memref<4096xf32, #tpu.memory_space<vmem>>, vector<16xf32>,
    tpu.vector_store %arg5[%swap3A_116], %broadcast_in_dim3A_5 {strides = array<i32>} : memref<4096xf32, #tpu.memory_space<vmem>>, vector<16xf32>,
    %swap3A_118 = arith.constant 880 : index
    %swap3A_119 = tpu.vector_load %arg5[%swap3A_118] {strides = array<i32>} : memref<4096xf32, #tpu.memory_space<vmem>>, vector<16xf32>,
    tpu.vector_store %arg5[%swap3A_118], %broadcast_in_dim3A_5 {strides = array<i32>} : memref<4096xf32, #tpu.memory_space<vmem>>, vector<16xf32>,
    %swap3A_120 = arith.constant 896 : index
    %swap3A_121 = tpu.vector_load %arg5[%swap3A_120] {strides = array<i32>} : memref<4096xf32, #tpu.memory_space<vmem>>, vector<16xf32>,
    tpu.vector_store %arg5[%swap3A_120], %broadcast_in_dim3A_5 {strides = array<i32>} : memref<4096xf32, #tpu.memory_space<vmem>>, vector<16xf32>,
    %swap3A_122 = arith.constant 912 : index
    %swap3A_123 = tpu.vector_load %arg5[%swap3A_122] {strides = array<i32>} : memref<4096xf32, #tpu.memory_space<vmem>>, vector<16xf32>,
    tpu.vector_store %arg5[%swap3A_122], %broadcast_in_dim3A_5 {strides = array<i32>} : memref<4096xf32, #tpu.memory_space<vmem>>, vector<16xf32>,
    %swap3A_124 = arith.constant 928 : index
    %swap3A_125 = tpu.vector_load %arg5[%swap3A_124] {strides = array<i32>} : memref<4096xf32, #tpu.memory_space<vmem>>, vector<16xf32>,
    tpu.vector_store %arg5[%swap3A_124], %broadcast_in_dim3A_5 {strides = array<i32>} : memref<4096xf32, #tpu.memory_space<vmem>>, vector<16xf32>,
    %swap3A_126 = arith.constant 944 : index
    %swap3A_127 = tpu.vector_load %arg5[%swap3A_126] {strides = array<i32>} : memref<4096xf32, #tpu.memory_space<vmem>>, vector<16xf32>,
    tpu.vector_store %arg5[%swap3A_126], %broadcast_in_dim3A_5 {strides = array<i32>} : memref<4096xf32, #tpu.memory_space<vmem>>, vector<16xf32>,
    %swap3A_128 = arith.constant 960 : index
    %swap3A_129 = tpu.vector_load %arg5[%swap3A_128] {strides = array<i32>} : memref<4096xf32, #tpu.memory_space<vmem>>, vector<16xf32>,
    tpu.vector_store %arg5[%swap3A_128], %broadcast_in_dim3A_5 {strides = array<i32>} : memref<4096xf32, #tpu.memory_space<vmem>>, vector<16xf32>,
    %swap3A_130 = arith.constant 976 : index
    %swap3A_131 = tpu.vector_load %arg5[%swap3A_130] {strides = array<i32>} : memref<4096xf32, #tpu.memory_space<vmem>>, vector<16xf32>,
    tpu.vector_store %arg5[%swap3A_130], %broadcast_in_dim3A_5 {strides = array<i32>} : memref<4096xf32, #tpu.memory_space<vmem>>, vector<16xf32>,
    %swap3A_132 = arith.constant 992 : index
    %swap3A_133 = tpu.vector_load %arg5[%swap3A_132] {strides = array<i32>} : memref<4096xf32, #tpu.memory_space<vmem>>, vector<16xf32>,
    tpu.vector_store %arg5[%swap3A_132], %broadcast_in_dim3A_5 {strides = array<i32>} : memref<4096xf32, #tpu.memory_space<vmem>>, vector<16xf32>,
    %swap3A_134 = arith.constant 1008 : index
    %swap3A_135 = tpu.vector_load %arg5[%swap3A_134] {strides = array<i32>} : memref<4096xf32, #tpu.memory_space<vmem>>, vector<16xf32>,
    tpu.vector_store %arg5[%swap3A_134], %broadcast_in_dim3A_5 {strides = array<i32>} : memref<4096xf32, #tpu.memory_space<vmem>>, vector<16xf32>,
    %swap3A_136 = arith.constant 1024 : index
    %swap3A_137 = tpu.vector_load %arg5[%swap3A_136] {strides = array<i32>} : memref<4096xf32, #tpu.memory_space<vmem>>, vector<16xf32>,
    tpu.vector_store %arg5[%swap3A_136], %broadcast_in_dim3A_5 {strides = array<i32>} : memref<4096xf32, #tpu.memory_space<vmem>>, vector<16xf32>,
    %swap3A_138 = arith.constant 1040 : index
    %swap3A_139 = tpu.vector_load %arg5[%swap3A_138] {strides = array<i32>} : memref<4096xf32, #tpu.memory_space<vmem>>, vector<16xf32>,
    tpu.vector_store %arg5[%swap3A_138], %broadcast_in_dim3A_5 {strides = array<i32>} : memref<4096xf32, #tpu.memory_space<vmem>>, vector<16xf32>,
    %swap3A_140 = arith.constant 1056 : index
    %swap3A_141 = tpu.vector_load %arg5[%swap3A_140] {strides = array<i32>} : memref<4096xf32, #tpu.memory_space<vmem>>, vector<16xf32>,
    tpu.vector_store %arg5[%swap3A_140], %broadcast_in_dim3A_5 {strides = array<i32>} : memref<4096xf32, #tpu.memory_space<vmem>>, vector<16xf32>,
    %swap3A_142 = arith.constant 1072 : index
    %swap3A_143 = tpu.vector_load %arg5[%swap3A_142] {strides = array<i32>} : memref<4096xf32, #tpu.memory_space<vmem>>, vector<16xf32>,
    tpu.vector_store %arg5[%swap3A_142], %broadcast_in_dim3A_5 {strides = array<i32>} : memref<4096xf32, #tpu.memory_space<vmem>>, vector<16xf32>,
    %swap3A_144 = arith.constant 1088 : index
    %swap3A_145 = tpu.vector_load %arg5[%swap3A_144] {strides = array<i32>} : memref<4096xf32, #tpu.memory_space<vmem>>, vector<16xf32>,
    tpu.vector_store %arg5[%swap3A_144], %broadcast_in_dim3A_5 {strides = array<i32>} : memref<4096xf32, #tpu.memory_space<vmem>>, vector<16xf32>,
    %swap3A_146 = arith.constant 1104 : index
    %swap3A_147 = tpu.vector_load %arg5[%swap3A_146] {strides = array<i32>} : memref<4096xf32, #tpu.memory_space<vmem>>, vector<16xf32>,
    tpu.vector_store %arg5[%swap3A_146], %broadcast_in_dim3A_5 {strides = array<i32>} : memref<4096xf32, #tpu.memory_space<vmem>>, vector<16xf32>,
    %swap3A_148 = arith.constant 1120 : index
    %swap3A_149 = tpu.vector_load %arg5[%swap3A_148] {strides = array<i32>} : memref<4096xf32, #tpu.memory_space<vmem>>, vector<16xf32>,
    tpu.vector_store %arg5[%swap3A_148], %broadcast_in_dim3A_5 {strides = array<i32>} : memref<4096xf32, #tpu.memory_space<vmem>>, vector<16xf32>,
    %swap3A_150 = arith.constant 1136 : index
    %swap3A_151 = tpu.vector_load %arg5[%swap3A_150] {strides = array<i32>} : memref<4096xf32, #tpu.memory_space<vmem>>, vector<16xf32>,
    tpu.vector_store %arg5[%swap3A_150], %broadcast_in_dim3A_5 {strides = array<i32>} : memref<4096xf32, #tpu.memory_space<vmem>>, vector<16xf32>,
    %swap3A_152 = arith.constant 1152 : index
    %swap3A_153 = tpu.vector_load %arg5[%swap3A_152] {strides = array<i32>} : memref<4096xf32, #tpu.memory_space<vmem>>, vector<16xf32>,
    tpu.vector_store %arg5[%swap3A_152], %broadcast_in_dim3A_5 {strides = array<i32>} : memref<4096xf32, #tpu.memory_space<vmem>>, vector<16xf32>,
    %swap3A_154 = arith.constant 1168 : index
    %swap3A_155 = tpu.vector_load %arg5[%swap3A_154] {strides = array<i32>} : memref<4096xf32, #tpu.memory_space<vmem>>, vector<16xf32>,
    tpu.vector_store %arg5[%swap3A_154], %broadcast_in_dim3A_5 {strides = array<i32>} : memref<4096xf32, #tpu.memory_space<vmem>>, vector<16xf32>,
    %swap3A_156 = arith.constant 1184 : index
    %swap3A_157 = tpu.vector_load %arg5[%swap3A_156] {strides = array<i32>} : memref<4096xf32, #tpu.memory_space<vmem>>, vector<16xf32>,
    tpu.vector_store %arg5[%swap3A_156], %broadcast_in_dim3A_5 {strides = array<i32>} : memref<4096xf32, #tpu.memory_space<vmem>>, vector<16xf32>,
    %swap3A_158 = arith.constant 1200 : index
    %swap3A_159 = tpu.vector_load %arg5[%swap3A_158] {strides = array<i32>} : memref<4096xf32, #tpu.memory_space<vmem>>, vector<16xf32>,
    tpu.vector_store %arg5[%swap3A_158], %broadcast_in_dim3A_5 {strides = array<i32>} : memref<4096xf32, #tpu.memory_space<vmem>>, vector<16xf32>,
    %swap3A_160 = arith.constant 1216 : index
    %swap3A_161 = tpu.vector_load %arg5[%swap3A_160] {strides = array<i32>} : memref<4096xf32, #tpu.memory_space<vmem>>, vector<16xf32>,
    tpu.vector_store %arg5[%swap3A_160], %broadcast_in_dim3A_5 {strides = array<i32>} : memref<4096xf32, #tpu.memory_space<vmem>>, vector<16xf32>,
    %swap3A_162 = arith.constant 1232 : index
    %swap3A_163 = tpu.vector_load %arg5[%swap3A_162] {strides = array<i32>} : memref<4096xf32, #tpu.memory_space<vmem>>, vector<16xf32>,
    tpu.vector_store %arg5[%swap3A_162], %broadcast_in_dim3A_5 {strides = array<i32>} : memref<4096xf32, #tpu.memory_space<vmem>>, vector<16xf32>,
    %swap3A_164 = arith.constant 1248 : index
    %swap3A_165 = tpu.vector_load %arg5[%swap3A_164] {strides = array<i32>} : memref<4096xf32, #tpu.memory_space<vmem>>, vector<16xf32>,
    tpu.vector_store %arg5[%swap3A_164], %broadcast_in_dim3A_5 {strides = array<i32>} : memref<4096xf32, #tpu.memory_space<vmem>>, vector<16xf32>,
    %swap3A_166 = arith.constant 1264 : index
    %swap3A_167 = tpu.vector_load %arg5[%swap3A_166] {strides = array<i32>} : memref<4096xf32, #tpu.memory_space<vmem>>, vector<16xf32>,
    tpu.vector_store %arg5[%swap3A_166], %broadcast_in_dim3A_5 {strides = array<i32>} : memref<4096xf32, #tpu.memory_space<vmem>>, vector<16xf32>,
    %swap3A_168 = arith.constant 1280 : index
    %swap3A_169 = tpu.vector_load %arg5[%swap3A_168] {strides = array<i32>} : memref<4096xf32, #tpu.memory_space<vmem>>, vector<16xf32>,
    tpu.vector_store %arg5[%swap3A_168], %broadcast_in_dim3A_5 {strides = array<i32>} : memref<4096xf32, #tpu.memory_space<vmem>>, vector<16xf32>,
    %swap3A_170 = arith.constant 1296 : index
    %swap3A_171 = tpu.vector_load %arg5[%swap3A_170] {strides = array<i32>} : memref<4096xf32, #tpu.memory_space<vmem>>, vector<16xf32>,
    tpu.vector_store %arg5[%swap3A_170], %broadcast_in_dim3A_5 {strides = array<i32>} : memref<4096xf32, #tpu.memory_space<vmem>>, vector<16xf32>,
    %swap3A_172 = arith.constant 1312 : index
    %swap3A_173 = tpu.vector_load %arg5[%swap3A_172] {strides = array<i32>} : memref<4096xf32, #tpu.memory_space<vmem>>, vector<16xf32>,
    tpu.vector_store %arg5[%swap3A_172], %broadcast_in_dim3A_5 {strides = array<i32>} : memref<4096xf32, #tpu.memory_space<vmem>>, vector<16xf32>,
    %swap3A_174 = arith.constant 1328 : index
    %swap3A_175 = tpu.vector_load %arg5[%swap3A_174] {strides = array<i32>} : memref<4096xf32, #tpu.memory_space<vmem>>, vector<16xf32>,
    tpu.vector_store %arg5[%swap3A_174], %broadcast_in_dim3A_5 {strides = array<i32>} : memref<4096xf32, #tpu.memory_space<vmem>>, vector<16xf32>,
    %swap3A_176 = arith.constant 1344 : index
    %swap3A_177 = tpu.vector_load %arg5[%swap3A_176] {strides = array<i32>} : memref<4096xf32, #tpu.memory_space<vmem>>, vector<16xf32>,
    tpu.vector_store %arg5[%swap3A_176], %broadcast_in_dim3A_5 {strides = array<i32>} : memref<4096xf32, #tpu.memory_space<vmem>>, vector<16xf32>,
    %swap3A_178 = arith.constant 1360 : index
    %swap3A_179 = tpu.vector_load %arg5[%swap3A_178] {strides = array<i32>} : memref<4096xf32, #tpu.memory_space<vmem>>, vector<16xf32>,
    tpu.vector_store %arg5[%swap3A_178], %broadcast_in_dim3A_5 {strides = array<i32>} : memref<4096xf32, #tpu.memory_space<vmem>>, vector<16xf32>,
    %swap3A_180 = arith.constant 1376 : index
    %swap3A_181 = tpu.vector_load %arg5[%swap3A_180] {strides = array<i32>} : memref<4096xf32, #tpu.memory_space<vmem>>, vector<16xf32>,
    tpu.vector_store %arg5[%swap3A_180], %broadcast_in_dim3A_5 {strides = array<i32>} : memref<4096xf32, #tpu.memory_space<vmem>>, vector<16xf32>,
    %swap3A_182 = arith.constant 1392 : index
    %swap3A_183 = tpu.vector_load %arg5[%swap3A_182] {strides = array<i32>} : memref<4096xf32, #tpu.memory_space<vmem>>, vector<16xf32>,
    tpu.vector_store %arg5[%swap3A_182], %broadcast_in_dim3A_5 {strides = array<i32>} : memref<4096xf32, #tpu.memory_space<vmem>>, vector<16xf32>,
    %swap3A_184 = arith.constant 1408 : index
    %swap3A_185 = tpu.vector_load %arg5[%swap3A_184] {strides = array<i32>} : memref<4096xf32, #tpu.memory_space<vmem>>, vector<16xf32>,
    tpu.vector_store %arg5[%swap3A_184], %broadcast_in_dim3A_5 {strides = array<i32>} : memref<4096xf32, #tpu.memory_space<vmem>>, vector<16xf32>,
    %swap3A_186 = arith.constant 1424 : index
    %swap3A_187 = tpu.vector_load %arg5[%swap3A_186] {strides = array<i32>} : memref<4096xf32, #tpu.memory_space<vmem>>, vector<16xf32>,
    tpu.vector_store %arg5[%swap3A_186], %broadcast_in_dim3A_5 {strides = array<i32>} : memref<4096xf32, #tpu.memory_space<vmem>>, vector<16xf32>,
    %swap3A_188 = arith.constant 1440 : index
    %swap3A_189 = tpu.vector_load %arg5[%swap3A_188] {strides = array<i32>} : memref<4096xf32, #tpu.memory_space<vmem>>, vector<16xf32>,
    tpu.vector_store %arg5[%swap3A_188], %broadcast_in_dim3A_5 {strides = array<i32>} : memref<4096xf32, #tpu.memory_space<vmem>>, vector<16xf32>,
    %swap3A_190 = arith.constant 1456 : index
    %swap3A_191 = tpu.vector_load %arg5[%swap3A_190] {strides = array<i32>} : memref<4096xf32, #tpu.memory_space<vmem>>, vector<16xf32>,
    tpu.vector_store %arg5[%swap3A_190], %broadcast_in_dim3A_5 {strides = array<i32>} : memref<4096xf32, #tpu.memory_space<vmem>>, vector<16xf32>,
    %swap3A_192 = arith.constant 1472 : index
    %swap3A_193 = tpu.vector_load %arg5[%swap3A_192] {strides = array<i32>} : memref<4096xf32, #tpu.memory_space<vmem>>, vector<16xf32>,
    tpu.vector_store %arg5[%swap3A_192], %broadcast_in_dim3A_5 {strides = array<i32>} : memref<4096xf32, #tpu.memory_space<vmem>>, vector<16xf32>,
    %swap3A_194 = arith.constant 1488 : index
    %swap3A_195 = tpu.vector_load %arg5[%swap3A_194] {strides = array<i32>} : memref<4096xf32, #tpu.memory_space<vmem>>, vector<16xf32>,
    tpu.vector_store %arg5[%swap3A_194], %broadcast_in_dim3A_5 {strides = array<i32>} : memref<4096xf32, #tpu.memory_space<vmem>>, vector<16xf32>,
    %swap3A_196 = arith.constant 1504 : index
    %swap3A_197 = tpu.vector_load %arg5[%swap3A_196] {strides = array<i32>} : memref<4096xf32, #tpu.memory_space<vmem>>, vector<16xf32>,
    tpu.vector_store %arg5[%swap3A_196], %broadcast_in_dim3A_5 {strides = array<i32>} : memref<4096xf32, #tpu.memory_space<vmem>>, vector<16xf32>,
    %swap3A_198 = arith.constant 1520 : index
    %swap3A_199 = tpu.vector_load %arg5[%swap3A_198] {strides = array<i32>} : memref<4096xf32, #tpu.memory_space<vmem>>, vector<16xf32>,
    tpu.vector_store %arg5[%swap3A_198], %broadcast_in_dim3A_5 {strides = array<i32>} : memref<4096xf32, #tpu.memory_space<vmem>>, vector<16xf32>,
    %swap3A_200 = arith.constant 1536 : index
    %swap3A_201 = tpu.vector_load %arg5[%swap3A_200] {strides = array<i32>} : memref<4096xf32, #tpu.memory_space<vmem>>, vector<16xf32>,
    tpu.vector_store %arg5[%swap3A_200], %broadcast_in_dim3A_5 {strides = array<i32>} : memref<4096xf32, #tpu.memory_space<vmem>>, vector<16xf32>,
    %swap3A_202 = arith.constant 1552 : index
    %swap3A_203 = tpu.vector_load %arg5[%swap3A_202] {strides = array<i32>} : memref<4096xf32, #tpu.memory_space<vmem>>, vector<16xf32>,
    tpu.vector_store %arg5[%swap3A_202], %broadcast_in_dim3A_5 {strides = array<i32>} : memref<4096xf32, #tpu.memory_space<vmem>>, vector<16xf32>,
    %swap3A_204 = arith.constant 1568 : index
    %swap3A_205 = tpu.vector_load %arg5[%swap3A_204] {strides = array<i32>} : memref<4096xf32, #tpu.memory_space<vmem>>, vector<16xf32>,
    tpu.vector_store %arg5[%swap3A_204], %broadcast_in_dim3A_5 {strides = array<i32>} : memref<4096xf32, #tpu.memory_space<vmem>>, vector<16xf32>,
    %swap3A_206 = arith.constant 1584 : index
    %swap3A_207 = tpu.vector_load %arg5[%swap3A_206] {strides = array<i32>} : memref<4096xf32, #tpu.memory_space<vmem>>, vector<16xf32>,
    tpu.vector_store %arg5[%swap3A_206], %broadcast_in_dim3A_5 {strides = array<i32>} : memref<4096xf32, #tpu.memory_space<vmem>>, vector<16xf32>,
    %swap3A_208 = arith.constant 1600 : index
    %swap3A_209 = tpu.vector_load %arg5[%swap3A_208] {strides = array<i32>} : memref<4096xf32, #tpu.memory_space<vmem>>, vector<16xf32>,
    tpu.vector_store %arg5[%swap3A_208], %broadcast_in_dim3A_5 {strides = array<i32>} : memref<4096xf32, #tpu.memory_space<vmem>>, vector<16xf32>,
    %swap3A_210 = arith.constant 1616 : index
    %swap3A_211 = tpu.vector_load %arg5[%swap3A_210] {strides = array<i32>} : memref<4096xf32, #tpu.memory_space<vmem>>, vector<16xf32>,
    tpu.vector_store %arg5[%swap3A_210], %broadcast_in_dim3A_5 {strides = array<i32>} : memref<4096xf32, #tpu.memory_space<vmem>>, vector<16xf32>,
    %swap3A_212 = arith.constant 1632 : index
    %swap3A_213 = tpu.vector_load %arg5[%swap3A_212] {strides = array<i32>} : memref<4096xf32, #tpu.memory_space<vmem>>, vector<16xf32>,
    tpu.vector_store %arg5[%swap3A_212], %broadcast_in_dim3A_5 {strides = array<i32>} : memref<4096xf32, #tpu.memory_space<vmem>>, vector<16xf32>,
    %swap3A_214 = arith.constant 1648 : index
    %swap3A_215 = tpu.vector_load %arg5[%swap3A_214] {strides = array<i32>} : memref<4096xf32, #tpu.memory_space<vmem>>, vector<16xf32>,
    tpu.vector_store %arg5[%swap3A_214], %broadcast_in_dim3A_5 {strides = array<i32>} : memref<4096xf32, #tpu.memory_space<vmem>>, vector<16xf32>,
    %swap3A_216 = arith.constant 1664 : index
    %swap3A_217 = tpu.vector_load %arg5[%swap3A_216] {strides = array<i32>} : memref<4096xf32, #tpu.memory_space<vmem>>, vector<16xf32>,
    tpu.vector_store %arg5[%swap3A_216], %broadcast_in_dim3A_5 {strides = array<i32>} : memref<4096xf32, #tpu.memory_space<vmem>>, vector<16xf32>,
    %swap3A_218 = arith.constant 1680 : index
    %swap3A_219 = tpu.vector_load %arg5[%swap3A_218] {strides = array<i32>} : memref<4096xf32, #tpu.memory_space<vmem>>, vector<16xf32>,
    tpu.vector_store %arg5[%swap3A_218], %broadcast_in_dim3A_5 {strides = array<i32>} : memref<4096xf32, #tpu.memory_space<vmem>>, vector<16xf32>,
    %swap3A_220 = arith.constant 1696 : index
    %swap3A_221 = tpu.vector_load %arg5[%swap3A_220] {strides = array<i32>} : memref<4096xf32, #tpu.memory_space<vmem>>, vector<16xf32>,
    tpu.vector_store %arg5[%swap3A_220], %broadcast_in_dim3A_5 {strides = array<i32>} : memref<4096xf32, #tpu.memory_space<vmem>>, vector<16xf32>,
    %swap3A_222 = arith.constant 1712 : index
    %swap3A_223 = tpu.vector_load %arg5[%swap3A_222] {strides = array<i32>} : memref<4096xf32, #tpu.memory_space<vmem>>, vector<16xf32>,
    tpu.vector_store %arg5[%swap3A_222], %broadcast_in_dim3A_5 {strides = array<i32>} : memref<4096xf32, #tpu.memory_space<vmem>>, vector<16xf32>,
    %swap3A_224 = arith.constant 1728 : index
    %swap3A_225 = tpu.vector_load %arg5[%swap3A_224] {strides = array<i32>} : memref<4096xf32, #tpu.memory_space<vmem>>, vector<16xf32>,
    tpu.vector_store %arg5[%swap3A_224], %broadcast_in_dim3A_5 {strides = array<i32>} : memref<4096xf32, #tpu.memory_space<vmem>>, vector<16xf32>,
    %swap3A_226 = arith.constant 1744 : index
    %swap3A_227 = tpu.vector_load %arg5[%swap3A_226] {strides = array<i32>} : memref<4096xf32, #tpu.memory_space<vmem>>, vector<16xf32>,
    tpu.vector_store %arg5[%swap3A_226], %broadcast_in_dim3A_5 {strides = array<i32>} : memref<4096xf32, #tpu.memory_space<vmem>>, vector<16xf32>,
    %swap3A_228 = arith.constant 1760 : index
    %swap3A_229 = tpu.vector_load %arg5[%swap3A_228] {strides = array<i32>} : memref<4096xf32, #tpu.memory_space<vmem>>, vector<16xf32>,
    tpu.vector_store %arg5[%swap3A_228], %broadcast_in_dim3A_5 {strides = array<i32>} : memref<4096xf32, #tpu.memory_space<vmem>>, vector<16xf32>,
    %swap3A_230 = arith.constant 1776 : index
    %swap3A_231 = tpu.vector_load %arg5[%swap3A_230] {strides = array<i32>} : memref<4096xf32, #tpu.memory_space<vmem>>, vector<16xf32>,
    tpu.vector_store %arg5[%swap3A_230], %broadcast_in_dim3A_5 {strides = array<i32>} : memref<4096xf32, #tpu.memory_space<vmem>>, vector<16xf32>,
    %swap3A_232 = arith.constant 1792 : index
    %swap3A_233 = tpu.vector_load %arg5[%swap3A_232] {strides = array<i32>} : memref<4096xf32, #tpu.memory_space<vmem>>, vector<16xf32>,
    tpu.vector_store %arg5[%swap3A_232], %broadcast_in_dim3A_5 {strides = array<i32>} : memref<4096xf32, #tpu.memory_space<vmem>>, vector<16xf32>,
    %swap3A_234 = arith.constant 1808 : index
    %swap3A_235 = tpu.vector_load %arg5[%swap3A_234] {strides = array<i32>} : memref<4096xf32, #tpu.memory_space<vmem>>, vector<16xf32>,
    tpu.vector_store %arg5[%swap3A_234], %broadcast_in_dim3A_5 {strides = array<i32>} : memref<4096xf32, #tpu.memory_space<vmem>>, vector<16xf32>,
    %swap3A_236 = arith.constant 1824 : index
    %swap3A_237 = tpu.vector_load %arg5[%swap3A_236] {strides = array<i32>} : memref<4096xf32, #tpu.memory_space<vmem>>, vector<16xf32>,
    tpu.vector_store %arg5[%swap3A_236], %broadcast_in_dim3A_5 {strides = array<i32>} : memref<4096xf32, #tpu.memory_space<vmem>>, vector<16xf32>,
    %swap3A_238 = arith.constant 1840 : index
    %swap3A_239 = tpu.vector_load %arg5[%swap3A_238] {strides = array<i32>} : memref<4096xf32, #tpu.memory_space<vmem>>, vector<16xf32>,
    tpu.vector_store %arg5[%swap3A_238], %broadcast_in_dim3A_5 {strides = array<i32>} : memref<4096xf32, #tpu.memory_space<vmem>>, vector<16xf32>,
    %swap3A_240 = arith.constant 1856 : index
    %swap3A_241 = tpu.vector_load %arg5[%swap3A_240] {strides = array<i32>} : memref<4096xf32, #tpu.memory_space<vmem>>, vector<16xf32>,
    tpu.vector_store %arg5[%swap3A_240], %broadcast_in_dim3A_5 {strides = array<i32>} : memref<4096xf32, #tpu.memory_space<vmem>>, vector<16xf32>,
    %swap3A_242 = arith.constant 1872 : index
    %swap3A_243 = tpu.vector_load %arg5[%swap3A_242] {strides = array<i32>} : memref<4096xf32, #tpu.memory_space<vmem>>, vector<16xf32>,
    tpu.vector_store %arg5[%swap3A_242], %broadcast_in_dim3A_5 {strides = array<i32>} : memref<4096xf32, #tpu.memory_space<vmem>>, vector<16xf32>,
    %swap3A_244 = arith.constant 1888 : index
    %swap3A_245 = tpu.vector_load %arg5[%swap3A_244] {strides = array<i32>} : memref<4096xf32, #tpu.memory_space<vmem>>, vector<16xf32>,
    tpu.vector_store %arg5[%swap3A_244], %broadcast_in_dim3A_5 {strides = array<i32>} : memref<4096xf32, #tpu.memory_space<vmem>>, vector<16xf32>,
    %swap3A_246 = arith.constant 1904 : index
    %swap3A_247 = tpu.vector_load %arg5[%swap3A_246] {strides = array<i32>} : memref<4096xf32, #tpu.memory_space<vmem>>, vector<16xf32>,
    tpu.vector_store %arg5[%swap3A_246], %broadcast_in_dim3A_5 {strides = array<i32>} : memref<4096xf32, #tpu.memory_space<vmem>>, vector<16xf32>,
    %swap3A_248 = arith.constant 1920 : index
    %swap3A_249 = tpu.vector_load %arg5[%swap3A_248] {strides = array<i32>} : memref<4096xf32, #tpu.memory_space<vmem>>, vector<16xf32>,
    tpu.vector_store %arg5[%swap3A_248], %broadcast_in_dim3A_5 {strides = array<i32>} : memref<4096xf32, #tpu.memory_space<vmem>>, vector<16xf32>,
    %swap3A_250 = arith.constant 1936 : index
    %swap3A_251 = tpu.vector_load %arg5[%swap3A_250] {strides = array<i32>} : memref<4096xf32, #tpu.memory_space<vmem>>, vector<16xf32>,
    tpu.vector_store %arg5[%swap3A_250], %broadcast_in_dim3A_5 {strides = array<i32>} : memref<4096xf32, #tpu.memory_space<vmem>>, vector<16xf32>,
    %swap3A_252 = arith.constant 1952 : index
    %swap3A_253 = tpu.vector_load %arg5[%swap3A_252] {strides = array<i32>} : memref<4096xf32, #tpu.memory_space<vmem>>, vector<16xf32>,
    tpu.vector_store %arg5[%swap3A_252], %broadcast_in_dim3A_5 {strides = array<i32>} : memref<4096xf32, #tpu.memory_space<vmem>>, vector<16xf32>,
    %swap3A_254 = arith.constant 1968 : index
    %swap3A_255 = tpu.vector_load %arg5[%swap3A_254] {strides = array<i32>} : memref<4096xf32, #tpu.memory_space<vmem>>, vector<16xf32>,
    tpu.vector_store %arg5[%swap3A_254], %broadcast_in_dim3A_5 {strides = array<i32>} : memref<4096xf32, #tpu.memory_space<vmem>>, vector<16xf32>,
    %swap3A_256 = arith.constant 1984 : index
    %swap3A_257 = tpu.vector_load %arg5[%swap3A_256] {strides = array<i32>} : memref<4096xf32, #tpu.memory_space<vmem>>, vector<16xf32>,
    tpu.vector_store %arg5[%swap3A_256], %broadcast_in_dim3A_5 {strides = array<i32>} : memref<4096xf32, #tpu.memory_space<vmem>>, vector<16xf32>,
    %swap3A_258 = arith.constant 2000 : index
    %swap3A_259 = tpu.vector_load %arg5[%swap3A_258] {strides = array<i32>} : memref<4096xf32, #tpu.memory_space<vmem>>, vector<16xf32>,
    tpu.vector_store %arg5[%swap3A_258], %broadcast_in_dim3A_5 {strides = array<i32>} : memref<4096xf32, #tpu.memory_space<vmem>>, vector<16xf32>,
    %swap3A_260 = arith.constant 2016 : index
    %swap3A_261 = tpu.vector_load %arg5[%swap3A_260] {strides = array<i32>} : memref<4096xf32, #tpu.memory_space<vmem>>, vector<16xf32>,
    tpu.vector_store %arg5[%swap3A_260], %broadcast_in_dim3A_5 {strides = array<i32>} : memref<4096xf32, #tpu.memory_space<vmem>>, vector<16xf32>,
    %swap3A_262 = arith.constant 2032 : index
    %swap3A_263 = tpu.vector_load %arg5[%swap3A_262] {strides = array<i32>} : memref<4096xf32, #tpu.memory_space<vmem>>, vector<16xf32>,
    tpu.vector_store %arg5[%swap3A_262], %broadcast_in_dim3A_5 {strides = array<i32>} : memref<4096xf32, #tpu.memory_space<vmem>>, vector<16xf32>,
    %swap3A_264 = arith.constant 2048 : index
    %swap3A_265 = tpu.vector_load %arg5[%swap3A_264] {strides = array<i32>} : memref<4096xf32, #tpu.memory_space<vmem>>, vector<16xf32>,
    tpu.vector_store %arg5[%swap3A_264], %broadcast_in_dim3A_5 {strides = array<i32>} : memref<4096xf32, #tpu.memory_space<vmem>>, vector<16xf32>,
    %swap3A_266 = arith.constant 2064 : index
    %swap3A_267 = tpu.vector_load %arg5[%swap3A_266] {strides = array<i32>} : memref<4096xf32, #tpu.memory_space<vmem>>, vector<16xf32>,
    tpu.vector_store %arg5[%swap3A_266], %broadcast_in_dim3A_5 {strides = array<i32>} : memref<4096xf32, #tpu.memory_space<vmem>>, vector<16xf32>,
    %swap3A_268 = arith.constant 2080 : index
    %swap3A_269 = tpu.vector_load %arg5[%swap3A_268] {strides = array<i32>} : memref<4096xf32, #tpu.memory_space<vmem>>, vector<16xf32>,
    tpu.vector_store %arg5[%swap3A_268], %broadcast_in_dim3A_5 {strides = array<i32>} : memref<4096xf32, #tpu.memory_space<vmem>>, vector<16xf32>,
    %swap3A_270 = arith.constant 2096 : index
    %swap3A_271 = tpu.vector_load %arg5[%swap3A_270] {strides = array<i32>} : memref<4096xf32, #tpu.memory_space<vmem>>, vector<16xf32>,
    tpu.vector_store %arg5[%swap3A_270], %broadcast_in_dim3A_5 {strides = array<i32>} : memref<4096xf32, #tpu.memory_space<vmem>>, vector<16xf32>,
    %swap3A_272 = arith.constant 2112 : index
    %swap3A_273 = tpu.vector_load %arg5[%swap3A_272] {strides = array<i32>} : memref<4096xf32, #tpu.memory_space<vmem>>, vector<16xf32>,
    tpu.vector_store %arg5[%swap3A_272], %broadcast_in_dim3A_5 {strides = array<i32>} : memref<4096xf32, #tpu.memory_space<vmem>>, vector<16xf32>,
    %swap3A_274 = arith.constant 2128 : index
    %swap3A_275 = tpu.vector_load %arg5[%swap3A_274] {strides = array<i32>} : memref<4096xf32, #tpu.memory_space<vmem>>, vector<16xf32>,
    tpu.vector_store %arg5[%swap3A_274], %broadcast_in_dim3A_5 {strides = array<i32>} : memref<4096xf32, #tpu.memory_space<vmem>>, vector<16xf32>,
    %swap3A_276 = arith.constant 2144 : index
    %swap3A_277 = tpu.vector_load %arg5[%swap3A_276] {strides = array<i32>} : memref<4096xf32, #tpu.memory_space<vmem>>, vector<16xf32>,
    tpu.vector_store %arg5[%swap3A_276], %broadcast_in_dim3A_5 {strides = array<i32>} : memref<4096xf32, #tpu.memory_space<vmem>>, vector<16xf32>,
    %swap3A_278 = arith.constant 2160 : index
    %swap3A_279 = tpu.vector_load %arg5[%swap3A_278] {strides = array<i32>} : memref<4096xf32, #tpu.memory_space<vmem>>, vector<16xf32>,
    tpu.vector_store %arg5[%swap3A_278], %broadcast_in_dim3A_5 {strides = array<i32>} : memref<4096xf32, #tpu.memory_space<vmem>>, vector<16xf32>,
    %swap3A_280 = arith.constant 2176 : index
    %swap3A_281 = tpu.vector_load %arg5[%swap3A_280] {strides = array<i32>} : memref<4096xf32, #tpu.memory_space<vmem>>, vector<16xf32>,
    tpu.vector_store %arg5[%swap3A_280], %broadcast_in_dim3A_5 {strides = array<i32>} : memref<4096xf32, #tpu.memory_space<vmem>>, vector<16xf32>,
    %swap3A_282 = arith.constant 2192 : index
    %swap3A_283 = tpu.vector_load %arg5[%swap3A_282] {strides = array<i32>} : memref<4096xf32, #tpu.memory_space<vmem>>, vector<16xf32>,
    tpu.vector_store %arg5[%swap3A_282], %broadcast_in_dim3A_5 {strides = array<i32>} : memref<4096xf32, #tpu.memory_space<vmem>>, vector<16xf32>,
    %swap3A_284 = arith.constant 2208 : index
    %swap3A_285 = tpu.vector_load %arg5[%swap3A_284] {strides = array<i32>} : memref<4096xf32, #tpu.memory_space<vmem>>, vector<16xf32>,
    tpu.vector_store %arg5[%swap3A_284], %broadcast_in_dim3A_5 {strides = array<i32>} : memref<4096xf32, #tpu.memory_space<vmem>>, vector<16xf32>,
    %swap3A_286 = arith.constant 2224 : index
    %swap3A_287 = tpu.vector_load %arg5[%swap3A_286] {strides = array<i32>} : memref<4096xf32, #tpu.memory_space<vmem>>, vector<16xf32>,
    tpu.vector_store %arg5[%swap3A_286], %broadcast_in_dim3A_5 {strides = array<i32>} : memref<4096xf32, #tpu.memory_space<vmem>>, vector<16xf32>,
    %swap3A_288 = arith.constant 2240 : index
    %swap3A_289 = tpu.vector_load %arg5[%swap3A_288] {strides = array<i32>} : memref<4096xf32, #tpu.memory_space<vmem>>, vector<16xf32>,
    tpu.vector_store %arg5[%swap3A_288], %broadcast_in_dim3A_5 {strides = array<i32>} : memref<4096xf32, #tpu.memory_space<vmem>>, vector<16xf32>,
    %swap3A_290 = arith.constant 2256 : index
    %swap3A_291 = tpu.vector_load %arg5[%swap3A_290] {strides = array<i32>} : memref<4096xf32, #tpu.memory_space<vmem>>, vector<16xf32>,
    tpu.vector_store %arg5[%swap3A_290], %broadcast_in_dim3A_5 {strides = array<i32>} : memref<4096xf32, #tpu.memory_space<vmem>>, vector<16xf32>,
    %swap3A_292 = arith.constant 2272 : index
    %swap3A_293 = tpu.vector_load %arg5[%swap3A_292] {strides = array<i32>} : memref<4096xf32, #tpu.memory_space<vmem>>, vector<16xf32>,
    tpu.vector_store %arg5[%swap3A_292], %broadcast_in_dim3A_5 {strides = array<i32>} : memref<4096xf32, #tpu.memory_space<vmem>>, vector<16xf32>,
    %swap3A_294 = arith.constant 2288 : index
    %swap3A_295 = tpu.vector_load %arg5[%swap3A_294] {strides = array<i32>} : memref<4096xf32, #tpu.memory_space<vmem>>, vector<16xf32>,
    tpu.vector_store %arg5[%swap3A_294], %broadcast_in_dim3A_5 {strides = array<i32>} : memref<4096xf32, #tpu.memory_space<vmem>>, vector<16xf32>,
    %swap3A_296 = arith.constant 2304 : index
    %swap3A_297 = tpu.vector_load %arg5[%swap3A_296] {strides = array<i32>} : memref<4096xf32, #tpu.memory_space<vmem>>, vector<16xf32>,
    tpu.vector_store %arg5[%swap3A_296], %broadcast_in_dim3A_5 {strides = array<i32>} : memref<4096xf32, #tpu.memory_space<vmem>>, vector<16xf32>,
    %swap3A_298 = arith.constant 2320 : index
    %swap3A_299 = tpu.vector_load %arg5[%swap3A_298] {strides = array<i32>} : memref<4096xf32, #tpu.memory_space<vmem>>, vector<16xf32>,
    tpu.vector_store %arg5[%swap3A_298], %broadcast_in_dim3A_5 {strides = array<i32>} : memref<4096xf32, #tpu.memory_space<vmem>>, vector<16xf32>,
    %swap3A_300 = arith.constant 2336 : index
    %swap3A_301 = tpu.vector_load %arg5[%swap3A_300] {strides = array<i32>} : memref<4096xf32, #tpu.memory_space<vmem>>, vector<16xf32>,
    tpu.vector_store %arg5[%swap3A_300], %broadcast_in_dim3A_5 {strides = array<i32>} : memref<4096xf32, #tpu.memory_space<vmem>>, vector<16xf32>,
    %swap3A_302 = arith.constant 2352 : index
    %swap3A_303 = tpu.vector_load %arg5[%swap3A_302] {strides = array<i32>} : memref<4096xf32, #tpu.memory_space<vmem>>, vector<16xf32>,
    tpu.vector_store %arg5[%swap3A_302], %broadcast_in_dim3A_5 {strides = array<i32>} : memref<4096xf32, #tpu.memory_space<vmem>>, vector<16xf32>,
    %swap3A_304 = arith.constant 2368 : index
    %swap3A_305 = tpu.vector_load %arg5[%swap3A_304] {strides = array<i32>} : memref<4096xf32, #tpu.memory_space<vmem>>, vector<16xf32>,
    tpu.vector_store %arg5[%swap3A_304], %broadcast_in_dim3A_5 {strides = array<i32>} : memref<4096xf32, #tpu.memory_space<vmem>>, vector<16xf32>,
    %swap3A_306 = arith.constant 2384 : index
    %swap3A_307 = tpu.vector_load %arg5[%swap3A_306] {strides = array<i32>} : memref<4096xf32, #tpu.memory_space<vmem>>, vector<16xf32>,
    tpu.vector_store %arg5[%swap3A_306], %broadcast_in_dim3A_5 {strides = array<i32>} : memref<4096xf32, #tpu.memory_space<vmem>>, vector<16xf32>,
    %swap3A_308 = arith.constant 2400 : index
    %swap3A_309 = tpu.vector_load %arg5[%swap3A_308] {strides = array<i32>} : memref<4096xf32, #tpu.memory_space<vmem>>, vector<16xf32>,
    tpu.vector_store %arg5[%swap3A_308], %broadcast_in_dim3A_5 {strides = array<i32>} : memref<4096xf32, #tpu.memory_space<vmem>>, vector<16xf32>,
    %swap3A_310 = arith.constant 2416 : index
    %swap3A_311 = tpu.vector_load %arg5[%swap3A_310] {strides = array<i32>} : memref<4096xf32, #tpu.memory_space<vmem>>, vector<16xf32>,
    tpu.vector_store %arg5[%swap3A_310], %broadcast_in_dim3A_5 {strides = array<i32>} : memref<4096xf32, #tpu.memory_space<vmem>>, vector<16xf32>,
    %swap3A_312 = arith.constant 2432 : index
    %swap3A_313 = tpu.vector_load %arg5[%swap3A_312] {strides = array<i32>} : memref<4096xf32, #tpu.memory_space<vmem>>, vector<16xf32>,
    tpu.vector_store %arg5[%swap3A_312], %broadcast_in_dim3A_5 {strides = array<i32>} : memref<4096xf32, #tpu.memory_space<vmem>>, vector<16xf32>,
    %swap3A_314 = arith.constant 2448 : index
    %swap3A_315 = tpu.vector_load %arg5[%swap3A_314] {strides = array<i32>} : memref<4096xf32, #tpu.memory_space<vmem>>, vector<16xf32>,
    tpu.vector_store %arg5[%swap3A_314], %broadcast_in_dim3A_5 {strides = array<i32>} : memref<4096xf32, #tpu.memory_space<vmem>>, vector<16xf32>,
    %swap3A_316 = arith.constant 2464 : index
    %swap3A_317 = tpu.vector_load %arg5[%swap3A_316] {strides = array<i32>} : memref<4096xf32, #tpu.memory_space<vmem>>, vector<16xf32>,
    tpu.vector_store %arg5[%swap3A_316], %broadcast_in_dim3A_5 {strides = array<i32>} : memref<4096xf32, #tpu.memory_space<vmem>>, vector<16xf32>,
    %swap3A_318 = arith.constant 2480 : index
    %swap3A_319 = tpu.vector_load %arg5[%swap3A_318] {strides = array<i32>} : memref<4096xf32, #tpu.memory_space<vmem>>, vector<16xf32>,
    tpu.vector_store %arg5[%swap3A_318], %broadcast_in_dim3A_5 {strides = array<i32>} : memref<4096xf32, #tpu.memory_space<vmem>>, vector<16xf32>,
    %swap3A_320 = arith.constant 2496 : index
    %swap3A_321 = tpu.vector_load %arg5[%swap3A_320] {strides = array<i32>} : memref<4096xf32, #tpu.memory_space<vmem>>, vector<16xf32>,
    tpu.vector_store %arg5[%swap3A_320], %broadcast_in_dim3A_5 {strides = array<i32>} : memref<4096xf32, #tpu.memory_space<vmem>>, vector<16xf32>,
    %swap3A_322 = arith.constant 2512 : index
    %swap3A_323 = tpu.vector_load %arg5[%swap3A_322] {strides = array<i32>} : memref<4096xf32, #tpu.memory_space<vmem>>, vector<16xf32>,
    tpu.vector_store %arg5[%swap3A_322], %broadcast_in_dim3A_5 {strides = array<i32>} : memref<4096xf32, #tpu.memory_space<vmem>>, vector<16xf32>,
    %swap3A_324 = arith.constant 2528 : index
    %swap3A_325 = tpu.vector_load %arg5[%swap3A_324] {strides = array<i32>} : memref<4096xf32, #tpu.memory_space<vmem>>, vector<16xf32>,
    tpu.vector_store %arg5[%swap3A_324], %broadcast_in_dim3A_5 {strides = array<i32>} : memref<4096xf32, #tpu.memory_space<vmem>>, vector<16xf32>,
    %swap3A_326 = arith.constant 2544 : index
    %swap3A_327 = tpu.vector_load %arg5[%swap3A_326] {strides = array<i32>} : memref<4096xf32, #tpu.memory_space<vmem>>, vector<16xf32>,
    tpu.vector_store %arg5[%swap3A_326], %broadcast_in_dim3A_5 {strides = array<i32>} : memref<4096xf32, #tpu.memory_space<vmem>>, vector<16xf32>,
    %swap3A_328 = arith.constant 2560 : index
    %swap3A_329 = tpu.vector_load %arg5[%swap3A_328] {strides = array<i32>} : memref<4096xf32, #tpu.memory_space<vmem>>, vector<16xf32>,
    tpu.vector_store %arg5[%swap3A_328], %broadcast_in_dim3A_5 {strides = array<i32>} : memref<4096xf32, #tpu.memory_space<vmem>>, vector<16xf32>,
    %swap3A_330 = arith.constant 2576 : index
    %swap3A_331 = tpu.vector_load %arg5[%swap3A_330] {strides = array<i32>} : memref<4096xf32, #tpu.memory_space<vmem>>, vector<16xf32>,
    tpu.vector_store %arg5[%swap3A_330], %broadcast_in_dim3A_5 {strides = array<i32>} : memref<4096xf32, #tpu.memory_space<vmem>>, vector<16xf32>,
    %swap3A_332 = arith.constant 2592 : index
    %swap3A_333 = tpu.vector_load %arg5[%swap3A_332] {strides = array<i32>} : memref<4096xf32, #tpu.memory_space<vmem>>, vector<16xf32>,
    tpu.vector_store %arg5[%swap3A_332], %broadcast_in_dim3A_5 {strides = array<i32>} : memref<4096xf32, #tpu.memory_space<vmem>>, vector<16xf32>,
    %swap3A_334 = arith.constant 2608 : index
    %swap3A_335 = tpu.vector_load %arg5[%swap3A_334] {strides = array<i32>} : memref<4096xf32, #tpu.memory_space<vmem>>, vector<16xf32>,
    tpu.vector_store %arg5[%swap3A_334], %broadcast_in_dim3A_5 {strides = array<i32>} : memref<4096xf32, #tpu.memory_space<vmem>>, vector<16xf32>,
    %swap3A_336 = arith.constant 2624 : index
    %swap3A_337 = tpu.vector_load %arg5[%swap3A_336] {strides = array<i32>} : memref<4096xf32, #tpu.memory_space<vmem>>, vector<16xf32>,
    tpu.vector_store %arg5[%swap3A_336], %broadcast_in_dim3A_5 {strides = array<i32>} : memref<4096xf32, #tpu.memory_space<vmem>>, vector<16xf32>,
    %swap3A_338 = arith.constant 2640 : index
    %swap3A_339 = tpu.vector_load %arg5[%swap3A_338] {strides = array<i32>} : memref<4096xf32, #tpu.memory_space<vmem>>, vector<16xf32>,
    tpu.vector_store %arg5[%swap3A_338], %broadcast_in_dim3A_5 {strides = array<i32>} : memref<4096xf32, #tpu.memory_space<vmem>>, vector<16xf32>,
    %swap3A_340 = arith.constant 2656 : index
    %swap3A_341 = tpu.vector_load %arg5[%swap3A_340] {strides = array<i32>} : memref<4096xf32, #tpu.memory_space<vmem>>, vector<16xf32>,
    tpu.vector_store %arg5[%swap3A_340], %broadcast_in_dim3A_5 {strides = array<i32>} : memref<4096xf32, #tpu.memory_space<vmem>>, vector<16xf32>,
    %swap3A_342 = arith.constant 2672 : index
    %swap3A_343 = tpu.vector_load %arg5[%swap3A_342] {strides = array<i32>} : memref<4096xf32, #tpu.memory_space<vmem>>, vector<16xf32>,
    tpu.vector_store %arg5[%swap3A_342], %broadcast_in_dim3A_5 {strides = array<i32>} : memref<4096xf32, #tpu.memory_space<vmem>>, vector<16xf32>,
    %swap3A_344 = arith.constant 2688 : index
    %swap3A_345 = tpu.vector_load %arg5[%swap3A_344] {strides = array<i32>} : memref<4096xf32, #tpu.memory_space<vmem>>, vector<16xf32>,
    tpu.vector_store %arg5[%swap3A_344], %broadcast_in_dim3A_5 {strides = array<i32>} : memref<4096xf32, #tpu.memory_space<vmem>>, vector<16xf32>,
    %swap3A_346 = arith.constant 2704 : index
    %swap3A_347 = tpu.vector_load %arg5[%swap3A_346] {strides = array<i32>} : memref<4096xf32, #tpu.memory_space<vmem>>, vector<16xf32>,
    tpu.vector_store %arg5[%swap3A_346], %broadcast_in_dim3A_5 {strides = array<i32>} : memref<4096xf32, #tpu.memory_space<vmem>>, vector<16xf32>,
    %swap3A_348 = arith.constant 2720 : index
    %swap3A_349 = tpu.vector_load %arg5[%swap3A_348] {strides = array<i32>} : memref<4096xf32, #tpu.memory_space<vmem>>, vector<16xf32>,
    tpu.vector_store %arg5[%swap3A_348], %broadcast_in_dim3A_5 {strides = array<i32>} : memref<4096xf32, #tpu.memory_space<vmem>>, vector<16xf32>,
    %swap3A_350 = arith.constant 2736 : index
    %swap3A_351 = tpu.vector_load %arg5[%swap3A_350] {strides = array<i32>} : memref<4096xf32, #tpu.memory_space<vmem>>, vector<16xf32>,
    tpu.vector_store %arg5[%swap3A_350], %broadcast_in_dim3A_5 {strides = array<i32>} : memref<4096xf32, #tpu.memory_space<vmem>>, vector<16xf32>,
    %swap3A_352 = arith.constant 2752 : index
    %swap3A_353 = tpu.vector_load %arg5[%swap3A_352] {strides = array<i32>} : memref<4096xf32, #tpu.memory_space<vmem>>, vector<16xf32>,
    tpu.vector_store %arg5[%swap3A_352], %broadcast_in_dim3A_5 {strides = array<i32>} : memref<4096xf32, #tpu.memory_space<vmem>>, vector<16xf32>,
    %swap3A_354 = arith.constant 2768 : index
    %swap3A_355 = tpu.vector_load %arg5[%swap3A_354] {strides = array<i32>} : memref<4096xf32, #tpu.memory_space<vmem>>, vector<16xf32>,
    tpu.vector_store %arg5[%swap3A_354], %broadcast_in_dim3A_5 {strides = array<i32>} : memref<4096xf32, #tpu.memory_space<vmem>>, vector<16xf32>,
    %swap3A_356 = arith.constant 2784 : index
    %swap3A_357 = tpu.vector_load %arg5[%swap3A_356] {strides = array<i32>} : memref<4096xf32, #tpu.memory_space<vmem>>, vector<16xf32>,
    tpu.vector_store %arg5[%swap3A_356], %broadcast_in_dim3A_5 {strides = array<i32>} : memref<4096xf32, #tpu.memory_space<vmem>>, vector<16xf32>,
    %swap3A_358 = arith.constant 2800 : index
    %swap3A_359 = tpu.vector_load %arg5[%swap3A_358] {strides = array<i32>} : memref<4096xf32, #tpu.memory_space<vmem>>, vector<16xf32>,
    tpu.vector_store %arg5[%swap3A_358], %broadcast_in_dim3A_5 {strides = array<i32>} : memref<4096xf32, #tpu.memory_space<vmem>>, vector<16xf32>,
    %swap3A_360 = arith.constant 2816 : index
    %swap3A_361 = tpu.vector_load %arg5[%swap3A_360] {strides = array<i32>} : memref<4096xf32, #tpu.memory_space<vmem>>, vector<16xf32>,
    tpu.vector_store %arg5[%swap3A_360], %broadcast_in_dim3A_5 {strides = array<i32>} : memref<4096xf32, #tpu.memory_space<vmem>>, vector<16xf32>,
    %swap3A_362 = arith.constant 2832 : index
    %swap3A_363 = tpu.vector_load %arg5[%swap3A_362] {strides = array<i32>} : memref<4096xf32, #tpu.memory_space<vmem>>, vector<16xf32>,
    tpu.vector_store %arg5[%swap3A_362], %broadcast_in_dim3A_5 {strides = array<i32>} : memref<4096xf32, #tpu.memory_space<vmem>>, vector<16xf32>,
    %swap3A_364 = arith.constant 2848 : index
    %swap3A_365 = tpu.vector_load %arg5[%swap3A_364] {strides = array<i32>} : memref<4096xf32, #tpu.memory_space<vmem>>, vector<16xf32>,
    tpu.vector_store %arg5[%swap3A_364], %broadcast_in_dim3A_5 {strides = array<i32>} : memref<4096xf32, #tpu.memory_space<vmem>>, vector<16xf32>,
    %swap3A_366 = arith.constant 2864 : index
    %swap3A_367 = tpu.vector_load %arg5[%swap3A_366] {strides = array<i32>} : memref<4096xf32, #tpu.memory_space<vmem>>, vector<16xf32>,
    tpu.vector_store %arg5[%swap3A_366], %broadcast_in_dim3A_5 {strides = array<i32>} : memref<4096xf32, #tpu.memory_space<vmem>>, vector<16xf32>,
    %swap3A_368 = arith.constant 2880 : index
    %swap3A_369 = tpu.vector_load %arg5[%swap3A_368] {strides = array<i32>} : memref<4096xf32, #tpu.memory_space<vmem>>, vector<16xf32>,
    tpu.vector_store %arg5[%swap3A_368], %broadcast_in_dim3A_5 {strides = array<i32>} : memref<4096xf32, #tpu.memory_space<vmem>>, vector<16xf32>,
    %swap3A_370 = arith.constant 2896 : index
    %swap3A_371 = tpu.vector_load %arg5[%swap3A_370] {strides = array<i32>} : memref<4096xf32, #tpu.memory_space<vmem>>, vector<16xf32>,
    tpu.vector_store %arg5[%swap3A_370], %broadcast_in_dim3A_5 {strides = array<i32>} : memref<4096xf32, #tpu.memory_space<vmem>>, vector<16xf32>,
    %swap3A_372 = arith.constant 2912 : index
    %swap3A_373 = tpu.vector_load %arg5[%swap3A_372] {strides = array<i32>} : memref<4096xf32, #tpu.memory_space<vmem>>, vector<16xf32>,
    tpu.vector_store %arg5[%swap3A_372], %broadcast_in_dim3A_5 {strides = array<i32>} : memref<4096xf32, #tpu.memory_space<vmem>>, vector<16xf32>,
    %swap3A_374 = arith.constant 2928 : index
    %swap3A_375 = tpu.vector_load %arg5[%swap3A_374] {strides = array<i32>} : memref<4096xf32, #tpu.memory_space<vmem>>, vector<16xf32>,
    tpu.vector_store %arg5[%swap3A_374], %broadcast_in_dim3A_5 {strides = array<i32>} : memref<4096xf32, #tpu.memory_space<vmem>>, vector<16xf32>,
    %swap3A_376 = arith.constant 2944 : index
    %swap3A_377 = tpu.vector_load %arg5[%swap3A_376] {strides = array<i32>} : memref<4096xf32, #tpu.memory_space<vmem>>, vector<16xf32>,
    tpu.vector_store %arg5[%swap3A_376], %broadcast_in_dim3A_5 {strides = array<i32>} : memref<4096xf32, #tpu.memory_space<vmem>>, vector<16xf32>,
    %swap3A_378 = arith.constant 2960 : index
    %swap3A_379 = tpu.vector_load %arg5[%swap3A_378] {strides = array<i32>} : memref<4096xf32, #tpu.memory_space<vmem>>, vector<16xf32>,
    tpu.vector_store %arg5[%swap3A_378], %broadcast_in_dim3A_5 {strides = array<i32>} : memref<4096xf32, #tpu.memory_space<vmem>>, vector<16xf32>,
    %swap3A_380 = arith.constant 2976 : index
    %swap3A_381 = tpu.vector_load %arg5[%swap3A_380] {strides = array<i32>} : memref<4096xf32, #tpu.memory_space<vmem>>, vector<16xf32>,
    tpu.vector_store %arg5[%swap3A_380], %broadcast_in_dim3A_5 {strides = array<i32>} : memref<4096xf32, #tpu.memory_space<vmem>>, vector<16xf32>,
    %swap3A_382 = arith.constant 2992 : index
    %swap3A_383 = tpu.vector_load %arg5[%swap3A_382] {strides = array<i32>} : memref<4096xf32, #tpu.memory_space<vmem>>, vector<16xf32>,
    tpu.vector_store %arg5[%swap3A_382], %broadcast_in_dim3A_5 {strides = array<i32>} : memref<4096xf32, #tpu.memory_space<vmem>>, vector<16xf32>,
    %swap3A_384 = arith.constant 3008 : index
    %swap3A_385 = tpu.vector_load %arg5[%swap3A_384] {strides = array<i32>} : memref<4096xf32, #tpu.memory_space<vmem>>, vector<16xf32>,
    tpu.vector_store %arg5[%swap3A_384], %broadcast_in_dim3A_5 {strides = array<i32>} : memref<4096xf32, #tpu.memory_space<vmem>>, vector<16xf32>,
    %swap3A_386 = arith.constant 3024 : index
    %swap3A_387 = tpu.vector_load %arg5[%swap3A_386] {strides = array<i32>} : memref<4096xf32, #tpu.memory_space<vmem>>, vector<16xf32>,
    tpu.vector_store %arg5[%swap3A_386], %broadcast_in_dim3A_5 {strides = array<i32>} : memref<4096xf32, #tpu.memory_space<vmem>>, vector<16xf32>,
    %swap3A_388 = arith.constant 3040 : index
    %swap3A_389 = tpu.vector_load %arg5[%swap3A_388] {strides = array<i32>} : memref<4096xf32, #tpu.memory_space<vmem>>, vector<16xf32>,
    tpu.vector_store %arg5[%swap3A_388], %broadcast_in_dim3A_5 {strides = array<i32>} : memref<4096xf32, #tpu.memory_space<vmem>>, vector<16xf32>,
    %swap3A_390 = arith.constant 3056 : index
    %swap3A_391 = tpu.vector_load %arg5[%swap3A_390] {strides = array<i32>} : memref<4096xf32, #tpu.memory_space<vmem>>, vector<16xf32>,
    tpu.vector_store %arg5[%swap3A_390], %broadcast_in_dim3A_5 {strides = array<i32>} : memref<4096xf32, #tpu.memory_space<vmem>>, vector<16xf32>,
    %swap3A_392 = arith.constant 3072 : index
    %swap3A_393 = tpu.vector_load %arg5[%swap3A_392] {strides = array<i32>} : memref<4096xf32, #tpu.memory_space<vmem>>, vector<16xf32>,
    tpu.vector_store %arg5[%swap3A_392], %broadcast_in_dim3A_5 {strides = array<i32>} : memref<4096xf32, #tpu.memory_space<vmem>>, vector<16xf32>,
    %swap3A_394 = arith.constant 3088 : index
    %swap3A_395 = tpu.vector_load %arg5[%swap3A_394] {strides = array<i32>} : memref<4096xf32, #tpu.memory_space<vmem>>, vector<16xf32>,
    tpu.vector_store %arg5[%swap3A_394], %broadcast_in_dim3A_5 {strides = array<i32>} : memref<4096xf32, #tpu.memory_space<vmem>>, vector<16xf32>,
    %swap3A_396 = arith.constant 3104 : index
    %swap3A_397 = tpu.vector_load %arg5[%swap3A_396] {strides = array<i32>} : memref<4096xf32, #tpu.memory_space<vmem>>, vector<16xf32>,
    tpu.vector_store %arg5[%swap3A_396], %broadcast_in_dim3A_5 {strides = array<i32>} : memref<4096xf32, #tpu.memory_space<vmem>>, vector<16xf32>,
    %swap3A_398 = arith.constant 3120 : index
    %swap3A_399 = tpu.vector_load %arg5[%swap3A_398] {strides = array<i32>} : memref<4096xf32, #tpu.memory_space<vmem>>, vector<16xf32>,
    tpu.vector_store %arg5[%swap3A_398], %broadcast_in_dim3A_5 {strides = array<i32>} : memref<4096xf32, #tpu.memory_space<vmem>>, vector<16xf32>,
    %swap3A_400 = arith.constant 3136 : index
    %swap3A_401 = tpu.vector_load %arg5[%swap3A_400] {strides = array<i32>} : memref<4096xf32, #tpu.memory_space<vmem>>, vector<16xf32>,
    tpu.vector_store %arg5[%swap3A_400], %broadcast_in_dim3A_5 {strides = array<i32>} : memref<4096xf32, #tpu.memory_space<vmem>>, vector<16xf32>,
    %swap3A_402 = arith.constant 3152 : index
    %swap3A_403 = tpu.vector_load %arg5[%swap3A_402] {strides = array<i32>} : memref<4096xf32, #tpu.memory_space<vmem>>, vector<16xf32>,
    tpu.vector_store %arg5[%swap3A_402], %broadcast_in_dim3A_5 {strides = array<i32>} : memref<4096xf32, #tpu.memory_space<vmem>>, vector<16xf32>,
    %swap3A_404 = arith.constant 3168 : index
    %swap3A_405 = tpu.vector_load %arg5[%swap3A_404] {strides = array<i32>} : memref<4096xf32, #tpu.memory_space<vmem>>, vector<16xf32>,
    tpu.vector_store %arg5[%swap3A_404], %broadcast_in_dim3A_5 {strides = array<i32>} : memref<4096xf32, #tpu.memory_space<vmem>>, vector<16xf32>,
    %swap3A_406 = arith.constant 3184 : index
    %swap3A_407 = tpu.vector_load %arg5[%swap3A_406] {strides = array<i32>} : memref<4096xf32, #tpu.memory_space<vmem>>, vector<16xf32>,
    tpu.vector_store %arg5[%swap3A_406], %broadcast_in_dim3A_5 {strides = array<i32>} : memref<4096xf32, #tpu.memory_space<vmem>>, vector<16xf32>,
    %swap3A_408 = arith.constant 3200 : index
    %swap3A_409 = tpu.vector_load %arg5[%swap3A_408] {strides = array<i32>} : memref<4096xf32, #tpu.memory_space<vmem>>, vector<16xf32>,
    tpu.vector_store %arg5[%swap3A_408], %broadcast_in_dim3A_5 {strides = array<i32>} : memref<4096xf32, #tpu.memory_space<vmem>>, vector<16xf32>,
    %swap3A_410 = arith.constant 3216 : index
    %swap3A_411 = tpu.vector_load %arg5[%swap3A_410] {strides = array<i32>} : memref<4096xf32, #tpu.memory_space<vmem>>, vector<16xf32>,
    tpu.vector_store %arg5[%swap3A_410], %broadcast_in_dim3A_5 {strides = array<i32>} : memref<4096xf32, #tpu.memory_space<vmem>>, vector<16xf32>,
    %swap3A_412 = arith.constant 3232 : index
    %swap3A_413 = tpu.vector_load %arg5[%swap3A_412] {strides = array<i32>} : memref<4096xf32, #tpu.memory_space<vmem>>, vector<16xf32>,
    tpu.vector_store %arg5[%swap3A_412], %broadcast_in_dim3A_5 {strides = array<i32>} : memref<4096xf32, #tpu.memory_space<vmem>>, vector<16xf32>,
    %swap3A_414 = arith.constant 3248 : index
    %swap3A_415 = tpu.vector_load %arg5[%swap3A_414] {strides = array<i32>} : memref<4096xf32, #tpu.memory_space<vmem>>, vector<16xf32>,
    tpu.vector_store %arg5[%swap3A_414], %broadcast_in_dim3A_5 {strides = array<i32>} : memref<4096xf32, #tpu.memory_space<vmem>>, vector<16xf32>,
    %swap3A_416 = arith.constant 3264 : index
    %swap3A_417 = tpu.vector_load %arg5[%swap3A_416] {strides = array<i32>} : memref<4096xf32, #tpu.memory_space<vmem>>, vector<16xf32>,
    tpu.vector_store %arg5[%swap3A_416], %broadcast_in_dim3A_5 {strides = array<i32>} : memref<4096xf32, #tpu.memory_space<vmem>>, vector<16xf32>,
    %swap3A_418 = arith.constant 3280 : index
    %swap3A_419 = tpu.vector_load %arg5[%swap3A_418] {strides = array<i32>} : memref<4096xf32, #tpu.memory_space<vmem>>, vector<16xf32>,
    tpu.vector_store %arg5[%swap3A_418], %broadcast_in_dim3A_5 {strides = array<i32>} : memref<4096xf32, #tpu.memory_space<vmem>>, vector<16xf32>,
    %swap3A_420 = arith.constant 3296 : index
    %swap3A_421 = tpu.vector_load %arg5[%swap3A_420] {strides = array<i32>} : memref<4096xf32, #tpu.memory_space<vmem>>, vector<16xf32>,
    tpu.vector_store %arg5[%swap3A_420], %broadcast_in_dim3A_5 {strides = array<i32>} : memref<4096xf32, #tpu.memory_space<vmem>>, vector<16xf32>,
    %swap3A_422 = arith.constant 3312 : index
    %swap3A_423 = tpu.vector_load %arg5[%swap3A_422] {strides = array<i32>} : memref<4096xf32, #tpu.memory_space<vmem>>, vector<16xf32>,
    tpu.vector_store %arg5[%swap3A_422], %broadcast_in_dim3A_5 {strides = array<i32>} : memref<4096xf32, #tpu.memory_space<vmem>>, vector<16xf32>,
    %swap3A_424 = arith.constant 3328 : index
    %swap3A_425 = tpu.vector_load %arg5[%swap3A_424] {strides = array<i32>} : memref<4096xf32, #tpu.memory_space<vmem>>, vector<16xf32>,
    tpu.vector_store %arg5[%swap3A_424], %broadcast_in_dim3A_5 {strides = array<i32>} : memref<4096xf32, #tpu.memory_space<vmem>>, vector<16xf32>,
    %swap3A_426 = arith.constant 3344 : index
    %swap3A_427 = tpu.vector_load %arg5[%swap3A_426] {strides = array<i32>} : memref<4096xf32, #tpu.memory_space<vmem>>, vector<16xf32>,
    tpu.vector_store %arg5[%swap3A_426], %broadcast_in_dim3A_5 {strides = array<i32>} : memref<4096xf32, #tpu.memory_space<vmem>>, vector<16xf32>,
    %swap3A_428 = arith.constant 3360 : index
    %swap3A_429 = tpu.vector_load %arg5[%swap3A_428] {strides = array<i32>} : memref<4096xf32, #tpu.memory_space<vmem>>, vector<16xf32>,
    tpu.vector_store %arg5[%swap3A_428], %broadcast_in_dim3A_5 {strides = array<i32>} : memref<4096xf32, #tpu.memory_space<vmem>>, vector<16xf32>,
    %swap3A_430 = arith.constant 3376 : index
    %swap3A_431 = tpu.vector_load %arg5[%swap3A_430] {strides = array<i32>} : memref<4096xf32, #tpu.memory_space<vmem>>, vector<16xf32>,
    tpu.vector_store %arg5[%swap3A_430], %broadcast_in_dim3A_5 {strides = array<i32>} : memref<4096xf32, #tpu.memory_space<vmem>>, vector<16xf32>,
    %swap3A_432 = arith.constant 3392 : index
    %swap3A_433 = tpu.vector_load %arg5[%swap3A_432] {strides = array<i32>} : memref<4096xf32, #tpu.memory_space<vmem>>, vector<16xf32>,
    tpu.vector_store %arg5[%swap3A_432], %broadcast_in_dim3A_5 {strides = array<i32>} : memref<4096xf32, #tpu.memory_space<vmem>>, vector<16xf32>,
    %swap3A_434 = arith.constant 3408 : index
    %swap3A_435 = tpu.vector_load %arg5[%swap3A_434] {strides = array<i32>} : memref<4096xf32, #tpu.memory_space<vmem>>, vector<16xf32>,
    tpu.vector_store %arg5[%swap3A_434], %broadcast_in_dim3A_5 {strides = array<i32>} : memref<4096xf32, #tpu.memory_space<vmem>>, vector<16xf32>,
    %swap3A_436 = arith.constant 3424 : index
    %swap3A_437 = tpu.vector_load %arg5[%swap3A_436] {strides = array<i32>} : memref<4096xf32, #tpu.memory_space<vmem>>, vector<16xf32>,
    tpu.vector_store %arg5[%swap3A_436], %broadcast_in_dim3A_5 {strides = array<i32>} : memref<4096xf32, #tpu.memory_space<vmem>>, vector<16xf32>,
    %swap3A_438 = arith.constant 3440 : index
    %swap3A_439 = tpu.vector_load %arg5[%swap3A_438] {strides = array<i32>} : memref<4096xf32, #tpu.memory_space<vmem>>, vector<16xf32>,
    tpu.vector_store %arg5[%swap3A_438], %broadcast_in_dim3A_5 {strides = array<i32>} : memref<4096xf32, #tpu.memory_space<vmem>>, vector<16xf32>,
    %swap3A_440 = arith.constant 3456 : index
    %swap3A_441 = tpu.vector_load %arg5[%swap3A_440] {strides = array<i32>} : memref<4096xf32, #tpu.memory_space<vmem>>, vector<16xf32>,
    tpu.vector_store %arg5[%swap3A_440], %broadcast_in_dim3A_5 {strides = array<i32>} : memref<4096xf32, #tpu.memory_space<vmem>>, vector<16xf32>,
    %swap3A_442 = arith.constant 3472 : index
    %swap3A_443 = tpu.vector_load %arg5[%swap3A_442] {strides = array<i32>} : memref<4096xf32, #tpu.memory_space<vmem>>, vector<16xf32>,
    tpu.vector_store %arg5[%swap3A_442], %broadcast_in_dim3A_5 {strides = array<i32>} : memref<4096xf32, #tpu.memory_space<vmem>>, vector<16xf32>,
    %swap3A_444 = arith.constant 3488 : index
    %swap3A_445 = tpu.vector_load %arg5[%swap3A_444] {strides = array<i32>} : memref<4096xf32, #tpu.memory_space<vmem>>, vector<16xf32>,
    tpu.vector_store %arg5[%swap3A_444], %broadcast_in_dim3A_5 {strides = array<i32>} : memref<4096xf32, #tpu.memory_space<vmem>>, vector<16xf32>,
    %swap3A_446 = arith.constant 3504 : index
    %swap3A_447 = tpu.vector_load %arg5[%swap3A_446] {strides = array<i32>} : memref<4096xf32, #tpu.memory_space<vmem>>, vector<16xf32>,
    tpu.vector_store %arg5[%swap3A_446], %broadcast_in_dim3A_5 {strides = array<i32>} : memref<4096xf32, #tpu.memory_space<vmem>>, vector<16xf32>,
    %swap3A_448 = arith.constant 3520 : index
    %swap3A_449 = tpu.vector_load %arg5[%swap3A_448] {strides = array<i32>} : memref<4096xf32, #tpu.memory_space<vmem>>, vector<16xf32>,
    tpu.vector_store %arg5[%swap3A_448], %broadcast_in_dim3A_5 {strides = array<i32>} : memref<4096xf32, #tpu.memory_space<vmem>>, vector<16xf32>,
    %swap3A_450 = arith.constant 3536 : index
    %swap3A_451 = tpu.vector_load %arg5[%swap3A_450] {strides = array<i32>} : memref<4096xf32, #tpu.memory_space<vmem>>, vector<16xf32>,
    tpu.vector_store %arg5[%swap3A_450], %broadcast_in_dim3A_5 {strides = array<i32>} : memref<4096xf32, #tpu.memory_space<vmem>>, vector<16xf32>,
    %swap3A_452 = arith.constant 3552 : index
    %swap3A_453 = tpu.vector_load %arg5[%swap3A_452] {strides = array<i32>} : memref<4096xf32, #tpu.memory_space<vmem>>, vector<16xf32>,
    tpu.vector_store %arg5[%swap3A_452], %broadcast_in_dim3A_5 {strides = array<i32>} : memref<4096xf32, #tpu.memory_space<vmem>>, vector<16xf32>,
    %swap3A_454 = arith.constant 3568 : index
    %swap3A_455 = tpu.vector_load %arg5[%swap3A_454] {strides = array<i32>} : memref<4096xf32, #tpu.memory_space<vmem>>, vector<16xf32>,
    tpu.vector_store %arg5[%swap3A_454], %broadcast_in_dim3A_5 {strides = array<i32>} : memref<4096xf32, #tpu.memory_space<vmem>>, vector<16xf32>,
    %swap3A_456 = arith.constant 3584 : index
    %swap3A_457 = tpu.vector_load %arg5[%swap3A_456] {strides = array<i32>} : memref<4096xf32, #tpu.memory_space<vmem>>, vector<16xf32>,
    tpu.vector_store %arg5[%swap3A_456], %broadcast_in_dim3A_5 {strides = array<i32>} : memref<4096xf32, #tpu.memory_space<vmem>>, vector<16xf32>,
    %swap3A_458 = arith.constant 3600 : index
    %swap3A_459 = tpu.vector_load %arg5[%swap3A_458] {strides = array<i32>} : memref<4096xf32, #tpu.memory_space<vmem>>, vector<16xf32>,
    tpu.vector_store %arg5[%swap3A_458], %broadcast_in_dim3A_5 {strides = array<i32>} : memref<4096xf32, #tpu.memory_space<vmem>>, vector<16xf32>,
    %swap3A_460 = arith.constant 3616 : index
    %swap3A_461 = tpu.vector_load %arg5[%swap3A_460] {strides = array<i32>} : memref<4096xf32, #tpu.memory_space<vmem>>, vector<16xf32>,
    tpu.vector_store %arg5[%swap3A_460], %broadcast_in_dim3A_5 {strides = array<i32>} : memref<4096xf32, #tpu.memory_space<vmem>>, vector<16xf32>,
    %swap3A_462 = arith.constant 3632 : index
    %swap3A_463 = tpu.vector_load %arg5[%swap3A_462] {strides = array<i32>} : memref<4096xf32, #tpu.memory_space<vmem>>, vector<16xf32>,
    tpu.vector_store %arg5[%swap3A_462], %broadcast_in_dim3A_5 {strides = array<i32>} : memref<4096xf32, #tpu.memory_space<vmem>>, vector<16xf32>,
    %swap3A_464 = arith.constant 3648 : index
    %swap3A_465 = tpu.vector_load %arg5[%swap3A_464] {strides = array<i32>} : memref<4096xf32, #tpu.memory_space<vmem>>, vector<16xf32>,
    tpu.vector_store %arg5[%swap3A_464], %broadcast_in_dim3A_5 {strides = array<i32>} : memref<4096xf32, #tpu.memory_space<vmem>>, vector<16xf32>,
    %swap3A_466 = arith.constant 3664 : index
    %swap3A_467 = tpu.vector_load %arg5[%swap3A_466] {strides = array<i32>} : memref<4096xf32, #tpu.memory_space<vmem>>, vector<16xf32>,
    tpu.vector_store %arg5[%swap3A_466], %broadcast_in_dim3A_5 {strides = array<i32>} : memref<4096xf32, #tpu.memory_space<vmem>>, vector<16xf32>,
    %swap3A_468 = arith.constant 3680 : index
    %swap3A_469 = tpu.vector_load %arg5[%swap3A_468] {strides = array<i32>} : memref<4096xf32, #tpu.memory_space<vmem>>, vector<16xf32>,
    tpu.vector_store %arg5[%swap3A_468], %broadcast_in_dim3A_5 {strides = array<i32>} : memref<4096xf32, #tpu.memory_space<vmem>>, vector<16xf32>,
    %swap3A_470 = arith.constant 3696 : index
    %swap3A_471 = tpu.vector_load %arg5[%swap3A_470] {strides = array<i32>} : memref<4096xf32, #tpu.memory_space<vmem>>, vector<16xf32>,
    tpu.vector_store %arg5[%swap3A_470], %broadcast_in_dim3A_5 {strides = array<i32>} : memref<4096xf32, #tpu.memory_space<vmem>>, vector<16xf32>,
    %swap3A_472 = arith.constant 3712 : index
    %swap3A_473 = tpu.vector_load %arg5[%swap3A_472] {strides = array<i32>} : memref<4096xf32, #tpu.memory_space<vmem>>, vector<16xf32>,
    tpu.vector_store %arg5[%swap3A_472], %broadcast_in_dim3A_5 {strides = array<i32>} : memref<4096xf32, #tpu.memory_space<vmem>>, vector<16xf32>,
    %swap3A_474 = arith.constant 3728 : index
    %swap3A_475 = tpu.vector_load %arg5[%swap3A_474] {strides = array<i32>} : memref<4096xf32, #tpu.memory_space<vmem>>, vector<16xf32>,
    tpu.vector_store %arg5[%swap3A_474], %broadcast_in_dim3A_5 {strides = array<i32>} : memref<4096xf32, #tpu.memory_space<vmem>>, vector<16xf32>,
    %swap3A_476 = arith.constant 3744 : index
    %swap3A_477 = tpu.vector_load %arg5[%swap3A_476] {strides = array<i32>} : memref<4096xf32, #tpu.memory_space<vmem>>, vector<16xf32>,
    tpu.vector_store %arg5[%swap3A_476], %broadcast_in_dim3A_5 {strides = array<i32>} : memref<4096xf32, #tpu.memory_space<vmem>>, vector<16xf32>,
    %swap3A_478 = arith.constant 3760 : index
    %swap3A_479 = tpu.vector_load %arg5[%swap3A_478] {strides = array<i32>} : memref<4096xf32, #tpu.memory_space<vmem>>, vector<16xf32>,
    tpu.vector_store %arg5[%swap3A_478], %broadcast_in_dim3A_5 {strides = array<i32>} : memref<4096xf32, #tpu.memory_space<vmem>>, vector<16xf32>,
    %swap3A_480 = arith.constant 3776 : index
    %swap3A_481 = tpu.vector_load %arg5[%swap3A_480] {strides = array<i32>} : memref<4096xf32, #tpu.memory_space<vmem>>, vector<16xf32>,
    tpu.vector_store %arg5[%swap3A_480], %broadcast_in_dim3A_5 {strides = array<i32>} : memref<4096xf32, #tpu.memory_space<vmem>>, vector<16xf32>,
    %swap3A_482 = arith.constant 3792 : index
    %swap3A_483 = tpu.vector_load %arg5[%swap3A_482] {strides = array<i32>} : memref<4096xf32, #tpu.memory_space<vmem>>, vector<16xf32>,
    tpu.vector_store %arg5[%swap3A_482], %broadcast_in_dim3A_5 {strides = array<i32>} : memref<4096xf32, #tpu.memory_space<vmem>>, vector<16xf32>,
    %swap3A_484 = arith.constant 3808 : index
    %swap3A_485 = tpu.vector_load %arg5[%swap3A_484] {strides = array<i32>} : memref<4096xf32, #tpu.memory_space<vmem>>, vector<16xf32>,
    tpu.vector_store %arg5[%swap3A_484], %broadcast_in_dim3A_5 {strides = array<i32>} : memref<4096xf32, #tpu.memory_space<vmem>>, vector<16xf32>,
    %swap3A_486 = arith.constant 3824 : index
    %swap3A_487 = tpu.vector_load %arg5[%swap3A_486] {strides = array<i32>} : memref<4096xf32, #tpu.memory_space<vmem>>, vector<16xf32>,
    tpu.vector_store %arg5[%swap3A_486], %broadcast_in_dim3A_5 {strides = array<i32>} : memref<4096xf32, #tpu.memory_space<vmem>>, vector<16xf32>,
    %swap3A_488 = arith.constant 3840 : index
    %swap3A_489 = tpu.vector_load %arg5[%swap3A_488] {strides = array<i32>} : memref<4096xf32, #tpu.memory_space<vmem>>, vector<16xf32>,
    tpu.vector_store %arg5[%swap3A_488], %broadcast_in_dim3A_5 {strides = array<i32>} : memref<4096xf32, #tpu.memory_space<vmem>>, vector<16xf32>,
    %swap3A_490 = arith.constant 3856 : index
    %swap3A_491 = tpu.vector_load %arg5[%swap3A_490] {strides = array<i32>} : memref<4096xf32, #tpu.memory_space<vmem>>, vector<16xf32>,
    tpu.vector_store %arg5[%swap3A_490], %broadcast_in_dim3A_5 {strides = array<i32>} : memref<4096xf32, #tpu.memory_space<vmem>>, vector<16xf32>,
    %swap3A_492 = arith.constant 3872 : index
    %swap3A_493 = tpu.vector_load %arg5[%swap3A_492] {strides = array<i32>} : memref<4096xf32, #tpu.memory_space<vmem>>, vector<16xf32>,
    tpu.vector_store %arg5[%swap3A_492], %broadcast_in_dim3A_5 {strides = array<i32>} : memref<4096xf32, #tpu.memory_space<vmem>>, vector<16xf32>,
    %swap3A_494 = arith.constant 3888 : index
    %swap3A_495 = tpu.vector_load %arg5[%swap3A_494] {strides = array<i32>} : memref<4096xf32, #tpu.memory_space<vmem>>, vector<16xf32>,
    tpu.vector_store %arg5[%swap3A_494], %broadcast_in_dim3A_5 {strides = array<i32>} : memref<4096xf32, #tpu.memory_space<vmem>>, vector<16xf32>,
    %swap3A_496 = arith.constant 3904 : index
    %swap3A_497 = tpu.vector_load %arg5[%swap3A_496] {strides = array<i32>} : memref<4096xf32, #tpu.memory_space<vmem>>, vector<16xf32>,
    tpu.vector_store %arg5[%swap3A_496], %broadcast_in_dim3A_5 {strides = array<i32>} : memref<4096xf32, #tpu.memory_space<vmem>>, vector<16xf32>,
    %swap3A_498 = arith.constant 3920 : index
    %swap3A_499 = tpu.vector_load %arg5[%swap3A_498] {strides = array<i32>} : memref<4096xf32, #tpu.memory_space<vmem>>, vector<16xf32>,
    tpu.vector_store %arg5[%swap3A_498], %broadcast_in_dim3A_5 {strides = array<i32>} : memref<4096xf32, #tpu.memory_space<vmem>>, vector<16xf32>,
    %swap3A_500 = arith.constant 3936 : index
    %swap3A_501 = tpu.vector_load %arg5[%swap3A_500] {strides = array<i32>} : memref<4096xf32, #tpu.memory_space<vmem>>, vector<16xf32>,
    tpu.vector_store %arg5[%swap3A_500], %broadcast_in_dim3A_5 {strides = array<i32>} : memref<4096xf32, #tpu.memory_space<vmem>>, vector<16xf32>,
    %swap3A_502 = arith.constant 3952 : index
    %swap3A_503 = tpu.vector_load %arg5[%swap3A_502] {strides = array<i32>} : memref<4096xf32, #tpu.memory_space<vmem>>, vector<16xf32>,
    tpu.vector_store %arg5[%swap3A_502], %broadcast_in_dim3A_5 {strides = array<i32>} : memref<4096xf32, #tpu.memory_space<vmem>>, vector<16xf32>,
    %swap3A_504 = arith.constant 3968 : index
    %swap3A_505 = tpu.vector_load %arg5[%swap3A_504] {strides = array<i32>} : memref<4096xf32, #tpu.memory_space<vmem>>, vector<16xf32>,
    tpu.vector_store %arg5[%swap3A_504], %broadcast_in_dim3A_5 {strides = array<i32>} : memref<4096xf32, #tpu.memory_space<vmem>>, vector<16xf32>,
    %swap3A_506 = arith.constant 3984 : index
    %swap3A_507 = tpu.vector_load %arg5[%swap3A_506] {strides = array<i32>} : memref<4096xf32, #tpu.memory_space<vmem>>, vector<16xf32>,
    tpu.vector_store %arg5[%swap3A_506], %broadcast_in_dim3A_5 {strides = array<i32>} : memref<4096xf32, #tpu.memory_space<vmem>>, vector<16xf32>,
    %swap3A_508 = arith.constant 4000 : index
    %swap3A_509 = tpu.vector_load %arg5[%swap3A_508] {strides = array<i32>} : memref<4096xf32, #tpu.memory_space<vmem>>, vector<16xf32>,
    tpu.vector_store %arg5[%swap3A_508], %broadcast_in_dim3A_5 {strides = array<i32>} : memref<4096xf32, #tpu.memory_space<vmem>>, vector<16xf32>,
    %swap3A_510 = arith.constant 4016 : index
    %swap3A_511 = tpu.vector_load %arg5[%swap3A_510] {strides = array<i32>} : memref<4096xf32, #tpu.memory_space<vmem>>, vector<16xf32>,
    tpu.vector_store %arg5[%swap3A_510], %broadcast_in_dim3A_5 {strides = array<i32>} : memref<4096xf32, #tpu.memory_space<vmem>>, vector<16xf32>,
    %swap3A_512 = arith.constant 4032 : index
    %swap3A_513 = tpu.vector_load %arg5[%swap3A_512] {strides = array<i32>} : memref<4096xf32, #tpu.memory_space<vmem>>, vector<16xf32>,
    tpu.vector_store %arg5[%swap3A_512], %broadcast_in_dim3A_5 {strides = array<i32>} : memref<4096xf32, #tpu.memory_space<vmem>>, vector<16xf32>,
    %swap3A_514 = arith.constant 4048 : index
    %swap3A_515 = tpu.vector_load %arg5[%swap3A_514] {strides = array<i32>} : memref<4096xf32, #tpu.memory_space<vmem>>, vector<16xf32>,
    tpu.vector_store %arg5[%swap3A_514], %broadcast_in_dim3A_5 {strides = array<i32>} : memref<4096xf32, #tpu.memory_space<vmem>>, vector<16xf32>,
    %swap3A_516 = arith.constant 4064 : index
    %swap3A_517 = tpu.vector_load %arg5[%swap3A_516] {strides = array<i32>} : memref<4096xf32, #tpu.memory_space<vmem>>, vector<16xf32>,
    tpu.vector_store %arg5[%swap3A_516], %broadcast_in_dim3A_5 {strides = array<i32>} : memref<4096xf32, #tpu.memory_space<vmem>>, vector<16xf32>,
    %swap3A_518 = arith.constant 4080 : index
    %swap3A_519 = tpu.vector_load %arg5[%swap3A_518] {strides = array<i32>} : memref<4096xf32, #tpu.memory_space<vmem>>, vector<16xf32>,
    tpu.vector_store %arg5[%swap3A_518], %broadcast_in_dim3A_5 {strides = array<i32>} : memref<4096xf32, #tpu.memory_space<vmem>>, vector<16xf32>,
    %scan3A = arith.constant 0 : i32
    %scan3A_520 = arith.constant 0 : i32
    %scan3A_521 = arith.constant 504 : i32
    %scan3A_522 = arith.addi %scan3A_520, %scan3A_521 : i32
    %scan3A_523 = arith.constant 8 : i32
    %scan3A_524 = scf.for %scan3A_1785 = %scan3A_520 to %scan3A_522 step %scan3A_523 iter_args(%scan3A_1786 = %scan3A) -> (i32)  : i32 {
      %mul3A_1787 = arith.constant 16 : i32
      %mul3A_1788 = arith.muli %scan3A_1785, %mul3A_1787 : i32
      %get3A_1789 = arith.constant 0 : i32
      %get3A_1790 = arith.index_cast %get3A_1789 : i32 to index
      %get3A_1791 = arith.index_cast %mul3A_1788 : i32 to index
      %get3A_1792 = tpu.vector_load %arg4[%get3A_1790, %get3A_1791] {strides = array<i32>} : memref<4x8192xi32, #tpu.memory_space<vmem>>, vector<16xi32>,
      %add3A_1793 = arith.constant 0 : i32
      %add3A_1794 = vector.broadcast %add3A_1793 : i32 to vector<16xi32>
      %add3A_1795 = arith.addi %add3A_1794, %mul3A_8 : vector<16xi32>
      %add3A_1796 = arith.addi %add3A_1795, %get3A_1792 : vector<16xi32>
      tpu.vector_store_idx %arg5[%add3A_1796], %broadcast_in_dim3A_3 {add = true} : memref<4096xf32, #tpu.memory_space<vmem>>[vector<16xi32>], vector<16xf32>,
      %scan3A_1797 = arith.constant 0 : i32
      %scan3A_1798 = arith.constant 1 : i32
      %scan3A_1799 = arith.addi %scan3A_1785, %scan3A_1798 : i32
      %mul3A_1800 = arith.constant 16 : i32
      %mul3A_1801 = arith.muli %scan3A_1799, %mul3A_1800 : i32
      %get3A_1802 = arith.constant 0 : i32
      %get3A_1803 = arith.index_cast %get3A_1802 : i32 to index
      %get3A_1804 = arith.index_cast %mul3A_1801 : i32 to index
      %get3A_1805 = tpu.vector_load %arg4[%get3A_1803, %get3A_1804] {strides = array<i32>} : memref<4x8192xi32, #tpu.memory_space<vmem>>, vector<16xi32>,
      %add3A_1806 = arith.constant 0 : i32
      %add3A_1807 = vector.broadcast %add3A_1806 : i32 to vector<16xi32>
      %add3A_1808 = arith.addi %add3A_1807, %mul3A_8 : vector<16xi32>
      %add3A_1809 = arith.addi %add3A_1808, %get3A_1805 : vector<16xi32>
      tpu.vector_store_idx %arg5[%add3A_1809], %broadcast_in_dim3A_3 {add = true} : memref<4096xf32, #tpu.memory_space<vmem>>[vector<16xi32>], vector<16xf32>,
      %scan3A_1810 = arith.constant 0 : i32
      %scan3A_1811 = arith.constant 2 : i32
      %scan3A_1812 = arith.addi %scan3A_1785, %scan3A_1811 : i32
      %mul3A_1813 = arith.constant 16 : i32
      %mul3A_1814 = arith.muli %scan3A_1812, %mul3A_1813 : i32
      %get3A_1815 = arith.constant 0 : i32
      %get3A_1816 = arith.index_cast %get3A_1815 : i32 to index
      %get3A_1817 = arith.index_cast %mul3A_1814 : i32 to index
      %get3A_1818 = tpu.vector_load %arg4[%get3A_1816, %get3A_1817] {strides = array<i32>} : memref<4x8192xi32, #tpu.memory_space<vmem>>, vector<16xi32>,
      %add3A_1819 = arith.constant 0 : i32
      %add3A_1820 = vector.broadcast %add3A_1819 : i32 to vector<16xi32>
      %add3A_1821 = arith.addi %add3A_1820, %mul3A_8 : vector<16xi32>
      %add3A_1822 = arith.addi %add3A_1821, %get3A_1818 : vector<16xi32>
      tpu.vector_store_idx %arg5[%add3A_1822], %broadcast_in_dim3A_3 {add = true} : memref<4096xf32, #tpu.memory_space<vmem>>[vector<16xi32>], vector<16xf32>,
      %scan3A_1823 = arith.constant 0 : i32
      %scan3A_1824 = arith.constant 3 : i32
      %scan3A_1825 = arith.addi %scan3A_1785, %scan3A_1824 : i32
      %mul3A_1826 = arith.constant 16 : i32
      %mul3A_1827 = arith.muli %scan3A_1825, %mul3A_1826 : i32
      %get3A_1828 = arith.constant 0 : i32
      %get3A_1829 = arith.index_cast %get3A_1828 : i32 to index
      %get3A_1830 = arith.index_cast %mul3A_1827 : i32 to index
      %get3A_1831 = tpu.vector_load %arg4[%get3A_1829, %get3A_1830] {strides = array<i32>} : memref<4x8192xi32, #tpu.memory_space<vmem>>, vector<16xi32>,
      %add3A_1832 = arith.constant 0 : i32
      %add3A_1833 = vector.broadcast %add3A_1832 : i32 to vector<16xi32>
      %add3A_1834 = arith.addi %add3A_1833, %mul3A_8 : vector<16xi32>
      %add3A_1835 = arith.addi %add3A_1834, %get3A_1831 : vector<16xi32>
      tpu.vector_store_idx %arg5[%add3A_1835], %broadcast_in_dim3A_3 {add = true} : memref<4096xf32, #tpu.memory_space<vmem>>[vector<16xi32>], vector<16xf32>,
      %scan3A_1836 = arith.constant 0 : i32
      %scan3A_1837 = arith.constant 4 : i32
      %scan3A_1838 = arith.addi %scan3A_1785, %scan3A_1837 : i32
      %mul3A_1839 = arith.constant 16 : i32
      %mul3A_1840 = arith.muli %scan3A_1838, %mul3A_1839 : i32
      %get3A_1841 = arith.constant 0 : i32
      %get3A_1842 = arith.index_cast %get3A_1841 : i32 to index
      %get3A_1843 = arith.index_cast %mul3A_1840 : i32 to index
      %get3A_1844 = tpu.vector_load %arg4[%get3A_1842, %get3A_1843] {strides = array<i32>} : memref<4x8192xi32, #tpu.memory_space<vmem>>, vector<16xi32>,
      %add3A_1845 = arith.constant 0 : i32
      %add3A_1846 = vector.broadcast %add3A_1845 : i32 to vector<16xi32>
      %add3A_1847 = arith.addi %add3A_1846, %mul3A_8 : vector<16xi32>
      %add3A_1848 = arith.addi %add3A_1847, %get3A_1844 : vector<16xi32>
      tpu.vector_store_idx %arg5[%add3A_1848], %broadcast_in_dim3A_3 {add = true} : memref<4096xf32, #tpu.memory_space<vmem>>[vector<16xi32>], vector<16xf32>,
      %scan3A_1849 = arith.constant 0 : i32
      %scan3A_1850 = arith.constant 5 : i32
      %scan3A_1851 = arith.addi %scan3A_1785, %scan3A_1850 : i32
      %mul3A_1852 = arith.constant 16 : i32
      %mul3A_1853 = arith.muli %scan3A_1851, %mul3A_1852 : i32
      %get3A_1854 = arith.constant 0 : i32
      %get3A_1855 = arith.index_cast %get3A_1854 : i32 to index
      %get3A_1856 = arith.index_cast %mul3A_1853 : i32 to index
      %get3A_1857 = tpu.vector_load %arg4[%get3A_1855, %get3A_1856] {strides = array<i32>} : memref<4x8192xi32, #tpu.memory_space<vmem>>, vector<16xi32>,
      %add3A_1858 = arith.constant 0 : i32
      %add3A_1859 = vector.broadcast %add3A_1858 : i32 to vector<16xi32>
      %add3A_1860 = arith.addi %add3A_1859, %mul3A_8 : vector<16xi32>
      %add3A_1861 = arith.addi %add3A_1860, %get3A_1857 : vector<16xi32>
      tpu.vector_store_idx %arg5[%add3A_1861], %broadcast_in_dim3A_3 {add = true} : memref<4096xf32, #tpu.memory_space<vmem>>[vector<16xi32>], vector<16xf32>,
      %scan3A_1862 = arith.constant 0 : i32
      %scan3A_1863 = arith.constant 6 : i32
      %scan3A_1864 = arith.addi %scan3A_1785, %scan3A_1863 : i32
      %mul3A_1865 = arith.constant 16 : i32
      %mul3A_1866 = arith.muli %scan3A_1864, %mul3A_1865 : i32
      %get3A_1867 = arith.constant 0 : i32
      %get3A_1868 = arith.index_cast %get3A_1867 : i32 to index
      %get3A_1869 = arith.index_cast %mul3A_1866 : i32 to index
      %get3A_1870 = tpu.vector_load %arg4[%get3A_1868, %get3A_1869] {strides = array<i32>} : memref<4x8192xi32, #tpu.memory_space<vmem>>, vector<16xi32>,
      %add3A_1871 = arith.constant 0 : i32
      %add3A_1872 = vector.broadcast %add3A_1871 : i32 to vector<16xi32>
      %add3A_1873 = arith.addi %add3A_1872, %mul3A_8 : vector<16xi32>
      %add3A_1874 = arith.addi %add3A_1873, %get3A_1870 : vector<16xi32>
      tpu.vector_store_idx %arg5[%add3A_1874], %broadcast_in_dim3A_3 {add = true} : memref<4096xf32, #tpu.memory_space<vmem>>[vector<16xi32>], vector<16xf32>,
      %scan3A_1875 = arith.constant 0 : i32
      %scan3A_1876 = arith.constant 7 : i32
      %scan3A_1877 = arith.addi %scan3A_1785, %scan3A_1876 : i32
      %mul3A_1878 = arith.constant 16 : i32
      %mul3A_1879 = arith.muli %scan3A_1877, %mul3A_1878 : i32
      %get3A_1880 = arith.constant 0 : i32
      %get3A_1881 = arith.index_cast %get3A_1880 : i32 to index
      %get3A_1882 = arith.index_cast %mul3A_1879 : i32 to index
      %get3A_1883 = tpu.vector_load %arg4[%get3A_1881, %get3A_1882] {strides = array<i32>} : memref<4x8192xi32, #tpu.memory_space<vmem>>, vector<16xi32>,
      %add3A_1884 = arith.constant 0 : i32
      %add3A_1885 = vector.broadcast %add3A_1884 : i32 to vector<16xi32>
      %add3A_1886 = arith.addi %add3A_1885, %mul3A_8 : vector<16xi32>
      %add3A_1887 = arith.addi %add3A_1886, %get3A_1883 : vector<16xi32>
      tpu.vector_store_idx %arg5[%add3A_1887], %broadcast_in_dim3A_3 {add = true} : memref<4096xf32, #tpu.memory_space<vmem>>[vector<16xi32>], vector<16xf32>,
      %scan3A_1888 = arith.constant 0 : i32
      scf.yield %scan3A_1888 : i32
    }
    %scan3A_525 = arith.constant 504 : i32
    %scan3A_526 = arith.addi %scan3A_520, %scan3A_525 : i32
    %mul3A_527 = arith.constant 16 : i32
    %mul3A_528 = arith.muli %scan3A_526, %mul3A_527 : i32
    %get3A = arith.constant 0 : i32
    %get3A_529 = arith.index_cast %get3A : i32 to index
    %get3A_530 = arith.index_cast %mul3A_528 : i32 to index
    %get3A_531 = tpu.vector_load %arg4[%get3A_529, %get3A_530] {strides = array<i32>} : memref<4x8192xi32, #tpu.memory_space<vmem>>, vector<16xi32>,
    %add3A_532 = arith.constant 0 : i32
    %add3A_533 = vector.broadcast %add3A_532 : i32 to vector<16xi32>
    %add3A_534 = arith.addi %add3A_533, %mul3A_8 : vector<16xi32>
    %add3A_535 = arith.addi %add3A_534, %get3A_531 : vector<16xi32>
    tpu.vector_store_idx %arg5[%add3A_535], %broadcast_in_dim3A_3 {add = true} : memref<4096xf32, #tpu.memory_space<vmem>>[vector<16xi32>], vector<16xf32>,
    %scan3A_536 = arith.constant 0 : i32
    %scan3A_537 = arith.constant 505 : i32
    %scan3A_538 = arith.addi %scan3A_520, %scan3A_537 : i32
    %mul3A_539 = arith.constant 16 : i32
    %mul3A_540 = arith.muli %scan3A_538, %mul3A_539 : i32
    %get3A_541 = arith.constant 0 : i32
    %get3A_542 = arith.index_cast %get3A_541 : i32 to index
    %get3A_543 = arith.index_cast %mul3A_540 : i32 to index
    %get3A_544 = tpu.vector_load %arg4[%get3A_542, %get3A_543] {strides = array<i32>} : memref<4x8192xi32, #tpu.memory_space<vmem>>, vector<16xi32>,
    %add3A_545 = arith.constant 0 : i32
    %add3A_546 = vector.broadcast %add3A_545 : i32 to vector<16xi32>
    %add3A_547 = arith.addi %add3A_546, %mul3A_8 : vector<16xi32>
    %add3A_548 = arith.addi %add3A_547, %get3A_544 : vector<16xi32>
    tpu.vector_store_idx %arg5[%add3A_548], %broadcast_in_dim3A_3 {add = true} : memref<4096xf32, #tpu.memory_space<vmem>>[vector<16xi32>], vector<16xf32>,
    %scan3A_549 = arith.constant 0 : i32
    %scan3A_550 = arith.constant 506 : i32
    %scan3A_551 = arith.addi %scan3A_520, %scan3A_550 : i32
    %mul3A_552 = arith.constant 16 : i32
    %mul3A_553 = arith.muli %scan3A_551, %mul3A_552 : i32
    %get3A_554 = arith.constant 0 : i32
    %get3A_555 = arith.index_cast %get3A_554 : i32 to index
    %get3A_556 = arith.index_cast %mul3A_553 : i32 to index
    %get3A_557 = tpu.vector_load %arg4[%get3A_555, %get3A_556] {strides = array<i32>} : memref<4x8192xi32, #tpu.memory_space<vmem>>, vector<16xi32>,
    %add3A_558 = arith.constant 0 : i32
    %add3A_559 = vector.broadcast %add3A_558 : i32 to vector<16xi32>
    %add3A_560 = arith.addi %add3A_559, %mul3A_8 : vector<16xi32>
    %add3A_561 = arith.addi %add3A_560, %get3A_557 : vector<16xi32>
    tpu.vector_store_idx %arg5[%add3A_561], %broadcast_in_dim3A_3 {add = true} : memref<4096xf32, #tpu.memory_space<vmem>>[vector<16xi32>], vector<16xf32>,
    %scan3A_562 = arith.constant 0 : i32
    %scan3A_563 = arith.constant 507 : i32
    %scan3A_564 = arith.addi %scan3A_520, %scan3A_563 : i32
    %mul3A_565 = arith.constant 16 : i32
    %mul3A_566 = arith.muli %scan3A_564, %mul3A_565 : i32
    %get3A_567 = arith.constant 0 : i32
    %get3A_568 = arith.index_cast %get3A_567 : i32 to index
    %get3A_569 = arith.index_cast %mul3A_566 : i32 to index
    %get3A_570 = tpu.vector_load %arg4[%get3A_568, %get3A_569] {strides = array<i32>} : memref<4x8192xi32, #tpu.memory_space<vmem>>, vector<16xi32>,
    %add3A_571 = arith.constant 0 : i32
    %add3A_572 = vector.broadcast %add3A_571 : i32 to vector<16xi32>
    %add3A_573 = arith.addi %add3A_572, %mul3A_8 : vector<16xi32>
    %add3A_574 = arith.addi %add3A_573, %get3A_570 : vector<16xi32>
    tpu.vector_store_idx %arg5[%add3A_574], %broadcast_in_dim3A_3 {add = true} : memref<4096xf32, #tpu.memory_space<vmem>>[vector<16xi32>], vector<16xf32>,
    %scan3A_575 = arith.constant 0 : i32
    %scan3A_576 = arith.constant 508 : i32
    %scan3A_577 = arith.addi %scan3A_520, %scan3A_576 : i32
    %mul3A_578 = arith.constant 16 : i32
    %mul3A_579 = arith.muli %scan3A_577, %mul3A_578 : i32
    %get3A_580 = arith.constant 0 : i32
    %get3A_581 = arith.index_cast %get3A_580 : i32 to index
    %get3A_582 = arith.index_cast %mul3A_579 : i32 to index
    %get3A_583 = tpu.vector_load %arg4[%get3A_581, %get3A_582] {strides = array<i32>} : memref<4x8192xi32, #tpu.memory_space<vmem>>, vector<16xi32>,
    %add3A_584 = arith.constant 0 : i32
    %add3A_585 = vector.broadcast %add3A_584 : i32 to vector<16xi32>
    %add3A_586 = arith.addi %add3A_585, %mul3A_8 : vector<16xi32>
    %add3A_587 = arith.addi %add3A_586, %get3A_583 : vector<16xi32>
    tpu.vector_store_idx %arg5[%add3A_587], %broadcast_in_dim3A_3 {add = true} : memref<4096xf32, #tpu.memory_space<vmem>>[vector<16xi32>], vector<16xf32>,
    %scan3A_588 = arith.constant 0 : i32
    %scan3A_589 = arith.constant 509 : i32
    %scan3A_590 = arith.addi %scan3A_520, %scan3A_589 : i32
    %mul3A_591 = arith.constant 16 : i32
    %mul3A_592 = arith.muli %scan3A_590, %mul3A_591 : i32
    %get3A_593 = arith.constant 0 : i32
    %get3A_594 = arith.index_cast %get3A_593 : i32 to index
    %get3A_595 = arith.index_cast %mul3A_592 : i32 to index
    %get3A_596 = tpu.vector_load %arg4[%get3A_594, %get3A_595] {strides = array<i32>} : memref<4x8192xi32, #tpu.memory_space<vmem>>, vector<16xi32>,
    %add3A_597 = arith.constant 0 : i32
    %add3A_598 = vector.broadcast %add3A_597 : i32 to vector<16xi32>
    %add3A_599 = arith.addi %add3A_598, %mul3A_8 : vector<16xi32>
    %add3A_600 = arith.addi %add3A_599, %get3A_596 : vector<16xi32>
    tpu.vector_store_idx %arg5[%add3A_600], %broadcast_in_dim3A_3 {add = true} : memref<4096xf32, #tpu.memory_space<vmem>>[vector<16xi32>], vector<16xf32>,
    %scan3A_601 = arith.constant 0 : i32
    %scan3A_602 = arith.constant 510 : i32
    %scan3A_603 = arith.addi %scan3A_520, %scan3A_602 : i32
    %mul3A_604 = arith.constant 16 : i32
    %mul3A_605 = arith.muli %scan3A_603, %mul3A_604 : i32
    %get3A_606 = arith.constant 0 : i32
    %get3A_607 = arith.index_cast %get3A_606 : i32 to index
    %get3A_608 = arith.index_cast %mul3A_605 : i32 to index
    %get3A_609 = tpu.vector_load %arg4[%get3A_607, %get3A_608] {strides = array<i32>} : memref<4x8192xi32, #tpu.memory_space<vmem>>, vector<16xi32>,
    %add3A_610 = arith.constant 0 : i32
    %add3A_611 = vector.broadcast %add3A_610 : i32 to vector<16xi32>
    %add3A_612 = arith.addi %add3A_611, %mul3A_8 : vector<16xi32>
    %add3A_613 = arith.addi %add3A_612, %get3A_609 : vector<16xi32>
    tpu.vector_store_idx %arg5[%add3A_613], %broadcast_in_dim3A_3 {add = true} : memref<4096xf32, #tpu.memory_space<vmem>>[vector<16xi32>], vector<16xf32>,
    %scan3A_614 = arith.constant 0 : i32
    %scan3A_615 = arith.constant 511 : i32
    %get3A_616 = arith.constant 0 : i32
    %get3A_617 = arith.index_cast %get3A_616 : i32 to index
    %get3A_618 = arith.constant 8176 : index
    %get3A_619 = tpu.vector_load %arg4[%get3A_617, %get3A_618] {strides = array<i32>} : memref<4x8192xi32, #tpu.memory_space<vmem>>, vector<16xi32>,
    %add3A_620 = arith.constant 0 : i32
    %add3A_621 = vector.broadcast %add3A_620 : i32 to vector<16xi32>
    %add3A_622 = arith.addi %add3A_621, %mul3A_8 : vector<16xi32>
    %add3A_623 = arith.addi %add3A_622, %get3A_619 : vector<16xi32>
    %lt3A = arith.constant 13 : i32
    %lt3A_624 = vector.broadcast %lt3A : i32 to vector<16xi32>
    %lt3A_625 = arith.cmpi slt, %iota3A, %lt3A_624 : vector<16xi32>
    tpu.vector_store_idx %arg5[%add3A_623], %broadcast_in_dim3A_3 masked %lt3A_625 {add = true} : memref<4096xf32, #tpu.memory_space<vmem>>[vector<16xi32>], vector<16xf32>, vector<16xi1>
    %get3A_626 = arith.constant 0 : index
    %get3A_627 = tpu.vector_load %arg5[%get3A_626] {strides = array<i32>} : memref<4096xf32, #tpu.memory_space<vmem>>, vector<16xf32>,
    %add3A_628 = arith.addf %broadcast_in_dim3A_5, %get3A_627 : vector<16xf32>
    %get3A_629 = arith.constant 64 : index
    %get3A_630 = tpu.vector_load %arg5[%get3A_629] {strides = array<i32>} : memref<4096xf32, #tpu.memory_space<vmem>>, vector<16xf32>,
    %add3A_631 = arith.addf %add3A_628, %get3A_630 : vector<16xf32>
    %get3A_632 = arith.constant 128 : index
    %get3A_633 = tpu.vector_load %arg5[%get3A_632] {strides = array<i32>} : memref<4096xf32, #tpu.memory_space<vmem>>, vector<16xf32>,
    %add3A_634 = arith.addf %add3A_631, %get3A_633 : vector<16xf32>
    %get3A_635 = arith.constant 192 : index
    %get3A_636 = tpu.vector_load %arg5[%get3A_635] {strides = array<i32>} : memref<4096xf32, #tpu.memory_space<vmem>>, vector<16xf32>,
    %add3A_637 = arith.addf %add3A_634, %get3A_636 : vector<16xf32>
    %get3A_638 = arith.constant 256 : index
    %get3A_639 = tpu.vector_load %arg5[%get3A_638] {strides = array<i32>} : memref<4096xf32, #tpu.memory_space<vmem>>, vector<16xf32>,
    %add3A_640 = arith.addf %add3A_637, %get3A_639 : vector<16xf32>
    %get3A_641 = arith.constant 320 : index
    %get3A_642 = tpu.vector_load %arg5[%get3A_641] {strides = array<i32>} : memref<4096xf32, #tpu.memory_space<vmem>>, vector<16xf32>,
    %add3A_643 = arith.addf %add3A_640, %get3A_642 : vector<16xf32>
    %get3A_644 = arith.constant 384 : index
    %get3A_645 = tpu.vector_load %arg5[%get3A_644] {strides = array<i32>} : memref<4096xf32, #tpu.memory_space<vmem>>, vector<16xf32>,
    %add3A_646 = arith.addf %add3A_643, %get3A_645 : vector<16xf32>
    %get3A_647 = arith.constant 448 : index
    %get3A_648 = tpu.vector_load %arg5[%get3A_647] {strides = array<i32>} : memref<4096xf32, #tpu.memory_space<vmem>>, vector<16xf32>,
    %add3A_649 = arith.addf %add3A_646, %get3A_648 : vector<16xf32>
    %get3A_650 = arith.constant 512 : index
    %get3A_651 = tpu.vector_load %arg5[%get3A_650] {strides = array<i32>} : memref<4096xf32, #tpu.memory_space<vmem>>, vector<16xf32>,
    %add3A_652 = arith.addf %add3A_649, %get3A_651 : vector<16xf32>
    %get3A_653 = arith.constant 576 : index
    %get3A_654 = tpu.vector_load %arg5[%get3A_653] {strides = array<i32>} : memref<4096xf32, #tpu.memory_space<vmem>>, vector<16xf32>,
    %add3A_655 = arith.addf %add3A_652, %get3A_654 : vector<16xf32>
    %get3A_656 = arith.constant 640 : index
    %get3A_657 = tpu.vector_load %arg5[%get3A_656] {strides = array<i32>} : memref<4096xf32, #tpu.memory_space<vmem>>, vector<16xf32>,
    %add3A_658 = arith.addf %add3A_655, %get3A_657 : vector<16xf32>
    %get3A_659 = arith.constant 704 : index
    %get3A_660 = tpu.vector_load %arg5[%get3A_659] {strides = array<i32>} : memref<4096xf32, #tpu.memory_space<vmem>>, vector<16xf32>,
    %add3A_661 = arith.addf %add3A_658, %get3A_660 : vector<16xf32>
    %get3A_662 = arith.constant 768 : index
    %get3A_663 = tpu.vector_load %arg5[%get3A_662] {strides = array<i32>} : memref<4096xf32, #tpu.memory_space<vmem>>, vector<16xf32>,
    %add3A_664 = arith.addf %add3A_661, %get3A_663 : vector<16xf32>
    %get3A_665 = arith.constant 832 : index
    %get3A_666 = tpu.vector_load %arg5[%get3A_665] {strides = array<i32>} : memref<4096xf32, #tpu.memory_space<vmem>>, vector<16xf32>,
    %add3A_667 = arith.addf %add3A_664, %get3A_666 : vector<16xf32>
    %get3A_668 = arith.constant 896 : index
    %get3A_669 = tpu.vector_load %arg5[%get3A_668] {strides = array<i32>} : memref<4096xf32, #tpu.memory_space<vmem>>, vector<16xf32>,
    %add3A_670 = arith.addf %add3A_667, %get3A_669 : vector<16xf32>
    %get3A_671 = arith.constant 960 : index
    %get3A_672 = tpu.vector_load %arg5[%get3A_671] {strides = array<i32>} : memref<4096xf32, #tpu.memory_space<vmem>>, vector<16xf32>,
    %add3A_673 = arith.addf %add3A_670, %get3A_672 : vector<16xf32>
    %swap3A_674 = arith.constant 0 : i32
    %swap3A_675 = arith.index_cast %swap3A_674 : i32 to index
    %swap3A_676 = arith.constant 0 : index
    %swap3A_677 = tpu.vector_load %arg6[%swap3A_675, %swap3A_676] {strides = array<i32>} : memref<4x64xf32, #tpu.memory_space<vmem>>, vector<16xf32>,
    tpu.vector_store %arg6[%swap3A_675, %swap3A_676], %add3A_673 {strides = array<i32>} : memref<4x64xf32, #tpu.memory_space<vmem>>, vector<16xf32>,
    %get3A_678 = arith.constant 16 : index
    %get3A_679 = tpu.vector_load %arg5[%get3A_678] {strides = array<i32>} : memref<4096xf32, #tpu.memory_space<vmem>>, vector<16xf32>,
    %add3A_680 = arith.addf %broadcast_in_dim3A_5, %get3A_679 : vector<16xf32>
    %get3A_681 = arith.constant 80 : index
    %get3A_682 = tpu.vector_load %arg5[%get3A_681] {strides = array<i32>} : memref<4096xf32, #tpu.memory_space<vmem>>, vector<16xf32>,
    %add3A_683 = arith.addf %add3A_680, %get3A_682 : vector<16xf32>
    %get3A_684 = arith.constant 144 : index
    %get3A_685 = tpu.vector_load %arg5[%get3A_684] {strides = array<i32>} : memref<4096xf32, #tpu.memory_space<vmem>>, vector<16xf32>,
    %add3A_686 = arith.addf %add3A_683, %get3A_685 : vector<16xf32>
    %get3A_687 = arith.constant 208 : index
    %get3A_688 = tpu.vector_load %arg5[%get3A_687] {strides = array<i32>} : memref<4096xf32, #tpu.memory_space<vmem>>, vector<16xf32>,
    %add3A_689 = arith.addf %add3A_686, %get3A_688 : vector<16xf32>
    %get3A_690 = arith.constant 272 : index
    %get3A_691 = tpu.vector_load %arg5[%get3A_690] {strides = array<i32>} : memref<4096xf32, #tpu.memory_space<vmem>>, vector<16xf32>,
    %add3A_692 = arith.addf %add3A_689, %get3A_691 : vector<16xf32>
    %get3A_693 = arith.constant 336 : index
    %get3A_694 = tpu.vector_load %arg5[%get3A_693] {strides = array<i32>} : memref<4096xf32, #tpu.memory_space<vmem>>, vector<16xf32>,
    %add3A_695 = arith.addf %add3A_692, %get3A_694 : vector<16xf32>
    %get3A_696 = arith.constant 400 : index
    %get3A_697 = tpu.vector_load %arg5[%get3A_696] {strides = array<i32>} : memref<4096xf32, #tpu.memory_space<vmem>>, vector<16xf32>,
    %add3A_698 = arith.addf %add3A_695, %get3A_697 : vector<16xf32>
    %get3A_699 = arith.constant 464 : index
    %get3A_700 = tpu.vector_load %arg5[%get3A_699] {strides = array<i32>} : memref<4096xf32, #tpu.memory_space<vmem>>, vector<16xf32>,
    %add3A_701 = arith.addf %add3A_698, %get3A_700 : vector<16xf32>
    %get3A_702 = arith.constant 528 : index
    %get3A_703 = tpu.vector_load %arg5[%get3A_702] {strides = array<i32>} : memref<4096xf32, #tpu.memory_space<vmem>>, vector<16xf32>,
    %add3A_704 = arith.addf %add3A_701, %get3A_703 : vector<16xf32>
    %get3A_705 = arith.constant 592 : index
    %get3A_706 = tpu.vector_load %arg5[%get3A_705] {strides = array<i32>} : memref<4096xf32, #tpu.memory_space<vmem>>, vector<16xf32>,
    %add3A_707 = arith.addf %add3A_704, %get3A_706 : vector<16xf32>
    %get3A_708 = arith.constant 656 : index
    %get3A_709 = tpu.vector_load %arg5[%get3A_708] {strides = array<i32>} : memref<4096xf32, #tpu.memory_space<vmem>>, vector<16xf32>,
    %add3A_710 = arith.addf %add3A_707, %get3A_709 : vector<16xf32>
    %get3A_711 = arith.constant 720 : index
    %get3A_712 = tpu.vector_load %arg5[%get3A_711] {strides = array<i32>} : memref<4096xf32, #tpu.memory_space<vmem>>, vector<16xf32>,
    %add3A_713 = arith.addf %add3A_710, %get3A_712 : vector<16xf32>
    %get3A_714 = arith.constant 784 : index
    %get3A_715 = tpu.vector_load %arg5[%get3A_714] {strides = array<i32>} : memref<4096xf32, #tpu.memory_space<vmem>>, vector<16xf32>,
    %add3A_716 = arith.addf %add3A_713, %get3A_715 : vector<16xf32>
    %get3A_717 = arith.constant 848 : index
    %get3A_718 = tpu.vector_load %arg5[%get3A_717] {strides = array<i32>} : memref<4096xf32, #tpu.memory_space<vmem>>, vector<16xf32>,
    %add3A_719 = arith.addf %add3A_716, %get3A_718 : vector<16xf32>
    %get3A_720 = arith.constant 912 : index
    %get3A_721 = tpu.vector_load %arg5[%get3A_720] {strides = array<i32>} : memref<4096xf32, #tpu.memory_space<vmem>>, vector<16xf32>,
    %add3A_722 = arith.addf %add3A_719, %get3A_721 : vector<16xf32>
    %get3A_723 = arith.constant 976 : index
    %get3A_724 = tpu.vector_load %arg5[%get3A_723] {strides = array<i32>} : memref<4096xf32, #tpu.memory_space<vmem>>, vector<16xf32>,
    %add3A_725 = arith.addf %add3A_722, %get3A_724 : vector<16xf32>
    %swap3A_726 = arith.constant 0 : i32
    %swap3A_727 = arith.index_cast %swap3A_726 : i32 to index
    %swap3A_728 = arith.constant 16 : index
    %swap3A_729 = tpu.vector_load %arg6[%swap3A_727, %swap3A_728] {strides = array<i32>} : memref<4x64xf32, #tpu.memory_space<vmem>>, vector<16xf32>,
    tpu.vector_store %arg6[%swap3A_727, %swap3A_728], %add3A_725 {strides = array<i32>} : memref<4x64xf32, #tpu.memory_space<vmem>>, vector<16xf32>,
    %get3A_730 = arith.constant 32 : index
    %get3A_731 = tpu.vector_load %arg5[%get3A_730] {strides = array<i32>} : memref<4096xf32, #tpu.memory_space<vmem>>, vector<16xf32>,
    %add3A_732 = arith.addf %broadcast_in_dim3A_5, %get3A_731 : vector<16xf32>
    %get3A_733 = arith.constant 96 : index
    %get3A_734 = tpu.vector_load %arg5[%get3A_733] {strides = array<i32>} : memref<4096xf32, #tpu.memory_space<vmem>>, vector<16xf32>,
    %add3A_735 = arith.addf %add3A_732, %get3A_734 : vector<16xf32>
    %get3A_736 = arith.constant 160 : index
    %get3A_737 = tpu.vector_load %arg5[%get3A_736] {strides = array<i32>} : memref<4096xf32, #tpu.memory_space<vmem>>, vector<16xf32>,
    %add3A_738 = arith.addf %add3A_735, %get3A_737 : vector<16xf32>
    %get3A_739 = arith.constant 224 : index
    %get3A_740 = tpu.vector_load %arg5[%get3A_739] {strides = array<i32>} : memref<4096xf32, #tpu.memory_space<vmem>>, vector<16xf32>,
    %add3A_741 = arith.addf %add3A_738, %get3A_740 : vector<16xf32>
    %get3A_742 = arith.constant 288 : index
    %get3A_743 = tpu.vector_load %arg5[%get3A_742] {strides = array<i32>} : memref<4096xf32, #tpu.memory_space<vmem>>, vector<16xf32>,
    %add3A_744 = arith.addf %add3A_741, %get3A_743 : vector<16xf32>
    %get3A_745 = arith.constant 352 : index
    %get3A_746 = tpu.vector_load %arg5[%get3A_745] {strides = array<i32>} : memref<4096xf32, #tpu.memory_space<vmem>>, vector<16xf32>,
    %add3A_747 = arith.addf %add3A_744, %get3A_746 : vector<16xf32>
    %get3A_748 = arith.constant 416 : index
    %get3A_749 = tpu.vector_load %arg5[%get3A_748] {strides = array<i32>} : memref<4096xf32, #tpu.memory_space<vmem>>, vector<16xf32>,
    %add3A_750 = arith.addf %add3A_747, %get3A_749 : vector<16xf32>
    %get3A_751 = arith.constant 480 : index
    %get3A_752 = tpu.vector_load %arg5[%get3A_751] {strides = array<i32>} : memref<4096xf32, #tpu.memory_space<vmem>>, vector<16xf32>,
    %add3A_753 = arith.addf %add3A_750, %get3A_752 : vector<16xf32>
    %get3A_754 = arith.constant 544 : index
    %get3A_755 = tpu.vector_load %arg5[%get3A_754] {strides = array<i32>} : memref<4096xf32, #tpu.memory_space<vmem>>, vector<16xf32>,
    %add3A_756 = arith.addf %add3A_753, %get3A_755 : vector<16xf32>
    %get3A_757 = arith.constant 608 : index
    %get3A_758 = tpu.vector_load %arg5[%get3A_757] {strides = array<i32>} : memref<4096xf32, #tpu.memory_space<vmem>>, vector<16xf32>,
    %add3A_759 = arith.addf %add3A_756, %get3A_758 : vector<16xf32>
    %get3A_760 = arith.constant 672 : index
    %get3A_761 = tpu.vector_load %arg5[%get3A_760] {strides = array<i32>} : memref<4096xf32, #tpu.memory_space<vmem>>, vector<16xf32>,
    %add3A_762 = arith.addf %add3A_759, %get3A_761 : vector<16xf32>
    %get3A_763 = arith.constant 736 : index
    %get3A_764 = tpu.vector_load %arg5[%get3A_763] {strides = array<i32>} : memref<4096xf32, #tpu.memory_space<vmem>>, vector<16xf32>,
    %add3A_765 = arith.addf %add3A_762, %get3A_764 : vector<16xf32>
    %get3A_766 = arith.constant 800 : index
    %get3A_767 = tpu.vector_load %arg5[%get3A_766] {strides = array<i32>} : memref<4096xf32, #tpu.memory_space<vmem>>, vector<16xf32>,
    %add3A_768 = arith.addf %add3A_765, %get3A_767 : vector<16xf32>
    %get3A_769 = arith.constant 864 : index
    %get3A_770 = tpu.vector_load %arg5[%get3A_769] {strides = array<i32>} : memref<4096xf32, #tpu.memory_space<vmem>>, vector<16xf32>,
    %add3A_771 = arith.addf %add3A_768, %get3A_770 : vector<16xf32>
    %get3A_772 = arith.constant 928 : index
    %get3A_773 = tpu.vector_load %arg5[%get3A_772] {strides = array<i32>} : memref<4096xf32, #tpu.memory_space<vmem>>, vector<16xf32>,
    %add3A_774 = arith.addf %add3A_771, %get3A_773 : vector<16xf32>
    %get3A_775 = arith.constant 992 : index
    %get3A_776 = tpu.vector_load %arg5[%get3A_775] {strides = array<i32>} : memref<4096xf32, #tpu.memory_space<vmem>>, vector<16xf32>,
    %add3A_777 = arith.addf %add3A_774, %get3A_776 : vector<16xf32>
    %swap3A_778 = arith.constant 0 : i32
    %swap3A_779 = arith.index_cast %swap3A_778 : i32 to index
    %swap3A_780 = arith.constant 32 : index
    %swap3A_781 = tpu.vector_load %arg6[%swap3A_779, %swap3A_780] {strides = array<i32>} : memref<4x64xf32, #tpu.memory_space<vmem>>, vector<16xf32>,
    tpu.vector_store %arg6[%swap3A_779, %swap3A_780], %add3A_777 {strides = array<i32>} : memref<4x64xf32, #tpu.memory_space<vmem>>, vector<16xf32>,
    %get3A_782 = arith.constant 48 : index
    %get3A_783 = tpu.vector_load %arg5[%get3A_782] {strides = array<i32>} : memref<4096xf32, #tpu.memory_space<vmem>>, vector<16xf32>,
    %add3A_784 = arith.addf %broadcast_in_dim3A_5, %get3A_783 : vector<16xf32>
    %get3A_785 = arith.constant 112 : index
    %get3A_786 = tpu.vector_load %arg5[%get3A_785] {strides = array<i32>} : memref<4096xf32, #tpu.memory_space<vmem>>, vector<16xf32>,
    %add3A_787 = arith.addf %add3A_784, %get3A_786 : vector<16xf32>
    %get3A_788 = arith.constant 176 : index
    %get3A_789 = tpu.vector_load %arg5[%get3A_788] {strides = array<i32>} : memref<4096xf32, #tpu.memory_space<vmem>>, vector<16xf32>,
    %add3A_790 = arith.addf %add3A_787, %get3A_789 : vector<16xf32>
    %get3A_791 = arith.constant 240 : index
    %get3A_792 = tpu.vector_load %arg5[%get3A_791] {strides = array<i32>} : memref<4096xf32, #tpu.memory_space<vmem>>, vector<16xf32>,
    %add3A_793 = arith.addf %add3A_790, %get3A_792 : vector<16xf32>
    %get3A_794 = arith.constant 304 : index
    %get3A_795 = tpu.vector_load %arg5[%get3A_794] {strides = array<i32>} : memref<4096xf32, #tpu.memory_space<vmem>>, vector<16xf32>,
    %add3A_796 = arith.addf %add3A_793, %get3A_795 : vector<16xf32>
    %get3A_797 = arith.constant 368 : index
    %get3A_798 = tpu.vector_load %arg5[%get3A_797] {strides = array<i32>} : memref<4096xf32, #tpu.memory_space<vmem>>, vector<16xf32>,
    %add3A_799 = arith.addf %add3A_796, %get3A_798 : vector<16xf32>
    %get3A_800 = arith.constant 432 : index
    %get3A_801 = tpu.vector_load %arg5[%get3A_800] {strides = array<i32>} : memref<4096xf32, #tpu.memory_space<vmem>>, vector<16xf32>,
    %add3A_802 = arith.addf %add3A_799, %get3A_801 : vector<16xf32>
    %get3A_803 = arith.constant 496 : index
    %get3A_804 = tpu.vector_load %arg5[%get3A_803] {strides = array<i32>} : memref<4096xf32, #tpu.memory_space<vmem>>, vector<16xf32>,
    %add3A_805 = arith.addf %add3A_802, %get3A_804 : vector<16xf32>
    %get3A_806 = arith.constant 560 : index
    %get3A_807 = tpu.vector_load %arg5[%get3A_806] {strides = array<i32>} : memref<4096xf32, #tpu.memory_space<vmem>>, vector<16xf32>,
    %add3A_808 = arith.addf %add3A_805, %get3A_807 : vector<16xf32>
    %get3A_809 = arith.constant 624 : index
    %get3A_810 = tpu.vector_load %arg5[%get3A_809] {strides = array<i32>} : memref<4096xf32, #tpu.memory_space<vmem>>, vector<16xf32>,
    %add3A_811 = arith.addf %add3A_808, %get3A_810 : vector<16xf32>
    %get3A_812 = arith.constant 688 : index
    %get3A_813 = tpu.vector_load %arg5[%get3A_812] {strides = array<i32>} : memref<4096xf32, #tpu.memory_space<vmem>>, vector<16xf32>,
    %add3A_814 = arith.addf %add3A_811, %get3A_813 : vector<16xf32>
    %get3A_815 = arith.constant 752 : index
    %get3A_816 = tpu.vector_load %arg5[%get3A_815] {strides = array<i32>} : memref<4096xf32, #tpu.memory_space<vmem>>, vector<16xf32>,
    %add3A_817 = arith.addf %add3A_814, %get3A_816 : vector<16xf32>
    %get3A_818 = arith.constant 816 : index
    %get3A_819 = tpu.vector_load %arg5[%get3A_818] {strides = array<i32>} : memref<4096xf32, #tpu.memory_space<vmem>>, vector<16xf32>,
    %add3A_820 = arith.addf %add3A_817, %get3A_819 : vector<16xf32>
    %get3A_821 = arith.constant 880 : index
    %get3A_822 = tpu.vector_load %arg5[%get3A_821] {strides = array<i32>} : memref<4096xf32, #tpu.memory_space<vmem>>, vector<16xf32>,
    %add3A_823 = arith.addf %add3A_820, %get3A_822 : vector<16xf32>
    %get3A_824 = arith.constant 944 : index
    %get3A_825 = tpu.vector_load %arg5[%get3A_824] {strides = array<i32>} : memref<4096xf32, #tpu.memory_space<vmem>>, vector<16xf32>,
    %add3A_826 = arith.addf %add3A_823, %get3A_825 : vector<16xf32>
    %get3A_827 = arith.constant 1008 : index
    %get3A_828 = tpu.vector_load %arg5[%get3A_827] {strides = array<i32>} : memref<4096xf32, #tpu.memory_space<vmem>>, vector<16xf32>,
    %add3A_829 = arith.addf %add3A_826, %get3A_828 : vector<16xf32>
    %swap3A_830 = arith.constant 0 : i32
    %swap3A_831 = arith.index_cast %swap3A_830 : i32 to index
    %swap3A_832 = arith.constant 48 : index
    %swap3A_833 = tpu.vector_load %arg6[%swap3A_831, %swap3A_832] {strides = array<i32>} : memref<4x64xf32, #tpu.memory_space<vmem>>, vector<16xf32>,
    tpu.vector_store %arg6[%swap3A_831, %swap3A_832], %add3A_829 {strides = array<i32>} : memref<4x64xf32, #tpu.memory_space<vmem>>, vector<16xf32>,
    %scan3A_834 = arith.constant 0 : i32
    %scan3A_835 = arith.constant 0 : i32
    %scan3A_836 = arith.constant 504 : i32
    %scan3A_837 = arith.addi %scan3A_835, %scan3A_836 : i32
    %scan3A_838 = arith.constant 8 : i32
    %scan3A_839 = scf.for %scan3A_1785 = %scan3A_835 to %scan3A_837 step %scan3A_838 iter_args(%scan3A_1786 = %scan3A_834) -> (i32)  : i32 {
      %mul3A_1787 = arith.constant 16 : i32
      %mul3A_1788 = arith.muli %scan3A_1785, %mul3A_1787 : i32
      %get3A_1789 = arith.constant 1 : i32
      %get3A_1790 = arith.index_cast %get3A_1789 : i32 to index
      %get3A_1791 = arith.index_cast %mul3A_1788 : i32 to index
      %get3A_1792 = tpu.vector_load %arg4[%get3A_1790, %get3A_1791] {strides = array<i32>} : memref<4x8192xi32, #tpu.memory_space<vmem>>, vector<16xi32>,
      %add3A_1793 = arith.constant 1024 : i32
      %add3A_1794 = vector.broadcast %add3A_1793 : i32 to vector<16xi32>
      %add3A_1795 = arith.addi %add3A_1794, %mul3A_8 : vector<16xi32>
      %add3A_1796 = arith.addi %add3A_1795, %get3A_1792 : vector<16xi32>
      tpu.vector_store_idx %arg5[%add3A_1796], %broadcast_in_dim3A_3 {add = true} : memref<4096xf32, #tpu.memory_space<vmem>>[vector<16xi32>], vector<16xf32>,
      %scan3A_1797 = arith.constant 0 : i32
      %scan3A_1798 = arith.constant 1 : i32
      %scan3A_1799 = arith.addi %scan3A_1785, %scan3A_1798 : i32
      %mul3A_1800 = arith.constant 16 : i32
      %mul3A_1801 = arith.muli %scan3A_1799, %mul3A_1800 : i32
      %get3A_1802 = arith.constant 1 : i32
      %get3A_1803 = arith.index_cast %get3A_1802 : i32 to index
      %get3A_1804 = arith.index_cast %mul3A_1801 : i32 to index
      %get3A_1805 = tpu.vector_load %arg4[%get3A_1803, %get3A_1804] {strides = array<i32>} : memref<4x8192xi32, #tpu.memory_space<vmem>>, vector<16xi32>,
      %add3A_1806 = arith.constant 1024 : i32
      %add3A_1807 = vector.broadcast %add3A_1806 : i32 to vector<16xi32>
      %add3A_1808 = arith.addi %add3A_1807, %mul3A_8 : vector<16xi32>
      %add3A_1809 = arith.addi %add3A_1808, %get3A_1805 : vector<16xi32>
      tpu.vector_store_idx %arg5[%add3A_1809], %broadcast_in_dim3A_3 {add = true} : memref<4096xf32, #tpu.memory_space<vmem>>[vector<16xi32>], vector<16xf32>,
      %scan3A_1810 = arith.constant 0 : i32
      %scan3A_1811 = arith.constant 2 : i32
      %scan3A_1812 = arith.addi %scan3A_1785, %scan3A_1811 : i32
      %mul3A_1813 = arith.constant 16 : i32
      %mul3A_1814 = arith.muli %scan3A_1812, %mul3A_1813 : i32
      %get3A_1815 = arith.constant 1 : i32
      %get3A_1816 = arith.index_cast %get3A_1815 : i32 to index
      %get3A_1817 = arith.index_cast %mul3A_1814 : i32 to index
      %get3A_1818 = tpu.vector_load %arg4[%get3A_1816, %get3A_1817] {strides = array<i32>} : memref<4x8192xi32, #tpu.memory_space<vmem>>, vector<16xi32>,
      %add3A_1819 = arith.constant 1024 : i32
      %add3A_1820 = vector.broadcast %add3A_1819 : i32 to vector<16xi32>
      %add3A_1821 = arith.addi %add3A_1820, %mul3A_8 : vector<16xi32>
      %add3A_1822 = arith.addi %add3A_1821, %get3A_1818 : vector<16xi32>
      tpu.vector_store_idx %arg5[%add3A_1822], %broadcast_in_dim3A_3 {add = true} : memref<4096xf32, #tpu.memory_space<vmem>>[vector<16xi32>], vector<16xf32>,
      %scan3A_1823 = arith.constant 0 : i32
      %scan3A_1824 = arith.constant 3 : i32
      %scan3A_1825 = arith.addi %scan3A_1785, %scan3A_1824 : i32
      %mul3A_1826 = arith.constant 16 : i32
      %mul3A_1827 = arith.muli %scan3A_1825, %mul3A_1826 : i32
      %get3A_1828 = arith.constant 1 : i32
      %get3A_1829 = arith.index_cast %get3A_1828 : i32 to index
      %get3A_1830 = arith.index_cast %mul3A_1827 : i32 to index
      %get3A_1831 = tpu.vector_load %arg4[%get3A_1829, %get3A_1830] {strides = array<i32>} : memref<4x8192xi32, #tpu.memory_space<vmem>>, vector<16xi32>,
      %add3A_1832 = arith.constant 1024 : i32
      %add3A_1833 = vector.broadcast %add3A_1832 : i32 to vector<16xi32>
      %add3A_1834 = arith.addi %add3A_1833, %mul3A_8 : vector<16xi32>
      %add3A_1835 = arith.addi %add3A_1834, %get3A_1831 : vector<16xi32>
      tpu.vector_store_idx %arg5[%add3A_1835], %broadcast_in_dim3A_3 {add = true} : memref<4096xf32, #tpu.memory_space<vmem>>[vector<16xi32>], vector<16xf32>,
      %scan3A_1836 = arith.constant 0 : i32
      %scan3A_1837 = arith.constant 4 : i32
      %scan3A_1838 = arith.addi %scan3A_1785, %scan3A_1837 : i32
      %mul3A_1839 = arith.constant 16 : i32
      %mul3A_1840 = arith.muli %scan3A_1838, %mul3A_1839 : i32
      %get3A_1841 = arith.constant 1 : i32
      %get3A_1842 = arith.index_cast %get3A_1841 : i32 to index
      %get3A_1843 = arith.index_cast %mul3A_1840 : i32 to index
      %get3A_1844 = tpu.vector_load %arg4[%get3A_1842, %get3A_1843] {strides = array<i32>} : memref<4x8192xi32, #tpu.memory_space<vmem>>, vector<16xi32>,
      %add3A_1845 = arith.constant 1024 : i32
      %add3A_1846 = vector.broadcast %add3A_1845 : i32 to vector<16xi32>
      %add3A_1847 = arith.addi %add3A_1846, %mul3A_8 : vector<16xi32>
      %add3A_1848 = arith.addi %add3A_1847, %get3A_1844 : vector<16xi32>
      tpu.vector_store_idx %arg5[%add3A_1848], %broadcast_in_dim3A_3 {add = true} : memref<4096xf32, #tpu.memory_space<vmem>>[vector<16xi32>], vector<16xf32>,
      %scan3A_1849 = arith.constant 0 : i32
      %scan3A_1850 = arith.constant 5 : i32
      %scan3A_1851 = arith.addi %scan3A_1785, %scan3A_1850 : i32
      %mul3A_1852 = arith.constant 16 : i32
      %mul3A_1853 = arith.muli %scan3A_1851, %mul3A_1852 : i32
      %get3A_1854 = arith.constant 1 : i32
      %get3A_1855 = arith.index_cast %get3A_1854 : i32 to index
      %get3A_1856 = arith.index_cast %mul3A_1853 : i32 to index
      %get3A_1857 = tpu.vector_load %arg4[%get3A_1855, %get3A_1856] {strides = array<i32>} : memref<4x8192xi32, #tpu.memory_space<vmem>>, vector<16xi32>,
      %add3A_1858 = arith.constant 1024 : i32
      %add3A_1859 = vector.broadcast %add3A_1858 : i32 to vector<16xi32>
      %add3A_1860 = arith.addi %add3A_1859, %mul3A_8 : vector<16xi32>
      %add3A_1861 = arith.addi %add3A_1860, %get3A_1857 : vector<16xi32>
      tpu.vector_store_idx %arg5[%add3A_1861], %broadcast_in_dim3A_3 {add = true} : memref<4096xf32, #tpu.memory_space<vmem>>[vector<16xi32>], vector<16xf32>,
      %scan3A_1862 = arith.constant 0 : i32
      %scan3A_1863 = arith.constant 6 : i32
      %scan3A_1864 = arith.addi %scan3A_1785, %scan3A_1863 : i32
      %mul3A_1865 = arith.constant 16 : i32
      %mul3A_1866 = arith.muli %scan3A_1864, %mul3A_1865 : i32
      %get3A_1867 = arith.constant 1 : i32
      %get3A_1868 = arith.index_cast %get3A_1867 : i32 to index
      %get3A_1869 = arith.index_cast %mul3A_1866 : i32 to index
      %get3A_1870 = tpu.vector_load %arg4[%get3A_1868, %get3A_1869] {strides = array<i32>} : memref<4x8192xi32, #tpu.memory_space<vmem>>, vector<16xi32>,
      %add3A_1871 = arith.constant 1024 : i32
      %add3A_1872 = vector.broadcast %add3A_1871 : i32 to vector<16xi32>
      %add3A_1873 = arith.addi %add3A_1872, %mul3A_8 : vector<16xi32>
      %add3A_1874 = arith.addi %add3A_1873, %get3A_1870 : vector<16xi32>
      tpu.vector_store_idx %arg5[%add3A_1874], %broadcast_in_dim3A_3 {add = true} : memref<4096xf32, #tpu.memory_space<vmem>>[vector<16xi32>], vector<16xf32>,
      %scan3A_1875 = arith.constant 0 : i32
      %scan3A_1876 = arith.constant 7 : i32
      %scan3A_1877 = arith.addi %scan3A_1785, %scan3A_1876 : i32
      %mul3A_1878 = arith.constant 16 : i32
      %mul3A_1879 = arith.muli %scan3A_1877, %mul3A_1878 : i32
      %get3A_1880 = arith.constant 1 : i32
      %get3A_1881 = arith.index_cast %get3A_1880 : i32 to index
      %get3A_1882 = arith.index_cast %mul3A_1879 : i32 to index
      %get3A_1883 = tpu.vector_load %arg4[%get3A_1881, %get3A_1882] {strides = array<i32>} : memref<4x8192xi32, #tpu.memory_space<vmem>>, vector<16xi32>,
      %add3A_1884 = arith.constant 1024 : i32
      %add3A_1885 = vector.broadcast %add3A_1884 : i32 to vector<16xi32>
      %add3A_1886 = arith.addi %add3A_1885, %mul3A_8 : vector<16xi32>
      %add3A_1887 = arith.addi %add3A_1886, %get3A_1883 : vector<16xi32>
      tpu.vector_store_idx %arg5[%add3A_1887], %broadcast_in_dim3A_3 {add = true} : memref<4096xf32, #tpu.memory_space<vmem>>[vector<16xi32>], vector<16xf32>,
      %scan3A_1888 = arith.constant 0 : i32
      scf.yield %scan3A_1888 : i32
    }
    %scan3A_840 = arith.constant 504 : i32
    %scan3A_841 = arith.addi %scan3A_835, %scan3A_840 : i32
    %mul3A_842 = arith.constant 16 : i32
    %mul3A_843 = arith.muli %scan3A_841, %mul3A_842 : i32
    %get3A_844 = arith.constant 1 : i32
    %get3A_845 = arith.index_cast %get3A_844 : i32 to index
    %get3A_846 = arith.index_cast %mul3A_843 : i32 to index
    %get3A_847 = tpu.vector_load %arg4[%get3A_845, %get3A_846] {strides = array<i32>} : memref<4x8192xi32, #tpu.memory_space<vmem>>, vector<16xi32>,
    %add3A_848 = arith.constant 1024 : i32
    %add3A_849 = vector.broadcast %add3A_848 : i32 to vector<16xi32>
    %add3A_850 = arith.addi %add3A_849, %mul3A_8 : vector<16xi32>
    %add3A_851 = arith.addi %add3A_850, %get3A_847 : vector<16xi32>
    tpu.vector_store_idx %arg5[%add3A_851], %broadcast_in_dim3A_3 {add = true} : memref<4096xf32, #tpu.memory_space<vmem>>[vector<16xi32>], vector<16xf32>,
    %scan3A_852 = arith.constant 0 : i32
    %scan3A_853 = arith.constant 505 : i32
    %scan3A_854 = arith.addi %scan3A_835, %scan3A_853 : i32
    %mul3A_855 = arith.constant 16 : i32
    %mul3A_856 = arith.muli %scan3A_854, %mul3A_855 : i32
    %get3A_857 = arith.constant 1 : i32
    %get3A_858 = arith.index_cast %get3A_857 : i32 to index
    %get3A_859 = arith.index_cast %mul3A_856 : i32 to index
    %get3A_860 = tpu.vector_load %arg4[%get3A_858, %get3A_859] {strides = array<i32>} : memref<4x8192xi32, #tpu.memory_space<vmem>>, vector<16xi32>,
    %add3A_861 = arith.constant 1024 : i32
    %add3A_862 = vector.broadcast %add3A_861 : i32 to vector<16xi32>
    %add3A_863 = arith.addi %add3A_862, %mul3A_8 : vector<16xi32>
    %add3A_864 = arith.addi %add3A_863, %get3A_860 : vector<16xi32>
    tpu.vector_store_idx %arg5[%add3A_864], %broadcast_in_dim3A_3 {add = true} : memref<4096xf32, #tpu.memory_space<vmem>>[vector<16xi32>], vector<16xf32>,
    %scan3A_865 = arith.constant 0 : i32
    %scan3A_866 = arith.constant 506 : i32
    %scan3A_867 = arith.addi %scan3A_835, %scan3A_866 : i32
    %mul3A_868 = arith.constant 16 : i32
    %mul3A_869 = arith.muli %scan3A_867, %mul3A_868 : i32
    %get3A_870 = arith.constant 1 : i32
    %get3A_871 = arith.index_cast %get3A_870 : i32 to index
    %get3A_872 = arith.index_cast %mul3A_869 : i32 to index
    %get3A_873 = tpu.vector_load %arg4[%get3A_871, %get3A_872] {strides = array<i32>} : memref<4x8192xi32, #tpu.memory_space<vmem>>, vector<16xi32>,
    %add3A_874 = arith.constant 1024 : i32
    %add3A_875 = vector.broadcast %add3A_874 : i32 to vector<16xi32>
    %add3A_876 = arith.addi %add3A_875, %mul3A_8 : vector<16xi32>
    %add3A_877 = arith.addi %add3A_876, %get3A_873 : vector<16xi32>
    tpu.vector_store_idx %arg5[%add3A_877], %broadcast_in_dim3A_3 {add = true} : memref<4096xf32, #tpu.memory_space<vmem>>[vector<16xi32>], vector<16xf32>,
    %scan3A_878 = arith.constant 0 : i32
    %scan3A_879 = arith.constant 507 : i32
    %scan3A_880 = arith.addi %scan3A_835, %scan3A_879 : i32
    %mul3A_881 = arith.constant 16 : i32
    %mul3A_882 = arith.muli %scan3A_880, %mul3A_881 : i32
    %get3A_883 = arith.constant 1 : i32
    %get3A_884 = arith.index_cast %get3A_883 : i32 to index
    %get3A_885 = arith.index_cast %mul3A_882 : i32 to index
    %get3A_886 = tpu.vector_load %arg4[%get3A_884, %get3A_885] {strides = array<i32>} : memref<4x8192xi32, #tpu.memory_space<vmem>>, vector<16xi32>,
    %add3A_887 = arith.constant 1024 : i32
    %add3A_888 = vector.broadcast %add3A_887 : i32 to vector<16xi32>
    %add3A_889 = arith.addi %add3A_888, %mul3A_8 : vector<16xi32>
    %add3A_890 = arith.addi %add3A_889, %get3A_886 : vector<16xi32>
    tpu.vector_store_idx %arg5[%add3A_890], %broadcast_in_dim3A_3 {add = true} : memref<4096xf32, #tpu.memory_space<vmem>>[vector<16xi32>], vector<16xf32>,
    %scan3A_891 = arith.constant 0 : i32
    %scan3A_892 = arith.constant 508 : i32
    %scan3A_893 = arith.addi %scan3A_835, %scan3A_892 : i32
    %mul3A_894 = arith.constant 16 : i32
    %mul3A_895 = arith.muli %scan3A_893, %mul3A_894 : i32
    %get3A_896 = arith.constant 1 : i32
    %get3A_897 = arith.index_cast %get3A_896 : i32 to index
    %get3A_898 = arith.index_cast %mul3A_895 : i32 to index
    %get3A_899 = tpu.vector_load %arg4[%get3A_897, %get3A_898] {strides = array<i32>} : memref<4x8192xi32, #tpu.memory_space<vmem>>, vector<16xi32>,
    %add3A_900 = arith.constant 1024 : i32
    %add3A_901 = vector.broadcast %add3A_900 : i32 to vector<16xi32>
    %add3A_902 = arith.addi %add3A_901, %mul3A_8 : vector<16xi32>
    %add3A_903 = arith.addi %add3A_902, %get3A_899 : vector<16xi32>
    tpu.vector_store_idx %arg5[%add3A_903], %broadcast_in_dim3A_3 {add = true} : memref<4096xf32, #tpu.memory_space<vmem>>[vector<16xi32>], vector<16xf32>,
    %scan3A_904 = arith.constant 0 : i32
    %scan3A_905 = arith.constant 509 : i32
    %scan3A_906 = arith.addi %scan3A_835, %scan3A_905 : i32
    %mul3A_907 = arith.constant 16 : i32
    %mul3A_908 = arith.muli %scan3A_906, %mul3A_907 : i32
    %get3A_909 = arith.constant 1 : i32
    %get3A_910 = arith.index_cast %get3A_909 : i32 to index
    %get3A_911 = arith.index_cast %mul3A_908 : i32 to index
    %get3A_912 = tpu.vector_load %arg4[%get3A_910, %get3A_911] {strides = array<i32>} : memref<4x8192xi32, #tpu.memory_space<vmem>>, vector<16xi32>,
    %add3A_913 = arith.constant 1024 : i32
    %add3A_914 = vector.broadcast %add3A_913 : i32 to vector<16xi32>
    %add3A_915 = arith.addi %add3A_914, %mul3A_8 : vector<16xi32>
    %add3A_916 = arith.addi %add3A_915, %get3A_912 : vector<16xi32>
    tpu.vector_store_idx %arg5[%add3A_916], %broadcast_in_dim3A_3 {add = true} : memref<4096xf32, #tpu.memory_space<vmem>>[vector<16xi32>], vector<16xf32>,
    %scan3A_917 = arith.constant 0 : i32
    %scan3A_918 = arith.constant 510 : i32
    %scan3A_919 = arith.addi %scan3A_835, %scan3A_918 : i32
    %mul3A_920 = arith.constant 16 : i32
    %mul3A_921 = arith.muli %scan3A_919, %mul3A_920 : i32
    %get3A_922 = arith.constant 1 : i32
    %get3A_923 = arith.index_cast %get3A_922 : i32 to index
    %get3A_924 = arith.index_cast %mul3A_921 : i32 to index
    %get3A_925 = tpu.vector_load %arg4[%get3A_923, %get3A_924] {strides = array<i32>} : memref<4x8192xi32, #tpu.memory_space<vmem>>, vector<16xi32>,
    %add3A_926 = arith.constant 1024 : i32
    %add3A_927 = vector.broadcast %add3A_926 : i32 to vector<16xi32>
    %add3A_928 = arith.addi %add3A_927, %mul3A_8 : vector<16xi32>
    %add3A_929 = arith.addi %add3A_928, %get3A_925 : vector<16xi32>
    tpu.vector_store_idx %arg5[%add3A_929], %broadcast_in_dim3A_3 {add = true} : memref<4096xf32, #tpu.memory_space<vmem>>[vector<16xi32>], vector<16xf32>,
    %scan3A_930 = arith.constant 0 : i32
    %scan3A_931 = arith.constant 511 : i32
    %get3A_932 = arith.constant 1 : i32
    %get3A_933 = arith.index_cast %get3A_932 : i32 to index
    %get3A_934 = arith.constant 8176 : index
    %get3A_935 = tpu.vector_load %arg4[%get3A_933, %get3A_934] {strides = array<i32>} : memref<4x8192xi32, #tpu.memory_space<vmem>>, vector<16xi32>,
    %add3A_936 = arith.constant 1024 : i32
    %add3A_937 = vector.broadcast %add3A_936 : i32 to vector<16xi32>
    %add3A_938 = arith.addi %add3A_937, %mul3A_8 : vector<16xi32>
    %add3A_939 = arith.addi %add3A_938, %get3A_935 : vector<16xi32>
    %lt3A_940 = arith.constant 13 : i32
    %lt3A_941 = vector.broadcast %lt3A_940 : i32 to vector<16xi32>
    %lt3A_942 = arith.cmpi slt, %iota3A, %lt3A_941 : vector<16xi32>
    tpu.vector_store_idx %arg5[%add3A_939], %broadcast_in_dim3A_3 masked %lt3A_942 {add = true} : memref<4096xf32, #tpu.memory_space<vmem>>[vector<16xi32>], vector<16xf32>, vector<16xi1>
    %get3A_943 = arith.constant 1024 : index
    %get3A_944 = tpu.vector_load %arg5[%get3A_943] {strides = array<i32>} : memref<4096xf32, #tpu.memory_space<vmem>>, vector<16xf32>,
    %add3A_945 = arith.addf %broadcast_in_dim3A_5, %get3A_944 : vector<16xf32>
    %get3A_946 = arith.constant 1088 : index
    %get3A_947 = tpu.vector_load %arg5[%get3A_946] {strides = array<i32>} : memref<4096xf32, #tpu.memory_space<vmem>>, vector<16xf32>,
    %add3A_948 = arith.addf %add3A_945, %get3A_947 : vector<16xf32>
    %get3A_949 = arith.constant 1152 : index
    %get3A_950 = tpu.vector_load %arg5[%get3A_949] {strides = array<i32>} : memref<4096xf32, #tpu.memory_space<vmem>>, vector<16xf32>,
    %add3A_951 = arith.addf %add3A_948, %get3A_950 : vector<16xf32>
    %get3A_952 = arith.constant 1216 : index
    %get3A_953 = tpu.vector_load %arg5[%get3A_952] {strides = array<i32>} : memref<4096xf32, #tpu.memory_space<vmem>>, vector<16xf32>,
    %add3A_954 = arith.addf %add3A_951, %get3A_953 : vector<16xf32>
    %get3A_955 = arith.constant 1280 : index
    %get3A_956 = tpu.vector_load %arg5[%get3A_955] {strides = array<i32>} : memref<4096xf32, #tpu.memory_space<vmem>>, vector<16xf32>,
    %add3A_957 = arith.addf %add3A_954, %get3A_956 : vector<16xf32>
    %get3A_958 = arith.constant 1344 : index
    %get3A_959 = tpu.vector_load %arg5[%get3A_958] {strides = array<i32>} : memref<4096xf32, #tpu.memory_space<vmem>>, vector<16xf32>,
    %add3A_960 = arith.addf %add3A_957, %get3A_959 : vector<16xf32>
    %get3A_961 = arith.constant 1408 : index
    %get3A_962 = tpu.vector_load %arg5[%get3A_961] {strides = array<i32>} : memref<4096xf32, #tpu.memory_space<vmem>>, vector<16xf32>,
    %add3A_963 = arith.addf %add3A_960, %get3A_962 : vector<16xf32>
    %get3A_964 = arith.constant 1472 : index
    %get3A_965 = tpu.vector_load %arg5[%get3A_964] {strides = array<i32>} : memref<4096xf32, #tpu.memory_space<vmem>>, vector<16xf32>,
    %add3A_966 = arith.addf %add3A_963, %get3A_965 : vector<16xf32>
    %get3A_967 = arith.constant 1536 : index
    %get3A_968 = tpu.vector_load %arg5[%get3A_967] {strides = array<i32>} : memref<4096xf32, #tpu.memory_space<vmem>>, vector<16xf32>,
    %add3A_969 = arith.addf %add3A_966, %get3A_968 : vector<16xf32>
    %get3A_970 = arith.constant 1600 : index
    %get3A_971 = tpu.vector_load %arg5[%get3A_970] {strides = array<i32>} : memref<4096xf32, #tpu.memory_space<vmem>>, vector<16xf32>,
    %add3A_972 = arith.addf %add3A_969, %get3A_971 : vector<16xf32>
    %get3A_973 = arith.constant 1664 : index
    %get3A_974 = tpu.vector_load %arg5[%get3A_973] {strides = array<i32>} : memref<4096xf32, #tpu.memory_space<vmem>>, vector<16xf32>,
    %add3A_975 = arith.addf %add3A_972, %get3A_974 : vector<16xf32>
    %get3A_976 = arith.constant 1728 : index
    %get3A_977 = tpu.vector_load %arg5[%get3A_976] {strides = array<i32>} : memref<4096xf32, #tpu.memory_space<vmem>>, vector<16xf32>,
    %add3A_978 = arith.addf %add3A_975, %get3A_977 : vector<16xf32>
    %get3A_979 = arith.constant 1792 : index
    %get3A_980 = tpu.vector_load %arg5[%get3A_979] {strides = array<i32>} : memref<4096xf32, #tpu.memory_space<vmem>>, vector<16xf32>,
    %add3A_981 = arith.addf %add3A_978, %get3A_980 : vector<16xf32>
    %get3A_982 = arith.constant 1856 : index
    %get3A_983 = tpu.vector_load %arg5[%get3A_982] {strides = array<i32>} : memref<4096xf32, #tpu.memory_space<vmem>>, vector<16xf32>,
    %add3A_984 = arith.addf %add3A_981, %get3A_983 : vector<16xf32>
    %get3A_985 = arith.constant 1920 : index
    %get3A_986 = tpu.vector_load %arg5[%get3A_985] {strides = array<i32>} : memref<4096xf32, #tpu.memory_space<vmem>>, vector<16xf32>,
    %add3A_987 = arith.addf %add3A_984, %get3A_986 : vector<16xf32>
    %get3A_988 = arith.constant 1984 : index
    %get3A_989 = tpu.vector_load %arg5[%get3A_988] {strides = array<i32>} : memref<4096xf32, #tpu.memory_space<vmem>>, vector<16xf32>,
    %add3A_990 = arith.addf %add3A_987, %get3A_989 : vector<16xf32>
    %swap3A_991 = arith.constant 1 : i32
    %swap3A_992 = arith.index_cast %swap3A_991 : i32 to index
    %swap3A_993 = arith.constant 0 : index
    %swap3A_994 = tpu.vector_load %arg6[%swap3A_992, %swap3A_993] {strides = array<i32>} : memref<4x64xf32, #tpu.memory_space<vmem>>, vector<16xf32>,
    tpu.vector_store %arg6[%swap3A_992, %swap3A_993], %add3A_990 {strides = array<i32>} : memref<4x64xf32, #tpu.memory_space<vmem>>, vector<16xf32>,
    %get3A_995 = arith.constant 1040 : index
    %get3A_996 = tpu.vector_load %arg5[%get3A_995] {strides = array<i32>} : memref<4096xf32, #tpu.memory_space<vmem>>, vector<16xf32>,
    %add3A_997 = arith.addf %broadcast_in_dim3A_5, %get3A_996 : vector<16xf32>
    %get3A_998 = arith.constant 1104 : index
    %get3A_999 = tpu.vector_load %arg5[%get3A_998] {strides = array<i32>} : memref<4096xf32, #tpu.memory_space<vmem>>, vector<16xf32>,
    %add3A_1000 = arith.addf %add3A_997, %get3A_999 : vector<16xf32>
    %get3A_1001 = arith.constant 1168 : index
    %get3A_1002 = tpu.vector_load %arg5[%get3A_1001] {strides = array<i32>} : memref<4096xf32, #tpu.memory_space<vmem>>, vector<16xf32>,
    %add3A_1003 = arith.addf %add3A_1000, %get3A_1002 : vector<16xf32>
    %get3A_1004 = arith.constant 1232 : index
    %get3A_1005 = tpu.vector_load %arg5[%get3A_1004] {strides = array<i32>} : memref<4096xf32, #tpu.memory_space<vmem>>, vector<16xf32>,
    %add3A_1006 = arith.addf %add3A_1003, %get3A_1005 : vector<16xf32>
    %get3A_1007 = arith.constant 1296 : index
    %get3A_1008 = tpu.vector_load %arg5[%get3A_1007] {strides = array<i32>} : memref<4096xf32, #tpu.memory_space<vmem>>, vector<16xf32>,
    %add3A_1009 = arith.addf %add3A_1006, %get3A_1008 : vector<16xf32>
    %get3A_1010 = arith.constant 1360 : index
    %get3A_1011 = tpu.vector_load %arg5[%get3A_1010] {strides = array<i32>} : memref<4096xf32, #tpu.memory_space<vmem>>, vector<16xf32>,
    %add3A_1012 = arith.addf %add3A_1009, %get3A_1011 : vector<16xf32>
    %get3A_1013 = arith.constant 1424 : index
    %get3A_1014 = tpu.vector_load %arg5[%get3A_1013] {strides = array<i32>} : memref<4096xf32, #tpu.memory_space<vmem>>, vector<16xf32>,
    %add3A_1015 = arith.addf %add3A_1012, %get3A_1014 : vector<16xf32>
    %get3A_1016 = arith.constant 1488 : index
    %get3A_1017 = tpu.vector_load %arg5[%get3A_1016] {strides = array<i32>} : memref<4096xf32, #tpu.memory_space<vmem>>, vector<16xf32>,
    %add3A_1018 = arith.addf %add3A_1015, %get3A_1017 : vector<16xf32>
    %get3A_1019 = arith.constant 1552 : index
    %get3A_1020 = tpu.vector_load %arg5[%get3A_1019] {strides = array<i32>} : memref<4096xf32, #tpu.memory_space<vmem>>, vector<16xf32>,
    %add3A_1021 = arith.addf %add3A_1018, %get3A_1020 : vector<16xf32>
    %get3A_1022 = arith.constant 1616 : index
    %get3A_1023 = tpu.vector_load %arg5[%get3A_1022] {strides = array<i32>} : memref<4096xf32, #tpu.memory_space<vmem>>, vector<16xf32>,
    %add3A_1024 = arith.addf %add3A_1021, %get3A_1023 : vector<16xf32>
    %get3A_1025 = arith.constant 1680 : index
    %get3A_1026 = tpu.vector_load %arg5[%get3A_1025] {strides = array<i32>} : memref<4096xf32, #tpu.memory_space<vmem>>, vector<16xf32>,
    %add3A_1027 = arith.addf %add3A_1024, %get3A_1026 : vector<16xf32>
    %get3A_1028 = arith.constant 1744 : index
    %get3A_1029 = tpu.vector_load %arg5[%get3A_1028] {strides = array<i32>} : memref<4096xf32, #tpu.memory_space<vmem>>, vector<16xf32>,
    %add3A_1030 = arith.addf %add3A_1027, %get3A_1029 : vector<16xf32>
    %get3A_1031 = arith.constant 1808 : index
    %get3A_1032 = tpu.vector_load %arg5[%get3A_1031] {strides = array<i32>} : memref<4096xf32, #tpu.memory_space<vmem>>, vector<16xf32>,
    %add3A_1033 = arith.addf %add3A_1030, %get3A_1032 : vector<16xf32>
    %get3A_1034 = arith.constant 1872 : index
    %get3A_1035 = tpu.vector_load %arg5[%get3A_1034] {strides = array<i32>} : memref<4096xf32, #tpu.memory_space<vmem>>, vector<16xf32>,
    %add3A_1036 = arith.addf %add3A_1033, %get3A_1035 : vector<16xf32>
    %get3A_1037 = arith.constant 1936 : index
    %get3A_1038 = tpu.vector_load %arg5[%get3A_1037] {strides = array<i32>} : memref<4096xf32, #tpu.memory_space<vmem>>, vector<16xf32>,
    %add3A_1039 = arith.addf %add3A_1036, %get3A_1038 : vector<16xf32>
    %get3A_1040 = arith.constant 2000 : index
    %get3A_1041 = tpu.vector_load %arg5[%get3A_1040] {strides = array<i32>} : memref<4096xf32, #tpu.memory_space<vmem>>, vector<16xf32>,
    %add3A_1042 = arith.addf %add3A_1039, %get3A_1041 : vector<16xf32>
    %swap3A_1043 = arith.constant 1 : i32
    %swap3A_1044 = arith.index_cast %swap3A_1043 : i32 to index
    %swap3A_1045 = arith.constant 16 : index
    %swap3A_1046 = tpu.vector_load %arg6[%swap3A_1044, %swap3A_1045] {strides = array<i32>} : memref<4x64xf32, #tpu.memory_space<vmem>>, vector<16xf32>,
    tpu.vector_store %arg6[%swap3A_1044, %swap3A_1045], %add3A_1042 {strides = array<i32>} : memref<4x64xf32, #tpu.memory_space<vmem>>, vector<16xf32>,
    %get3A_1047 = arith.constant 1056 : index
    %get3A_1048 = tpu.vector_load %arg5[%get3A_1047] {strides = array<i32>} : memref<4096xf32, #tpu.memory_space<vmem>>, vector<16xf32>,
    %add3A_1049 = arith.addf %broadcast_in_dim3A_5, %get3A_1048 : vector<16xf32>
    %get3A_1050 = arith.constant 1120 : index
    %get3A_1051 = tpu.vector_load %arg5[%get3A_1050] {strides = array<i32>} : memref<4096xf32, #tpu.memory_space<vmem>>, vector<16xf32>,
    %add3A_1052 = arith.addf %add3A_1049, %get3A_1051 : vector<16xf32>
    %get3A_1053 = arith.constant 1184 : index
    %get3A_1054 = tpu.vector_load %arg5[%get3A_1053] {strides = array<i32>} : memref<4096xf32, #tpu.memory_space<vmem>>, vector<16xf32>,
    %add3A_1055 = arith.addf %add3A_1052, %get3A_1054 : vector<16xf32>
    %get3A_1056 = arith.constant 1248 : index
    %get3A_1057 = tpu.vector_load %arg5[%get3A_1056] {strides = array<i32>} : memref<4096xf32, #tpu.memory_space<vmem>>, vector<16xf32>,
    %add3A_1058 = arith.addf %add3A_1055, %get3A_1057 : vector<16xf32>
    %get3A_1059 = arith.constant 1312 : index
    %get3A_1060 = tpu.vector_load %arg5[%get3A_1059] {strides = array<i32>} : memref<4096xf32, #tpu.memory_space<vmem>>, vector<16xf32>,
    %add3A_1061 = arith.addf %add3A_1058, %get3A_1060 : vector<16xf32>
    %get3A_1062 = arith.constant 1376 : index
    %get3A_1063 = tpu.vector_load %arg5[%get3A_1062] {strides = array<i32>} : memref<4096xf32, #tpu.memory_space<vmem>>, vector<16xf32>,
    %add3A_1064 = arith.addf %add3A_1061, %get3A_1063 : vector<16xf32>
    %get3A_1065 = arith.constant 1440 : index
    %get3A_1066 = tpu.vector_load %arg5[%get3A_1065] {strides = array<i32>} : memref<4096xf32, #tpu.memory_space<vmem>>, vector<16xf32>,
    %add3A_1067 = arith.addf %add3A_1064, %get3A_1066 : vector<16xf32>
    %get3A_1068 = arith.constant 1504 : index
    %get3A_1069 = tpu.vector_load %arg5[%get3A_1068] {strides = array<i32>} : memref<4096xf32, #tpu.memory_space<vmem>>, vector<16xf32>,
    %add3A_1070 = arith.addf %add3A_1067, %get3A_1069 : vector<16xf32>
    %get3A_1071 = arith.constant 1568 : index
    %get3A_1072 = tpu.vector_load %arg5[%get3A_1071] {strides = array<i32>} : memref<4096xf32, #tpu.memory_space<vmem>>, vector<16xf32>,
    %add3A_1073 = arith.addf %add3A_1070, %get3A_1072 : vector<16xf32>
    %get3A_1074 = arith.constant 1632 : index
    %get3A_1075 = tpu.vector_load %arg5[%get3A_1074] {strides = array<i32>} : memref<4096xf32, #tpu.memory_space<vmem>>, vector<16xf32>,
    %add3A_1076 = arith.addf %add3A_1073, %get3A_1075 : vector<16xf32>
    %get3A_1077 = arith.constant 1696 : index
    %get3A_1078 = tpu.vector_load %arg5[%get3A_1077] {strides = array<i32>} : memref<4096xf32, #tpu.memory_space<vmem>>, vector<16xf32>,
    %add3A_1079 = arith.addf %add3A_1076, %get3A_1078 : vector<16xf32>
    %get3A_1080 = arith.constant 1760 : index
    %get3A_1081 = tpu.vector_load %arg5[%get3A_1080] {strides = array<i32>} : memref<4096xf32, #tpu.memory_space<vmem>>, vector<16xf32>,
    %add3A_1082 = arith.addf %add3A_1079, %get3A_1081 : vector<16xf32>
    %get3A_1083 = arith.constant 1824 : index
    %get3A_1084 = tpu.vector_load %arg5[%get3A_1083] {strides = array<i32>} : memref<4096xf32, #tpu.memory_space<vmem>>, vector<16xf32>,
    %add3A_1085 = arith.addf %add3A_1082, %get3A_1084 : vector<16xf32>
    %get3A_1086 = arith.constant 1888 : index
    %get3A_1087 = tpu.vector_load %arg5[%get3A_1086] {strides = array<i32>} : memref<4096xf32, #tpu.memory_space<vmem>>, vector<16xf32>,
    %add3A_1088 = arith.addf %add3A_1085, %get3A_1087 : vector<16xf32>
    %get3A_1089 = arith.constant 1952 : index
    %get3A_1090 = tpu.vector_load %arg5[%get3A_1089] {strides = array<i32>} : memref<4096xf32, #tpu.memory_space<vmem>>, vector<16xf32>,
    %add3A_1091 = arith.addf %add3A_1088, %get3A_1090 : vector<16xf32>
    %get3A_1092 = arith.constant 2016 : index
    %get3A_1093 = tpu.vector_load %arg5[%get3A_1092] {strides = array<i32>} : memref<4096xf32, #tpu.memory_space<vmem>>, vector<16xf32>,
    %add3A_1094 = arith.addf %add3A_1091, %get3A_1093 : vector<16xf32>
    %swap3A_1095 = arith.constant 1 : i32
    %swap3A_1096 = arith.index_cast %swap3A_1095 : i32 to index
    %swap3A_1097 = arith.constant 32 : index
    %swap3A_1098 = tpu.vector_load %arg6[%swap3A_1096, %swap3A_1097] {strides = array<i32>} : memref<4x64xf32, #tpu.memory_space<vmem>>, vector<16xf32>,
    tpu.vector_store %arg6[%swap3A_1096, %swap3A_1097], %add3A_1094 {strides = array<i32>} : memref<4x64xf32, #tpu.memory_space<vmem>>, vector<16xf32>,
    %get3A_1099 = arith.constant 1072 : index
    %get3A_1100 = tpu.vector_load %arg5[%get3A_1099] {strides = array<i32>} : memref<4096xf32, #tpu.memory_space<vmem>>, vector<16xf32>,
    %add3A_1101 = arith.addf %broadcast_in_dim3A_5, %get3A_1100 : vector<16xf32>
    %get3A_1102 = arith.constant 1136 : index
    %get3A_1103 = tpu.vector_load %arg5[%get3A_1102] {strides = array<i32>} : memref<4096xf32, #tpu.memory_space<vmem>>, vector<16xf32>,
    %add3A_1104 = arith.addf %add3A_1101, %get3A_1103 : vector<16xf32>
    %get3A_1105 = arith.constant 1200 : index
    %get3A_1106 = tpu.vector_load %arg5[%get3A_1105] {strides = array<i32>} : memref<4096xf32, #tpu.memory_space<vmem>>, vector<16xf32>,
    %add3A_1107 = arith.addf %add3A_1104, %get3A_1106 : vector<16xf32>
    %get3A_1108 = arith.constant 1264 : index
    %get3A_1109 = tpu.vector_load %arg5[%get3A_1108] {strides = array<i32>} : memref<4096xf32, #tpu.memory_space<vmem>>, vector<16xf32>,
    %add3A_1110 = arith.addf %add3A_1107, %get3A_1109 : vector<16xf32>
    %get3A_1111 = arith.constant 1328 : index
    %get3A_1112 = tpu.vector_load %arg5[%get3A_1111] {strides = array<i32>} : memref<4096xf32, #tpu.memory_space<vmem>>, vector<16xf32>,
    %add3A_1113 = arith.addf %add3A_1110, %get3A_1112 : vector<16xf32>
    %get3A_1114 = arith.constant 1392 : index
    %get3A_1115 = tpu.vector_load %arg5[%get3A_1114] {strides = array<i32>} : memref<4096xf32, #tpu.memory_space<vmem>>, vector<16xf32>,
    %add3A_1116 = arith.addf %add3A_1113, %get3A_1115 : vector<16xf32>
    %get3A_1117 = arith.constant 1456 : index
    %get3A_1118 = tpu.vector_load %arg5[%get3A_1117] {strides = array<i32>} : memref<4096xf32, #tpu.memory_space<vmem>>, vector<16xf32>,
    %add3A_1119 = arith.addf %add3A_1116, %get3A_1118 : vector<16xf32>
    %get3A_1120 = arith.constant 1520 : index
    %get3A_1121 = tpu.vector_load %arg5[%get3A_1120] {strides = array<i32>} : memref<4096xf32, #tpu.memory_space<vmem>>, vector<16xf32>,
    %add3A_1122 = arith.addf %add3A_1119, %get3A_1121 : vector<16xf32>
    %get3A_1123 = arith.constant 1584 : index
    %get3A_1124 = tpu.vector_load %arg5[%get3A_1123] {strides = array<i32>} : memref<4096xf32, #tpu.memory_space<vmem>>, vector<16xf32>,
    %add3A_1125 = arith.addf %add3A_1122, %get3A_1124 : vector<16xf32>
    %get3A_1126 = arith.constant 1648 : index
    %get3A_1127 = tpu.vector_load %arg5[%get3A_1126] {strides = array<i32>} : memref<4096xf32, #tpu.memory_space<vmem>>, vector<16xf32>,
    %add3A_1128 = arith.addf %add3A_1125, %get3A_1127 : vector<16xf32>
    %get3A_1129 = arith.constant 1712 : index
    %get3A_1130 = tpu.vector_load %arg5[%get3A_1129] {strides = array<i32>} : memref<4096xf32, #tpu.memory_space<vmem>>, vector<16xf32>,
    %add3A_1131 = arith.addf %add3A_1128, %get3A_1130 : vector<16xf32>
    %get3A_1132 = arith.constant 1776 : index
    %get3A_1133 = tpu.vector_load %arg5[%get3A_1132] {strides = array<i32>} : memref<4096xf32, #tpu.memory_space<vmem>>, vector<16xf32>,
    %add3A_1134 = arith.addf %add3A_1131, %get3A_1133 : vector<16xf32>
    %get3A_1135 = arith.constant 1840 : index
    %get3A_1136 = tpu.vector_load %arg5[%get3A_1135] {strides = array<i32>} : memref<4096xf32, #tpu.memory_space<vmem>>, vector<16xf32>,
    %add3A_1137 = arith.addf %add3A_1134, %get3A_1136 : vector<16xf32>
    %get3A_1138 = arith.constant 1904 : index
    %get3A_1139 = tpu.vector_load %arg5[%get3A_1138] {strides = array<i32>} : memref<4096xf32, #tpu.memory_space<vmem>>, vector<16xf32>,
    %add3A_1140 = arith.addf %add3A_1137, %get3A_1139 : vector<16xf32>
    %get3A_1141 = arith.constant 1968 : index
    %get3A_1142 = tpu.vector_load %arg5[%get3A_1141] {strides = array<i32>} : memref<4096xf32, #tpu.memory_space<vmem>>, vector<16xf32>,
    %add3A_1143 = arith.addf %add3A_1140, %get3A_1142 : vector<16xf32>
    %get3A_1144 = arith.constant 2032 : index
    %get3A_1145 = tpu.vector_load %arg5[%get3A_1144] {strides = array<i32>} : memref<4096xf32, #tpu.memory_space<vmem>>, vector<16xf32>,
    %add3A_1146 = arith.addf %add3A_1143, %get3A_1145 : vector<16xf32>
    %swap3A_1147 = arith.constant 1 : i32
    %swap3A_1148 = arith.index_cast %swap3A_1147 : i32 to index
    %swap3A_1149 = arith.constant 48 : index
    %swap3A_1150 = tpu.vector_load %arg6[%swap3A_1148, %swap3A_1149] {strides = array<i32>} : memref<4x64xf32, #tpu.memory_space<vmem>>, vector<16xf32>,
    tpu.vector_store %arg6[%swap3A_1148, %swap3A_1149], %add3A_1146 {strides = array<i32>} : memref<4x64xf32, #tpu.memory_space<vmem>>, vector<16xf32>,
    %scan3A_1151 = arith.constant 0 : i32
    %scan3A_1152 = arith.constant 0 : i32
    %scan3A_1153 = arith.constant 504 : i32
    %scan3A_1154 = arith.addi %scan3A_1152, %scan3A_1153 : i32
    %scan3A_1155 = arith.constant 8 : i32
    %scan3A_1156 = scf.for %scan3A_1785 = %scan3A_1152 to %scan3A_1154 step %scan3A_1155 iter_args(%scan3A_1786 = %scan3A_1151) -> (i32)  : i32 {
      %mul3A_1787 = arith.constant 16 : i32
      %mul3A_1788 = arith.muli %scan3A_1785, %mul3A_1787 : i32
      %get3A_1789 = arith.constant 2 : i32
      %get3A_1790 = arith.index_cast %get3A_1789 : i32 to index
      %get3A_1791 = arith.index_cast %mul3A_1788 : i32 to index
      %get3A_1792 = tpu.vector_load %arg4[%get3A_1790, %get3A_1791] {strides = array<i32>} : memref<4x8192xi32, #tpu.memory_space<vmem>>, vector<16xi32>,
      %add3A_1793 = arith.constant 2048 : i32
      %add3A_1794 = vector.broadcast %add3A_1793 : i32 to vector<16xi32>
      %add3A_1795 = arith.addi %add3A_1794, %mul3A_8 : vector<16xi32>
      %add3A_1796 = arith.addi %add3A_1795, %get3A_1792 : vector<16xi32>
      tpu.vector_store_idx %arg5[%add3A_1796], %broadcast_in_dim3A_3 {add = true} : memref<4096xf32, #tpu.memory_space<vmem>>[vector<16xi32>], vector<16xf32>,
      %scan3A_1797 = arith.constant 0 : i32
      %scan3A_1798 = arith.constant 1 : i32
      %scan3A_1799 = arith.addi %scan3A_1785, %scan3A_1798 : i32
      %mul3A_1800 = arith.constant 16 : i32
      %mul3A_1801 = arith.muli %scan3A_1799, %mul3A_1800 : i32
      %get3A_1802 = arith.constant 2 : i32
      %get3A_1803 = arith.index_cast %get3A_1802 : i32 to index
      %get3A_1804 = arith.index_cast %mul3A_1801 : i32 to index
      %get3A_1805 = tpu.vector_load %arg4[%get3A_1803, %get3A_1804] {strides = array<i32>} : memref<4x8192xi32, #tpu.memory_space<vmem>>, vector<16xi32>,
      %add3A_1806 = arith.constant 2048 : i32
      %add3A_1807 = vector.broadcast %add3A_1806 : i32 to vector<16xi32>
      %add3A_1808 = arith.addi %add3A_1807, %mul3A_8 : vector<16xi32>
      %add3A_1809 = arith.addi %add3A_1808, %get3A_1805 : vector<16xi32>
      tpu.vector_store_idx %arg5[%add3A_1809], %broadcast_in_dim3A_3 {add = true} : memref<4096xf32, #tpu.memory_space<vmem>>[vector<16xi32>], vector<16xf32>,
      %scan3A_1810 = arith.constant 0 : i32
      %scan3A_1811 = arith.constant 2 : i32
      %scan3A_1812 = arith.addi %scan3A_1785, %scan3A_1811 : i32
      %mul3A_1813 = arith.constant 16 : i32
      %mul3A_1814 = arith.muli %scan3A_1812, %mul3A_1813 : i32
      %get3A_1815 = arith.constant 2 : i32
      %get3A_1816 = arith.index_cast %get3A_1815 : i32 to index
      %get3A_1817 = arith.index_cast %mul3A_1814 : i32 to index
      %get3A_1818 = tpu.vector_load %arg4[%get3A_1816, %get3A_1817] {strides = array<i32>} : memref<4x8192xi32, #tpu.memory_space<vmem>>, vector<16xi32>,
      %add3A_1819 = arith.constant 2048 : i32
      %add3A_1820 = vector.broadcast %add3A_1819 : i32 to vector<16xi32>
      %add3A_1821 = arith.addi %add3A_1820, %mul3A_8 : vector<16xi32>
      %add3A_1822 = arith.addi %add3A_1821, %get3A_1818 : vector<16xi32>
      tpu.vector_store_idx %arg5[%add3A_1822], %broadcast_in_dim3A_3 {add = true} : memref<4096xf32, #tpu.memory_space<vmem>>[vector<16xi32>], vector<16xf32>,
      %scan3A_1823 = arith.constant 0 : i32
      %scan3A_1824 = arith.constant 3 : i32
      %scan3A_1825 = arith.addi %scan3A_1785, %scan3A_1824 : i32
      %mul3A_1826 = arith.constant 16 : i32
      %mul3A_1827 = arith.muli %scan3A_1825, %mul3A_1826 : i32
      %get3A_1828 = arith.constant 2 : i32
      %get3A_1829 = arith.index_cast %get3A_1828 : i32 to index
      %get3A_1830 = arith.index_cast %mul3A_1827 : i32 to index
      %get3A_1831 = tpu.vector_load %arg4[%get3A_1829, %get3A_1830] {strides = array<i32>} : memref<4x8192xi32, #tpu.memory_space<vmem>>, vector<16xi32>,
      %add3A_1832 = arith.constant 2048 : i32
      %add3A_1833 = vector.broadcast %add3A_1832 : i32 to vector<16xi32>
      %add3A_1834 = arith.addi %add3A_1833, %mul3A_8 : vector<16xi32>
      %add3A_1835 = arith.addi %add3A_1834, %get3A_1831 : vector<16xi32>
      tpu.vector_store_idx %arg5[%add3A_1835], %broadcast_in_dim3A_3 {add = true} : memref<4096xf32, #tpu.memory_space<vmem>>[vector<16xi32>], vector<16xf32>,
      %scan3A_1836 = arith.constant 0 : i32
      %scan3A_1837 = arith.constant 4 : i32
      %scan3A_1838 = arith.addi %scan3A_1785, %scan3A_1837 : i32
      %mul3A_1839 = arith.constant 16 : i32
      %mul3A_1840 = arith.muli %scan3A_1838, %mul3A_1839 : i32
      %get3A_1841 = arith.constant 2 : i32
      %get3A_1842 = arith.index_cast %get3A_1841 : i32 to index
      %get3A_1843 = arith.index_cast %mul3A_1840 : i32 to index
      %get3A_1844 = tpu.vector_load %arg4[%get3A_1842, %get3A_1843] {strides = array<i32>} : memref<4x8192xi32, #tpu.memory_space<vmem>>, vector<16xi32>,
      %add3A_1845 = arith.constant 2048 : i32
      %add3A_1846 = vector.broadcast %add3A_1845 : i32 to vector<16xi32>
      %add3A_1847 = arith.addi %add3A_1846, %mul3A_8 : vector<16xi32>
      %add3A_1848 = arith.addi %add3A_1847, %get3A_1844 : vector<16xi32>
      tpu.vector_store_idx %arg5[%add3A_1848], %broadcast_in_dim3A_3 {add = true} : memref<4096xf32, #tpu.memory_space<vmem>>[vector<16xi32>], vector<16xf32>,
      %scan3A_1849 = arith.constant 0 : i32
      %scan3A_1850 = arith.constant 5 : i32
      %scan3A_1851 = arith.addi %scan3A_1785, %scan3A_1850 : i32
      %mul3A_1852 = arith.constant 16 : i32
      %mul3A_1853 = arith.muli %scan3A_1851, %mul3A_1852 : i32
      %get3A_1854 = arith.constant 2 : i32
      %get3A_1855 = arith.index_cast %get3A_1854 : i32 to index
      %get3A_1856 = arith.index_cast %mul3A_1853 : i32 to index
      %get3A_1857 = tpu.vector_load %arg4[%get3A_1855, %get3A_1856] {strides = array<i32>} : memref<4x8192xi32, #tpu.memory_space<vmem>>, vector<16xi32>,
      %add3A_1858 = arith.constant 2048 : i32
      %add3A_1859 = vector.broadcast %add3A_1858 : i32 to vector<16xi32>
      %add3A_1860 = arith.addi %add3A_1859, %mul3A_8 : vector<16xi32>
      %add3A_1861 = arith.addi %add3A_1860, %get3A_1857 : vector<16xi32>
      tpu.vector_store_idx %arg5[%add3A_1861], %broadcast_in_dim3A_3 {add = true} : memref<4096xf32, #tpu.memory_space<vmem>>[vector<16xi32>], vector<16xf32>,
      %scan3A_1862 = arith.constant 0 : i32
      %scan3A_1863 = arith.constant 6 : i32
      %scan3A_1864 = arith.addi %scan3A_1785, %scan3A_1863 : i32
      %mul3A_1865 = arith.constant 16 : i32
      %mul3A_1866 = arith.muli %scan3A_1864, %mul3A_1865 : i32
      %get3A_1867 = arith.constant 2 : i32
      %get3A_1868 = arith.index_cast %get3A_1867 : i32 to index
      %get3A_1869 = arith.index_cast %mul3A_1866 : i32 to index
      %get3A_1870 = tpu.vector_load %arg4[%get3A_1868, %get3A_1869] {strides = array<i32>} : memref<4x8192xi32, #tpu.memory_space<vmem>>, vector<16xi32>,
      %add3A_1871 = arith.constant 2048 : i32
      %add3A_1872 = vector.broadcast %add3A_1871 : i32 to vector<16xi32>
      %add3A_1873 = arith.addi %add3A_1872, %mul3A_8 : vector<16xi32>
      %add3A_1874 = arith.addi %add3A_1873, %get3A_1870 : vector<16xi32>
      tpu.vector_store_idx %arg5[%add3A_1874], %broadcast_in_dim3A_3 {add = true} : memref<4096xf32, #tpu.memory_space<vmem>>[vector<16xi32>], vector<16xf32>,
      %scan3A_1875 = arith.constant 0 : i32
      %scan3A_1876 = arith.constant 7 : i32
      %scan3A_1877 = arith.addi %scan3A_1785, %scan3A_1876 : i32
      %mul3A_1878 = arith.constant 16 : i32
      %mul3A_1879 = arith.muli %scan3A_1877, %mul3A_1878 : i32
      %get3A_1880 = arith.constant 2 : i32
      %get3A_1881 = arith.index_cast %get3A_1880 : i32 to index
      %get3A_1882 = arith.index_cast %mul3A_1879 : i32 to index
      %get3A_1883 = tpu.vector_load %arg4[%get3A_1881, %get3A_1882] {strides = array<i32>} : memref<4x8192xi32, #tpu.memory_space<vmem>>, vector<16xi32>,
      %add3A_1884 = arith.constant 2048 : i32
      %add3A_1885 = vector.broadcast %add3A_1884 : i32 to vector<16xi32>
      %add3A_1886 = arith.addi %add3A_1885, %mul3A_8 : vector<16xi32>
      %add3A_1887 = arith.addi %add3A_1886, %get3A_1883 : vector<16xi32>
      tpu.vector_store_idx %arg5[%add3A_1887], %broadcast_in_dim3A_3 {add = true} : memref<4096xf32, #tpu.memory_space<vmem>>[vector<16xi32>], vector<16xf32>,
      %scan3A_1888 = arith.constant 0 : i32
      scf.yield %scan3A_1888 : i32
    }
    %scan3A_1157 = arith.constant 504 : i32
    %scan3A_1158 = arith.addi %scan3A_1152, %scan3A_1157 : i32
    %mul3A_1159 = arith.constant 16 : i32
    %mul3A_1160 = arith.muli %scan3A_1158, %mul3A_1159 : i32
    %get3A_1161 = arith.constant 2 : i32
    %get3A_1162 = arith.index_cast %get3A_1161 : i32 to index
    %get3A_1163 = arith.index_cast %mul3A_1160 : i32 to index
    %get3A_1164 = tpu.vector_load %arg4[%get3A_1162, %get3A_1163] {strides = array<i32>} : memref<4x8192xi32, #tpu.memory_space<vmem>>, vector<16xi32>,
    %add3A_1165 = arith.constant 2048 : i32
    %add3A_1166 = vector.broadcast %add3A_1165 : i32 to vector<16xi32>
    %add3A_1167 = arith.addi %add3A_1166, %mul3A_8 : vector<16xi32>
    %add3A_1168 = arith.addi %add3A_1167, %get3A_1164 : vector<16xi32>
    tpu.vector_store_idx %arg5[%add3A_1168], %broadcast_in_dim3A_3 {add = true} : memref<4096xf32, #tpu.memory_space<vmem>>[vector<16xi32>], vector<16xf32>,
    %scan3A_1169 = arith.constant 0 : i32
    %scan3A_1170 = arith.constant 505 : i32
    %scan3A_1171 = arith.addi %scan3A_1152, %scan3A_1170 : i32
    %mul3A_1172 = arith.constant 16 : i32
    %mul3A_1173 = arith.muli %scan3A_1171, %mul3A_1172 : i32
    %get3A_1174 = arith.constant 2 : i32
    %get3A_1175 = arith.index_cast %get3A_1174 : i32 to index
    %get3A_1176 = arith.index_cast %mul3A_1173 : i32 to index
    %get3A_1177 = tpu.vector_load %arg4[%get3A_1175, %get3A_1176] {strides = array<i32>} : memref<4x8192xi32, #tpu.memory_space<vmem>>, vector<16xi32>,
    %add3A_1178 = arith.constant 2048 : i32
    %add3A_1179 = vector.broadcast %add3A_1178 : i32 to vector<16xi32>
    %add3A_1180 = arith.addi %add3A_1179, %mul3A_8 : vector<16xi32>
    %add3A_1181 = arith.addi %add3A_1180, %get3A_1177 : vector<16xi32>
    tpu.vector_store_idx %arg5[%add3A_1181], %broadcast_in_dim3A_3 {add = true} : memref<4096xf32, #tpu.memory_space<vmem>>[vector<16xi32>], vector<16xf32>,
    %scan3A_1182 = arith.constant 0 : i32
    %scan3A_1183 = arith.constant 506 : i32
    %scan3A_1184 = arith.addi %scan3A_1152, %scan3A_1183 : i32
    %mul3A_1185 = arith.constant 16 : i32
    %mul3A_1186 = arith.muli %scan3A_1184, %mul3A_1185 : i32
    %get3A_1187 = arith.constant 2 : i32
    %get3A_1188 = arith.index_cast %get3A_1187 : i32 to index
    %get3A_1189 = arith.index_cast %mul3A_1186 : i32 to index
    %get3A_1190 = tpu.vector_load %arg4[%get3A_1188, %get3A_1189] {strides = array<i32>} : memref<4x8192xi32, #tpu.memory_space<vmem>>, vector<16xi32>,
    %add3A_1191 = arith.constant 2048 : i32
    %add3A_1192 = vector.broadcast %add3A_1191 : i32 to vector<16xi32>
    %add3A_1193 = arith.addi %add3A_1192, %mul3A_8 : vector<16xi32>
    %add3A_1194 = arith.addi %add3A_1193, %get3A_1190 : vector<16xi32>
    tpu.vector_store_idx %arg5[%add3A_1194], %broadcast_in_dim3A_3 {add = true} : memref<4096xf32, #tpu.memory_space<vmem>>[vector<16xi32>], vector<16xf32>,
    %scan3A_1195 = arith.constant 0 : i32
    %scan3A_1196 = arith.constant 507 : i32
    %scan3A_1197 = arith.addi %scan3A_1152, %scan3A_1196 : i32
    %mul3A_1198 = arith.constant 16 : i32
    %mul3A_1199 = arith.muli %scan3A_1197, %mul3A_1198 : i32
    %get3A_1200 = arith.constant 2 : i32
    %get3A_1201 = arith.index_cast %get3A_1200 : i32 to index
    %get3A_1202 = arith.index_cast %mul3A_1199 : i32 to index
    %get3A_1203 = tpu.vector_load %arg4[%get3A_1201, %get3A_1202] {strides = array<i32>} : memref<4x8192xi32, #tpu.memory_space<vmem>>, vector<16xi32>,
    %add3A_1204 = arith.constant 2048 : i32
    %add3A_1205 = vector.broadcast %add3A_1204 : i32 to vector<16xi32>
    %add3A_1206 = arith.addi %add3A_1205, %mul3A_8 : vector<16xi32>
    %add3A_1207 = arith.addi %add3A_1206, %get3A_1203 : vector<16xi32>
    tpu.vector_store_idx %arg5[%add3A_1207], %broadcast_in_dim3A_3 {add = true} : memref<4096xf32, #tpu.memory_space<vmem>>[vector<16xi32>], vector<16xf32>,
    %scan3A_1208 = arith.constant 0 : i32
    %scan3A_1209 = arith.constant 508 : i32
    %scan3A_1210 = arith.addi %scan3A_1152, %scan3A_1209 : i32
    %mul3A_1211 = arith.constant 16 : i32
    %mul3A_1212 = arith.muli %scan3A_1210, %mul3A_1211 : i32
    %get3A_1213 = arith.constant 2 : i32
    %get3A_1214 = arith.index_cast %get3A_1213 : i32 to index
    %get3A_1215 = arith.index_cast %mul3A_1212 : i32 to index
    %get3A_1216 = tpu.vector_load %arg4[%get3A_1214, %get3A_1215] {strides = array<i32>} : memref<4x8192xi32, #tpu.memory_space<vmem>>, vector<16xi32>,
    %add3A_1217 = arith.constant 2048 : i32
    %add3A_1218 = vector.broadcast %add3A_1217 : i32 to vector<16xi32>
    %add3A_1219 = arith.addi %add3A_1218, %mul3A_8 : vector<16xi32>
    %add3A_1220 = arith.addi %add3A_1219, %get3A_1216 : vector<16xi32>
    tpu.vector_store_idx %arg5[%add3A_1220], %broadcast_in_dim3A_3 {add = true} : memref<4096xf32, #tpu.memory_space<vmem>>[vector<16xi32>], vector<16xf32>,
    %scan3A_1221 = arith.constant 0 : i32
    %scan3A_1222 = arith.constant 509 : i32
    %scan3A_1223 = arith.addi %scan3A_1152, %scan3A_1222 : i32
    %mul3A_1224 = arith.constant 16 : i32
    %mul3A_1225 = arith.muli %scan3A_1223, %mul3A_1224 : i32
    %get3A_1226 = arith.constant 2 : i32
    %get3A_1227 = arith.index_cast %get3A_1226 : i32 to index
    %get3A_1228 = arith.index_cast %mul3A_1225 : i32 to index
    %get3A_1229 = tpu.vector_load %arg4[%get3A_1227, %get3A_1228] {strides = array<i32>} : memref<4x8192xi32, #tpu.memory_space<vmem>>, vector<16xi32>,
    %add3A_1230 = arith.constant 2048 : i32
    %add3A_1231 = vector.broadcast %add3A_1230 : i32 to vector<16xi32>
    %add3A_1232 = arith.addi %add3A_1231, %mul3A_8 : vector<16xi32>
    %add3A_1233 = arith.addi %add3A_1232, %get3A_1229 : vector<16xi32>
    tpu.vector_store_idx %arg5[%add3A_1233], %broadcast_in_dim3A_3 {add = true} : memref<4096xf32, #tpu.memory_space<vmem>>[vector<16xi32>], vector<16xf32>,
    %scan3A_1234 = arith.constant 0 : i32
    %scan3A_1235 = arith.constant 510 : i32
    %scan3A_1236 = arith.addi %scan3A_1152, %scan3A_1235 : i32
    %mul3A_1237 = arith.constant 16 : i32
    %mul3A_1238 = arith.muli %scan3A_1236, %mul3A_1237 : i32
    %get3A_1239 = arith.constant 2 : i32
    %get3A_1240 = arith.index_cast %get3A_1239 : i32 to index
    %get3A_1241 = arith.index_cast %mul3A_1238 : i32 to index
    %get3A_1242 = tpu.vector_load %arg4[%get3A_1240, %get3A_1241] {strides = array<i32>} : memref<4x8192xi32, #tpu.memory_space<vmem>>, vector<16xi32>,
    %add3A_1243 = arith.constant 2048 : i32
    %add3A_1244 = vector.broadcast %add3A_1243 : i32 to vector<16xi32>
    %add3A_1245 = arith.addi %add3A_1244, %mul3A_8 : vector<16xi32>
    %add3A_1246 = arith.addi %add3A_1245, %get3A_1242 : vector<16xi32>
    tpu.vector_store_idx %arg5[%add3A_1246], %broadcast_in_dim3A_3 {add = true} : memref<4096xf32, #tpu.memory_space<vmem>>[vector<16xi32>], vector<16xf32>,
    %scan3A_1247 = arith.constant 0 : i32
    %scan3A_1248 = arith.constant 511 : i32
    %get3A_1249 = arith.constant 2 : i32
    %get3A_1250 = arith.index_cast %get3A_1249 : i32 to index
    %get3A_1251 = arith.constant 8176 : index
    %get3A_1252 = tpu.vector_load %arg4[%get3A_1250, %get3A_1251] {strides = array<i32>} : memref<4x8192xi32, #tpu.memory_space<vmem>>, vector<16xi32>,
    %add3A_1253 = arith.constant 2048 : i32
    %add3A_1254 = vector.broadcast %add3A_1253 : i32 to vector<16xi32>
    %add3A_1255 = arith.addi %add3A_1254, %mul3A_8 : vector<16xi32>
    %add3A_1256 = arith.addi %add3A_1255, %get3A_1252 : vector<16xi32>
    %lt3A_1257 = arith.constant 13 : i32
    %lt3A_1258 = vector.broadcast %lt3A_1257 : i32 to vector<16xi32>
    %lt3A_1259 = arith.cmpi slt, %iota3A, %lt3A_1258 : vector<16xi32>
    tpu.vector_store_idx %arg5[%add3A_1256], %broadcast_in_dim3A_3 masked %lt3A_1259 {add = true} : memref<4096xf32, #tpu.memory_space<vmem>>[vector<16xi32>], vector<16xf32>, vector<16xi1>
    %get3A_1260 = arith.constant 2048 : index
    %get3A_1261 = tpu.vector_load %arg5[%get3A_1260] {strides = array<i32>} : memref<4096xf32, #tpu.memory_space<vmem>>, vector<16xf32>,
    %add3A_1262 = arith.addf %broadcast_in_dim3A_5, %get3A_1261 : vector<16xf32>
    %get3A_1263 = arith.constant 2112 : index
    %get3A_1264 = tpu.vector_load %arg5[%get3A_1263] {strides = array<i32>} : memref<4096xf32, #tpu.memory_space<vmem>>, vector<16xf32>,
    %add3A_1265 = arith.addf %add3A_1262, %get3A_1264 : vector<16xf32>
    %get3A_1266 = arith.constant 2176 : index
    %get3A_1267 = tpu.vector_load %arg5[%get3A_1266] {strides = array<i32>} : memref<4096xf32, #tpu.memory_space<vmem>>, vector<16xf32>,
    %add3A_1268 = arith.addf %add3A_1265, %get3A_1267 : vector<16xf32>
    %get3A_1269 = arith.constant 2240 : index
    %get3A_1270 = tpu.vector_load %arg5[%get3A_1269] {strides = array<i32>} : memref<4096xf32, #tpu.memory_space<vmem>>, vector<16xf32>,
    %add3A_1271 = arith.addf %add3A_1268, %get3A_1270 : vector<16xf32>
    %get3A_1272 = arith.constant 2304 : index
    %get3A_1273 = tpu.vector_load %arg5[%get3A_1272] {strides = array<i32>} : memref<4096xf32, #tpu.memory_space<vmem>>, vector<16xf32>,
    %add3A_1274 = arith.addf %add3A_1271, %get3A_1273 : vector<16xf32>
    %get3A_1275 = arith.constant 2368 : index
    %get3A_1276 = tpu.vector_load %arg5[%get3A_1275] {strides = array<i32>} : memref<4096xf32, #tpu.memory_space<vmem>>, vector<16xf32>,
    %add3A_1277 = arith.addf %add3A_1274, %get3A_1276 : vector<16xf32>
    %get3A_1278 = arith.constant 2432 : index
    %get3A_1279 = tpu.vector_load %arg5[%get3A_1278] {strides = array<i32>} : memref<4096xf32, #tpu.memory_space<vmem>>, vector<16xf32>,
    %add3A_1280 = arith.addf %add3A_1277, %get3A_1279 : vector<16xf32>
    %get3A_1281 = arith.constant 2496 : index
    %get3A_1282 = tpu.vector_load %arg5[%get3A_1281] {strides = array<i32>} : memref<4096xf32, #tpu.memory_space<vmem>>, vector<16xf32>,
    %add3A_1283 = arith.addf %add3A_1280, %get3A_1282 : vector<16xf32>
    %get3A_1284 = arith.constant 2560 : index
    %get3A_1285 = tpu.vector_load %arg5[%get3A_1284] {strides = array<i32>} : memref<4096xf32, #tpu.memory_space<vmem>>, vector<16xf32>,
    %add3A_1286 = arith.addf %add3A_1283, %get3A_1285 : vector<16xf32>
    %get3A_1287 = arith.constant 2624 : index
    %get3A_1288 = tpu.vector_load %arg5[%get3A_1287] {strides = array<i32>} : memref<4096xf32, #tpu.memory_space<vmem>>, vector<16xf32>,
    %add3A_1289 = arith.addf %add3A_1286, %get3A_1288 : vector<16xf32>
    %get3A_1290 = arith.constant 2688 : index
    %get3A_1291 = tpu.vector_load %arg5[%get3A_1290] {strides = array<i32>} : memref<4096xf32, #tpu.memory_space<vmem>>, vector<16xf32>,
    %add3A_1292 = arith.addf %add3A_1289, %get3A_1291 : vector<16xf32>
    %get3A_1293 = arith.constant 2752 : index
    %get3A_1294 = tpu.vector_load %arg5[%get3A_1293] {strides = array<i32>} : memref<4096xf32, #tpu.memory_space<vmem>>, vector<16xf32>,
    %add3A_1295 = arith.addf %add3A_1292, %get3A_1294 : vector<16xf32>
    %get3A_1296 = arith.constant 2816 : index
    %get3A_1297 = tpu.vector_load %arg5[%get3A_1296] {strides = array<i32>} : memref<4096xf32, #tpu.memory_space<vmem>>, vector<16xf32>,
    %add3A_1298 = arith.addf %add3A_1295, %get3A_1297 : vector<16xf32>
    %get3A_1299 = arith.constant 2880 : index
    %get3A_1300 = tpu.vector_load %arg5[%get3A_1299] {strides = array<i32>} : memref<4096xf32, #tpu.memory_space<vmem>>, vector<16xf32>,
    %add3A_1301 = arith.addf %add3A_1298, %get3A_1300 : vector<16xf32>
    %get3A_1302 = arith.constant 2944 : index
    %get3A_1303 = tpu.vector_load %arg5[%get3A_1302] {strides = array<i32>} : memref<4096xf32, #tpu.memory_space<vmem>>, vector<16xf32>,
    %add3A_1304 = arith.addf %add3A_1301, %get3A_1303 : vector<16xf32>
    %get3A_1305 = arith.constant 3008 : index
    %get3A_1306 = tpu.vector_load %arg5[%get3A_1305] {strides = array<i32>} : memref<4096xf32, #tpu.memory_space<vmem>>, vector<16xf32>,
    %add3A_1307 = arith.addf %add3A_1304, %get3A_1306 : vector<16xf32>
    %swap3A_1308 = arith.constant 2 : i32
    %swap3A_1309 = arith.index_cast %swap3A_1308 : i32 to index
    %swap3A_1310 = arith.constant 0 : index
    %swap3A_1311 = tpu.vector_load %arg6[%swap3A_1309, %swap3A_1310] {strides = array<i32>} : memref<4x64xf32, #tpu.memory_space<vmem>>, vector<16xf32>,
    tpu.vector_store %arg6[%swap3A_1309, %swap3A_1310], %add3A_1307 {strides = array<i32>} : memref<4x64xf32, #tpu.memory_space<vmem>>, vector<16xf32>,
    %get3A_1312 = arith.constant 2064 : index
    %get3A_1313 = tpu.vector_load %arg5[%get3A_1312] {strides = array<i32>} : memref<4096xf32, #tpu.memory_space<vmem>>, vector<16xf32>,
    %add3A_1314 = arith.addf %broadcast_in_dim3A_5, %get3A_1313 : vector<16xf32>
    %get3A_1315 = arith.constant 2128 : index
    %get3A_1316 = tpu.vector_load %arg5[%get3A_1315] {strides = array<i32>} : memref<4096xf32, #tpu.memory_space<vmem>>, vector<16xf32>,
    %add3A_1317 = arith.addf %add3A_1314, %get3A_1316 : vector<16xf32>
    %get3A_1318 = arith.constant 2192 : index
    %get3A_1319 = tpu.vector_load %arg5[%get3A_1318] {strides = array<i32>} : memref<4096xf32, #tpu.memory_space<vmem>>, vector<16xf32>,
    %add3A_1320 = arith.addf %add3A_1317, %get3A_1319 : vector<16xf32>
    %get3A_1321 = arith.constant 2256 : index
    %get3A_1322 = tpu.vector_load %arg5[%get3A_1321] {strides = array<i32>} : memref<4096xf32, #tpu.memory_space<vmem>>, vector<16xf32>,
    %add3A_1323 = arith.addf %add3A_1320, %get3A_1322 : vector<16xf32>
    %get3A_1324 = arith.constant 2320 : index
    %get3A_1325 = tpu.vector_load %arg5[%get3A_1324] {strides = array<i32>} : memref<4096xf32, #tpu.memory_space<vmem>>, vector<16xf32>,
    %add3A_1326 = arith.addf %add3A_1323, %get3A_1325 : vector<16xf32>
    %get3A_1327 = arith.constant 2384 : index
    %get3A_1328 = tpu.vector_load %arg5[%get3A_1327] {strides = array<i32>} : memref<4096xf32, #tpu.memory_space<vmem>>, vector<16xf32>,
    %add3A_1329 = arith.addf %add3A_1326, %get3A_1328 : vector<16xf32>
    %get3A_1330 = arith.constant 2448 : index
    %get3A_1331 = tpu.vector_load %arg5[%get3A_1330] {strides = array<i32>} : memref<4096xf32, #tpu.memory_space<vmem>>, vector<16xf32>,
    %add3A_1332 = arith.addf %add3A_1329, %get3A_1331 : vector<16xf32>
    %get3A_1333 = arith.constant 2512 : index
    %get3A_1334 = tpu.vector_load %arg5[%get3A_1333] {strides = array<i32>} : memref<4096xf32, #tpu.memory_space<vmem>>, vector<16xf32>,
    %add3A_1335 = arith.addf %add3A_1332, %get3A_1334 : vector<16xf32>
    %get3A_1336 = arith.constant 2576 : index
    %get3A_1337 = tpu.vector_load %arg5[%get3A_1336] {strides = array<i32>} : memref<4096xf32, #tpu.memory_space<vmem>>, vector<16xf32>,
    %add3A_1338 = arith.addf %add3A_1335, %get3A_1337 : vector<16xf32>
    %get3A_1339 = arith.constant 2640 : index
    %get3A_1340 = tpu.vector_load %arg5[%get3A_1339] {strides = array<i32>} : memref<4096xf32, #tpu.memory_space<vmem>>, vector<16xf32>,
    %add3A_1341 = arith.addf %add3A_1338, %get3A_1340 : vector<16xf32>
    %get3A_1342 = arith.constant 2704 : index
    %get3A_1343 = tpu.vector_load %arg5[%get3A_1342] {strides = array<i32>} : memref<4096xf32, #tpu.memory_space<vmem>>, vector<16xf32>,
    %add3A_1344 = arith.addf %add3A_1341, %get3A_1343 : vector<16xf32>
    %get3A_1345 = arith.constant 2768 : index
    %get3A_1346 = tpu.vector_load %arg5[%get3A_1345] {strides = array<i32>} : memref<4096xf32, #tpu.memory_space<vmem>>, vector<16xf32>,
    %add3A_1347 = arith.addf %add3A_1344, %get3A_1346 : vector<16xf32>
    %get3A_1348 = arith.constant 2832 : index
    %get3A_1349 = tpu.vector_load %arg5[%get3A_1348] {strides = array<i32>} : memref<4096xf32, #tpu.memory_space<vmem>>, vector<16xf32>,
    %add3A_1350 = arith.addf %add3A_1347, %get3A_1349 : vector<16xf32>
    %get3A_1351 = arith.constant 2896 : index
    %get3A_1352 = tpu.vector_load %arg5[%get3A_1351] {strides = array<i32>} : memref<4096xf32, #tpu.memory_space<vmem>>, vector<16xf32>,
    %add3A_1353 = arith.addf %add3A_1350, %get3A_1352 : vector<16xf32>
    %get3A_1354 = arith.constant 2960 : index
    %get3A_1355 = tpu.vector_load %arg5[%get3A_1354] {strides = array<i32>} : memref<4096xf32, #tpu.memory_space<vmem>>, vector<16xf32>,
    %add3A_1356 = arith.addf %add3A_1353, %get3A_1355 : vector<16xf32>
    %get3A_1357 = arith.constant 3024 : index
    %get3A_1358 = tpu.vector_load %arg5[%get3A_1357] {strides = array<i32>} : memref<4096xf32, #tpu.memory_space<vmem>>, vector<16xf32>,
    %add3A_1359 = arith.addf %add3A_1356, %get3A_1358 : vector<16xf32>
    %swap3A_1360 = arith.constant 2 : i32
    %swap3A_1361 = arith.index_cast %swap3A_1360 : i32 to index
    %swap3A_1362 = arith.constant 16 : index
    %swap3A_1363 = tpu.vector_load %arg6[%swap3A_1361, %swap3A_1362] {strides = array<i32>} : memref<4x64xf32, #tpu.memory_space<vmem>>, vector<16xf32>,
    tpu.vector_store %arg6[%swap3A_1361, %swap3A_1362], %add3A_1359 {strides = array<i32>} : memref<4x64xf32, #tpu.memory_space<vmem>>, vector<16xf32>,
    %get3A_1364 = arith.constant 2080 : index
    %get3A_1365 = tpu.vector_load %arg5[%get3A_1364] {strides = array<i32>} : memref<4096xf32, #tpu.memory_space<vmem>>, vector<16xf32>,
    %add3A_1366 = arith.addf %broadcast_in_dim3A_5, %get3A_1365 : vector<16xf32>
    %get3A_1367 = arith.constant 2144 : index
    %get3A_1368 = tpu.vector_load %arg5[%get3A_1367] {strides = array<i32>} : memref<4096xf32, #tpu.memory_space<vmem>>, vector<16xf32>,
    %add3A_1369 = arith.addf %add3A_1366, %get3A_1368 : vector<16xf32>
    %get3A_1370 = arith.constant 2208 : index
    %get3A_1371 = tpu.vector_load %arg5[%get3A_1370] {strides = array<i32>} : memref<4096xf32, #tpu.memory_space<vmem>>, vector<16xf32>,
    %add3A_1372 = arith.addf %add3A_1369, %get3A_1371 : vector<16xf32>
    %get3A_1373 = arith.constant 2272 : index
    %get3A_1374 = tpu.vector_load %arg5[%get3A_1373] {strides = array<i32>} : memref<4096xf32, #tpu.memory_space<vmem>>, vector<16xf32>,
    %add3A_1375 = arith.addf %add3A_1372, %get3A_1374 : vector<16xf32>
    %get3A_1376 = arith.constant 2336 : index
    %get3A_1377 = tpu.vector_load %arg5[%get3A_1376] {strides = array<i32>} : memref<4096xf32, #tpu.memory_space<vmem>>, vector<16xf32>,
    %add3A_1378 = arith.addf %add3A_1375, %get3A_1377 : vector<16xf32>
    %get3A_1379 = arith.constant 2400 : index
    %get3A_1380 = tpu.vector_load %arg5[%get3A_1379] {strides = array<i32>} : memref<4096xf32, #tpu.memory_space<vmem>>, vector<16xf32>,
    %add3A_1381 = arith.addf %add3A_1378, %get3A_1380 : vector<16xf32>
    %get3A_1382 = arith.constant 2464 : index
    %get3A_1383 = tpu.vector_load %arg5[%get3A_1382] {strides = array<i32>} : memref<4096xf32, #tpu.memory_space<vmem>>, vector<16xf32>,
    %add3A_1384 = arith.addf %add3A_1381, %get3A_1383 : vector<16xf32>
    %get3A_1385 = arith.constant 2528 : index
    %get3A_1386 = tpu.vector_load %arg5[%get3A_1385] {strides = array<i32>} : memref<4096xf32, #tpu.memory_space<vmem>>, vector<16xf32>,
    %add3A_1387 = arith.addf %add3A_1384, %get3A_1386 : vector<16xf32>
    %get3A_1388 = arith.constant 2592 : index
    %get3A_1389 = tpu.vector_load %arg5[%get3A_1388] {strides = array<i32>} : memref<4096xf32, #tpu.memory_space<vmem>>, vector<16xf32>,
    %add3A_1390 = arith.addf %add3A_1387, %get3A_1389 : vector<16xf32>
    %get3A_1391 = arith.constant 2656 : index
    %get3A_1392 = tpu.vector_load %arg5[%get3A_1391] {strides = array<i32>} : memref<4096xf32, #tpu.memory_space<vmem>>, vector<16xf32>,
    %add3A_1393 = arith.addf %add3A_1390, %get3A_1392 : vector<16xf32>
    %get3A_1394 = arith.constant 2720 : index
    %get3A_1395 = tpu.vector_load %arg5[%get3A_1394] {strides = array<i32>} : memref<4096xf32, #tpu.memory_space<vmem>>, vector<16xf32>,
    %add3A_1396 = arith.addf %add3A_1393, %get3A_1395 : vector<16xf32>
    %get3A_1397 = arith.constant 2784 : index
    %get3A_1398 = tpu.vector_load %arg5[%get3A_1397] {strides = array<i32>} : memref<4096xf32, #tpu.memory_space<vmem>>, vector<16xf32>,
    %add3A_1399 = arith.addf %add3A_1396, %get3A_1398 : vector<16xf32>
    %get3A_1400 = arith.constant 2848 : index
    %get3A_1401 = tpu.vector_load %arg5[%get3A_1400] {strides = array<i32>} : memref<4096xf32, #tpu.memory_space<vmem>>, vector<16xf32>,
    %add3A_1402 = arith.addf %add3A_1399, %get3A_1401 : vector<16xf32>
    %get3A_1403 = arith.constant 2912 : index
    %get3A_1404 = tpu.vector_load %arg5[%get3A_1403] {strides = array<i32>} : memref<4096xf32, #tpu.memory_space<vmem>>, vector<16xf32>,
    %add3A_1405 = arith.addf %add3A_1402, %get3A_1404 : vector<16xf32>
    %get3A_1406 = arith.constant 2976 : index
    %get3A_1407 = tpu.vector_load %arg5[%get3A_1406] {strides = array<i32>} : memref<4096xf32, #tpu.memory_space<vmem>>, vector<16xf32>,
    %add3A_1408 = arith.addf %add3A_1405, %get3A_1407 : vector<16xf32>
    %get3A_1409 = arith.constant 3040 : index
    %get3A_1410 = tpu.vector_load %arg5[%get3A_1409] {strides = array<i32>} : memref<4096xf32, #tpu.memory_space<vmem>>, vector<16xf32>,
    %add3A_1411 = arith.addf %add3A_1408, %get3A_1410 : vector<16xf32>
    %swap3A_1412 = arith.constant 2 : i32
    %swap3A_1413 = arith.index_cast %swap3A_1412 : i32 to index
    %swap3A_1414 = arith.constant 32 : index
    %swap3A_1415 = tpu.vector_load %arg6[%swap3A_1413, %swap3A_1414] {strides = array<i32>} : memref<4x64xf32, #tpu.memory_space<vmem>>, vector<16xf32>,
    tpu.vector_store %arg6[%swap3A_1413, %swap3A_1414], %add3A_1411 {strides = array<i32>} : memref<4x64xf32, #tpu.memory_space<vmem>>, vector<16xf32>,
    %get3A_1416 = arith.constant 2096 : index
    %get3A_1417 = tpu.vector_load %arg5[%get3A_1416] {strides = array<i32>} : memref<4096xf32, #tpu.memory_space<vmem>>, vector<16xf32>,
    %add3A_1418 = arith.addf %broadcast_in_dim3A_5, %get3A_1417 : vector<16xf32>
    %get3A_1419 = arith.constant 2160 : index
    %get3A_1420 = tpu.vector_load %arg5[%get3A_1419] {strides = array<i32>} : memref<4096xf32, #tpu.memory_space<vmem>>, vector<16xf32>,
    %add3A_1421 = arith.addf %add3A_1418, %get3A_1420 : vector<16xf32>
    %get3A_1422 = arith.constant 2224 : index
    %get3A_1423 = tpu.vector_load %arg5[%get3A_1422] {strides = array<i32>} : memref<4096xf32, #tpu.memory_space<vmem>>, vector<16xf32>,
    %add3A_1424 = arith.addf %add3A_1421, %get3A_1423 : vector<16xf32>
    %get3A_1425 = arith.constant 2288 : index
    %get3A_1426 = tpu.vector_load %arg5[%get3A_1425] {strides = array<i32>} : memref<4096xf32, #tpu.memory_space<vmem>>, vector<16xf32>,
    %add3A_1427 = arith.addf %add3A_1424, %get3A_1426 : vector<16xf32>
    %get3A_1428 = arith.constant 2352 : index
    %get3A_1429 = tpu.vector_load %arg5[%get3A_1428] {strides = array<i32>} : memref<4096xf32, #tpu.memory_space<vmem>>, vector<16xf32>,
    %add3A_1430 = arith.addf %add3A_1427, %get3A_1429 : vector<16xf32>
    %get3A_1431 = arith.constant 2416 : index
    %get3A_1432 = tpu.vector_load %arg5[%get3A_1431] {strides = array<i32>} : memref<4096xf32, #tpu.memory_space<vmem>>, vector<16xf32>,
    %add3A_1433 = arith.addf %add3A_1430, %get3A_1432 : vector<16xf32>
    %get3A_1434 = arith.constant 2480 : index
    %get3A_1435 = tpu.vector_load %arg5[%get3A_1434] {strides = array<i32>} : memref<4096xf32, #tpu.memory_space<vmem>>, vector<16xf32>,
    %add3A_1436 = arith.addf %add3A_1433, %get3A_1435 : vector<16xf32>
    %get3A_1437 = arith.constant 2544 : index
    %get3A_1438 = tpu.vector_load %arg5[%get3A_1437] {strides = array<i32>} : memref<4096xf32, #tpu.memory_space<vmem>>, vector<16xf32>,
    %add3A_1439 = arith.addf %add3A_1436, %get3A_1438 : vector<16xf32>
    %get3A_1440 = arith.constant 2608 : index
    %get3A_1441 = tpu.vector_load %arg5[%get3A_1440] {strides = array<i32>} : memref<4096xf32, #tpu.memory_space<vmem>>, vector<16xf32>,
    %add3A_1442 = arith.addf %add3A_1439, %get3A_1441 : vector<16xf32>
    %get3A_1443 = arith.constant 2672 : index
    %get3A_1444 = tpu.vector_load %arg5[%get3A_1443] {strides = array<i32>} : memref<4096xf32, #tpu.memory_space<vmem>>, vector<16xf32>,
    %add3A_1445 = arith.addf %add3A_1442, %get3A_1444 : vector<16xf32>
    %get3A_1446 = arith.constant 2736 : index
    %get3A_1447 = tpu.vector_load %arg5[%get3A_1446] {strides = array<i32>} : memref<4096xf32, #tpu.memory_space<vmem>>, vector<16xf32>,
    %add3A_1448 = arith.addf %add3A_1445, %get3A_1447 : vector<16xf32>
    %get3A_1449 = arith.constant 2800 : index
    %get3A_1450 = tpu.vector_load %arg5[%get3A_1449] {strides = array<i32>} : memref<4096xf32, #tpu.memory_space<vmem>>, vector<16xf32>,
    %add3A_1451 = arith.addf %add3A_1448, %get3A_1450 : vector<16xf32>
    %get3A_1452 = arith.constant 2864 : index
    %get3A_1453 = tpu.vector_load %arg5[%get3A_1452] {strides = array<i32>} : memref<4096xf32, #tpu.memory_space<vmem>>, vector<16xf32>,
    %add3A_1454 = arith.addf %add3A_1451, %get3A_1453 : vector<16xf32>
    %get3A_1455 = arith.constant 2928 : index
    %get3A_1456 = tpu.vector_load %arg5[%get3A_1455] {strides = array<i32>} : memref<4096xf32, #tpu.memory_space<vmem>>, vector<16xf32>,
    %add3A_1457 = arith.addf %add3A_1454, %get3A_1456 : vector<16xf32>
    %get3A_1458 = arith.constant 2992 : index
    %get3A_1459 = tpu.vector_load %arg5[%get3A_1458] {strides = array<i32>} : memref<4096xf32, #tpu.memory_space<vmem>>, vector<16xf32>,
    %add3A_1460 = arith.addf %add3A_1457, %get3A_1459 : vector<16xf32>
    %get3A_1461 = arith.constant 3056 : index
    %get3A_1462 = tpu.vector_load %arg5[%get3A_1461] {strides = array<i32>} : memref<4096xf32, #tpu.memory_space<vmem>>, vector<16xf32>,
    %add3A_1463 = arith.addf %add3A_1460, %get3A_1462 : vector<16xf32>
    %swap3A_1464 = arith.constant 2 : i32
    %swap3A_1465 = arith.index_cast %swap3A_1464 : i32 to index
    %swap3A_1466 = arith.constant 48 : index
    %swap3A_1467 = tpu.vector_load %arg6[%swap3A_1465, %swap3A_1466] {strides = array<i32>} : memref<4x64xf32, #tpu.memory_space<vmem>>, vector<16xf32>,
    tpu.vector_store %arg6[%swap3A_1465, %swap3A_1466], %add3A_1463 {strides = array<i32>} : memref<4x64xf32, #tpu.memory_space<vmem>>, vector<16xf32>,
    %scan3A_1468 = arith.constant 0 : i32
    %scan3A_1469 = arith.constant 0 : i32
    %scan3A_1470 = arith.constant 504 : i32
    %scan3A_1471 = arith.addi %scan3A_1469, %scan3A_1470 : i32
    %scan3A_1472 = arith.constant 8 : i32
    %scan3A_1473 = scf.for %scan3A_1785 = %scan3A_1469 to %scan3A_1471 step %scan3A_1472 iter_args(%scan3A_1786 = %scan3A_1468) -> (i32)  : i32 {
      %mul3A_1787 = arith.constant 16 : i32
      %mul3A_1788 = arith.muli %scan3A_1785, %mul3A_1787 : i32
      %get3A_1789 = arith.constant 3 : i32
      %get3A_1790 = arith.index_cast %get3A_1789 : i32 to index
      %get3A_1791 = arith.index_cast %mul3A_1788 : i32 to index
      %get3A_1792 = tpu.vector_load %arg4[%get3A_1790, %get3A_1791] {strides = array<i32>} : memref<4x8192xi32, #tpu.memory_space<vmem>>, vector<16xi32>,
      %add3A_1793 = arith.constant 3072 : i32
      %add3A_1794 = vector.broadcast %add3A_1793 : i32 to vector<16xi32>
      %add3A_1795 = arith.addi %add3A_1794, %mul3A_8 : vector<16xi32>
      %add3A_1796 = arith.addi %add3A_1795, %get3A_1792 : vector<16xi32>
      tpu.vector_store_idx %arg5[%add3A_1796], %broadcast_in_dim3A_3 {add = true} : memref<4096xf32, #tpu.memory_space<vmem>>[vector<16xi32>], vector<16xf32>,
      %scan3A_1797 = arith.constant 0 : i32
      %scan3A_1798 = arith.constant 1 : i32
      %scan3A_1799 = arith.addi %scan3A_1785, %scan3A_1798 : i32
      %mul3A_1800 = arith.constant 16 : i32
      %mul3A_1801 = arith.muli %scan3A_1799, %mul3A_1800 : i32
      %get3A_1802 = arith.constant 3 : i32
      %get3A_1803 = arith.index_cast %get3A_1802 : i32 to index
      %get3A_1804 = arith.index_cast %mul3A_1801 : i32 to index
      %get3A_1805 = tpu.vector_load %arg4[%get3A_1803, %get3A_1804] {strides = array<i32>} : memref<4x8192xi32, #tpu.memory_space<vmem>>, vector<16xi32>,
      %add3A_1806 = arith.constant 3072 : i32
      %add3A_1807 = vector.broadcast %add3A_1806 : i32 to vector<16xi32>
      %add3A_1808 = arith.addi %add3A_1807, %mul3A_8 : vector<16xi32>
      %add3A_1809 = arith.addi %add3A_1808, %get3A_1805 : vector<16xi32>
      tpu.vector_store_idx %arg5[%add3A_1809], %broadcast_in_dim3A_3 {add = true} : memref<4096xf32, #tpu.memory_space<vmem>>[vector<16xi32>], vector<16xf32>,
      %scan3A_1810 = arith.constant 0 : i32
      %scan3A_1811 = arith.constant 2 : i32
      %scan3A_1812 = arith.addi %scan3A_1785, %scan3A_1811 : i32
      %mul3A_1813 = arith.constant 16 : i32
      %mul3A_1814 = arith.muli %scan3A_1812, %mul3A_1813 : i32
      %get3A_1815 = arith.constant 3 : i32
      %get3A_1816 = arith.index_cast %get3A_1815 : i32 to index
      %get3A_1817 = arith.index_cast %mul3A_1814 : i32 to index
      %get3A_1818 = tpu.vector_load %arg4[%get3A_1816, %get3A_1817] {strides = array<i32>} : memref<4x8192xi32, #tpu.memory_space<vmem>>, vector<16xi32>,
      %add3A_1819 = arith.constant 3072 : i32
      %add3A_1820 = vector.broadcast %add3A_1819 : i32 to vector<16xi32>
      %add3A_1821 = arith.addi %add3A_1820, %mul3A_8 : vector<16xi32>
      %add3A_1822 = arith.addi %add3A_1821, %get3A_1818 : vector<16xi32>
      tpu.vector_store_idx %arg5[%add3A_1822], %broadcast_in_dim3A_3 {add = true} : memref<4096xf32, #tpu.memory_space<vmem>>[vector<16xi32>], vector<16xf32>,
      %scan3A_1823 = arith.constant 0 : i32
      %scan3A_1824 = arith.constant 3 : i32
      %scan3A_1825 = arith.addi %scan3A_1785, %scan3A_1824 : i32
      %mul3A_1826 = arith.constant 16 : i32
      %mul3A_1827 = arith.muli %scan3A_1825, %mul3A_1826 : i32
      %get3A_1828 = arith.constant 3 : i32
      %get3A_1829 = arith.index_cast %get3A_1828 : i32 to index
      %get3A_1830 = arith.index_cast %mul3A_1827 : i32 to index
      %get3A_1831 = tpu.vector_load %arg4[%get3A_1829, %get3A_1830] {strides = array<i32>} : memref<4x8192xi32, #tpu.memory_space<vmem>>, vector<16xi32>,
      %add3A_1832 = arith.constant 3072 : i32
      %add3A_1833 = vector.broadcast %add3A_1832 : i32 to vector<16xi32>
      %add3A_1834 = arith.addi %add3A_1833, %mul3A_8 : vector<16xi32>
      %add3A_1835 = arith.addi %add3A_1834, %get3A_1831 : vector<16xi32>
      tpu.vector_store_idx %arg5[%add3A_1835], %broadcast_in_dim3A_3 {add = true} : memref<4096xf32, #tpu.memory_space<vmem>>[vector<16xi32>], vector<16xf32>,
      %scan3A_1836 = arith.constant 0 : i32
      %scan3A_1837 = arith.constant 4 : i32
      %scan3A_1838 = arith.addi %scan3A_1785, %scan3A_1837 : i32
      %mul3A_1839 = arith.constant 16 : i32
      %mul3A_1840 = arith.muli %scan3A_1838, %mul3A_1839 : i32
      %get3A_1841 = arith.constant 3 : i32
      %get3A_1842 = arith.index_cast %get3A_1841 : i32 to index
      %get3A_1843 = arith.index_cast %mul3A_1840 : i32 to index
      %get3A_1844 = tpu.vector_load %arg4[%get3A_1842, %get3A_1843] {strides = array<i32>} : memref<4x8192xi32, #tpu.memory_space<vmem>>, vector<16xi32>,
      %add3A_1845 = arith.constant 3072 : i32
      %add3A_1846 = vector.broadcast %add3A_1845 : i32 to vector<16xi32>
      %add3A_1847 = arith.addi %add3A_1846, %mul3A_8 : vector<16xi32>
      %add3A_1848 = arith.addi %add3A_1847, %get3A_1844 : vector<16xi32>
      tpu.vector_store_idx %arg5[%add3A_1848], %broadcast_in_dim3A_3 {add = true} : memref<4096xf32, #tpu.memory_space<vmem>>[vector<16xi32>], vector<16xf32>,
      %scan3A_1849 = arith.constant 0 : i32
      %scan3A_1850 = arith.constant 5 : i32
      %scan3A_1851 = arith.addi %scan3A_1785, %scan3A_1850 : i32
      %mul3A_1852 = arith.constant 16 : i32
      %mul3A_1853 = arith.muli %scan3A_1851, %mul3A_1852 : i32
      %get3A_1854 = arith.constant 3 : i32
      %get3A_1855 = arith.index_cast %get3A_1854 : i32 to index
      %get3A_1856 = arith.index_cast %mul3A_1853 : i32 to index
      %get3A_1857 = tpu.vector_load %arg4[%get3A_1855, %get3A_1856] {strides = array<i32>} : memref<4x8192xi32, #tpu.memory_space<vmem>>, vector<16xi32>,
      %add3A_1858 = arith.constant 3072 : i32
      %add3A_1859 = vector.broadcast %add3A_1858 : i32 to vector<16xi32>
      %add3A_1860 = arith.addi %add3A_1859, %mul3A_8 : vector<16xi32>
      %add3A_1861 = arith.addi %add3A_1860, %get3A_1857 : vector<16xi32>
      tpu.vector_store_idx %arg5[%add3A_1861], %broadcast_in_dim3A_3 {add = true} : memref<4096xf32, #tpu.memory_space<vmem>>[vector<16xi32>], vector<16xf32>,
      %scan3A_1862 = arith.constant 0 : i32
      %scan3A_1863 = arith.constant 6 : i32
      %scan3A_1864 = arith.addi %scan3A_1785, %scan3A_1863 : i32
      %mul3A_1865 = arith.constant 16 : i32
      %mul3A_1866 = arith.muli %scan3A_1864, %mul3A_1865 : i32
      %get3A_1867 = arith.constant 3 : i32
      %get3A_1868 = arith.index_cast %get3A_1867 : i32 to index
      %get3A_1869 = arith.index_cast %mul3A_1866 : i32 to index
      %get3A_1870 = tpu.vector_load %arg4[%get3A_1868, %get3A_1869] {strides = array<i32>} : memref<4x8192xi32, #tpu.memory_space<vmem>>, vector<16xi32>,
      %add3A_1871 = arith.constant 3072 : i32
      %add3A_1872 = vector.broadcast %add3A_1871 : i32 to vector<16xi32>
      %add3A_1873 = arith.addi %add3A_1872, %mul3A_8 : vector<16xi32>
      %add3A_1874 = arith.addi %add3A_1873, %get3A_1870 : vector<16xi32>
      tpu.vector_store_idx %arg5[%add3A_1874], %broadcast_in_dim3A_3 {add = true} : memref<4096xf32, #tpu.memory_space<vmem>>[vector<16xi32>], vector<16xf32>,
      %scan3A_1875 = arith.constant 0 : i32
      %scan3A_1876 = arith.constant 7 : i32
      %scan3A_1877 = arith.addi %scan3A_1785, %scan3A_1876 : i32
      %mul3A_1878 = arith.constant 16 : i32
      %mul3A_1879 = arith.muli %scan3A_1877, %mul3A_1878 : i32
      %get3A_1880 = arith.constant 3 : i32
      %get3A_1881 = arith.index_cast %get3A_1880 : i32 to index
      %get3A_1882 = arith.index_cast %mul3A_1879 : i32 to index
      %get3A_1883 = tpu.vector_load %arg4[%get3A_1881, %get3A_1882] {strides = array<i32>} : memref<4x8192xi32, #tpu.memory_space<vmem>>, vector<16xi32>,
      %add3A_1884 = arith.constant 3072 : i32
      %add3A_1885 = vector.broadcast %add3A_1884 : i32 to vector<16xi32>
      %add3A_1886 = arith.addi %add3A_1885, %mul3A_8 : vector<16xi32>
      %add3A_1887 = arith.addi %add3A_1886, %get3A_1883 : vector<16xi32>
      tpu.vector_store_idx %arg5[%add3A_1887], %broadcast_in_dim3A_3 {add = true} : memref<4096xf32, #tpu.memory_space<vmem>>[vector<16xi32>], vector<16xf32>,
      %scan3A_1888 = arith.constant 0 : i32
      scf.yield %scan3A_1888 : i32
    }
    %scan3A_1474 = arith.constant 504 : i32
    %scan3A_1475 = arith.addi %scan3A_1469, %scan3A_1474 : i32
    %mul3A_1476 = arith.constant 16 : i32
    %mul3A_1477 = arith.muli %scan3A_1475, %mul3A_1476 : i32
    %get3A_1478 = arith.constant 3 : i32
    %get3A_1479 = arith.index_cast %get3A_1478 : i32 to index
    %get3A_1480 = arith.index_cast %mul3A_1477 : i32 to index
    %get3A_1481 = tpu.vector_load %arg4[%get3A_1479, %get3A_1480] {strides = array<i32>} : memref<4x8192xi32, #tpu.memory_space<vmem>>, vector<16xi32>,
    %add3A_1482 = arith.constant 3072 : i32
    %add3A_1483 = vector.broadcast %add3A_1482 : i32 to vector<16xi32>
    %add3A_1484 = arith.addi %add3A_1483, %mul3A_8 : vector<16xi32>
    %add3A_1485 = arith.addi %add3A_1484, %get3A_1481 : vector<16xi32>
    tpu.vector_store_idx %arg5[%add3A_1485], %broadcast_in_dim3A_3 {add = true} : memref<4096xf32, #tpu.memory_space<vmem>>[vector<16xi32>], vector<16xf32>,
    %scan3A_1486 = arith.constant 0 : i32
    %scan3A_1487 = arith.constant 505 : i32
    %scan3A_1488 = arith.addi %scan3A_1469, %scan3A_1487 : i32
    %mul3A_1489 = arith.constant 16 : i32
    %mul3A_1490 = arith.muli %scan3A_1488, %mul3A_1489 : i32
    %get3A_1491 = arith.constant 3 : i32
    %get3A_1492 = arith.index_cast %get3A_1491 : i32 to index
    %get3A_1493 = arith.index_cast %mul3A_1490 : i32 to index
    %get3A_1494 = tpu.vector_load %arg4[%get3A_1492, %get3A_1493] {strides = array<i32>} : memref<4x8192xi32, #tpu.memory_space<vmem>>, vector<16xi32>,
    %add3A_1495 = arith.constant 3072 : i32
    %add3A_1496 = vector.broadcast %add3A_1495 : i32 to vector<16xi32>
    %add3A_1497 = arith.addi %add3A_1496, %mul3A_8 : vector<16xi32>
    %add3A_1498 = arith.addi %add3A_1497, %get3A_1494 : vector<16xi32>
    tpu.vector_store_idx %arg5[%add3A_1498], %broadcast_in_dim3A_3 {add = true} : memref<4096xf32, #tpu.memory_space<vmem>>[vector<16xi32>], vector<16xf32>,
    %scan3A_1499 = arith.constant 0 : i32
    %scan3A_1500 = arith.constant 506 : i32
    %scan3A_1501 = arith.addi %scan3A_1469, %scan3A_1500 : i32
    %mul3A_1502 = arith.constant 16 : i32
    %mul3A_1503 = arith.muli %scan3A_1501, %mul3A_1502 : i32
    %get3A_1504 = arith.constant 3 : i32
    %get3A_1505 = arith.index_cast %get3A_1504 : i32 to index
    %get3A_1506 = arith.index_cast %mul3A_1503 : i32 to index
    %get3A_1507 = tpu.vector_load %arg4[%get3A_1505, %get3A_1506] {strides = array<i32>} : memref<4x8192xi32, #tpu.memory_space<vmem>>, vector<16xi32>,
    %add3A_1508 = arith.constant 3072 : i32
    %add3A_1509 = vector.broadcast %add3A_1508 : i32 to vector<16xi32>
    %add3A_1510 = arith.addi %add3A_1509, %mul3A_8 : vector<16xi32>
    %add3A_1511 = arith.addi %add3A_1510, %get3A_1507 : vector<16xi32>
    tpu.vector_store_idx %arg5[%add3A_1511], %broadcast_in_dim3A_3 {add = true} : memref<4096xf32, #tpu.memory_space<vmem>>[vector<16xi32>], vector<16xf32>,
    %scan3A_1512 = arith.constant 0 : i32
    %scan3A_1513 = arith.constant 507 : i32
    %scan3A_1514 = arith.addi %scan3A_1469, %scan3A_1513 : i32
    %mul3A_1515 = arith.constant 16 : i32
    %mul3A_1516 = arith.muli %scan3A_1514, %mul3A_1515 : i32
    %get3A_1517 = arith.constant 3 : i32
    %get3A_1518 = arith.index_cast %get3A_1517 : i32 to index
    %get3A_1519 = arith.index_cast %mul3A_1516 : i32 to index
    %get3A_1520 = tpu.vector_load %arg4[%get3A_1518, %get3A_1519] {strides = array<i32>} : memref<4x8192xi32, #tpu.memory_space<vmem>>, vector<16xi32>,
    %add3A_1521 = arith.constant 3072 : i32
    %add3A_1522 = vector.broadcast %add3A_1521 : i32 to vector<16xi32>
    %add3A_1523 = arith.addi %add3A_1522, %mul3A_8 : vector<16xi32>
    %add3A_1524 = arith.addi %add3A_1523, %get3A_1520 : vector<16xi32>
    tpu.vector_store_idx %arg5[%add3A_1524], %broadcast_in_dim3A_3 {add = true} : memref<4096xf32, #tpu.memory_space<vmem>>[vector<16xi32>], vector<16xf32>,
    %scan3A_1525 = arith.constant 0 : i32
    %scan3A_1526 = arith.constant 508 : i32
    %scan3A_1527 = arith.addi %scan3A_1469, %scan3A_1526 : i32
    %mul3A_1528 = arith.constant 16 : i32
    %mul3A_1529 = arith.muli %scan3A_1527, %mul3A_1528 : i32
    %get3A_1530 = arith.constant 3 : i32
    %get3A_1531 = arith.index_cast %get3A_1530 : i32 to index
    %get3A_1532 = arith.index_cast %mul3A_1529 : i32 to index
    %get3A_1533 = tpu.vector_load %arg4[%get3A_1531, %get3A_1532] {strides = array<i32>} : memref<4x8192xi32, #tpu.memory_space<vmem>>, vector<16xi32>,
    %add3A_1534 = arith.constant 3072 : i32
    %add3A_1535 = vector.broadcast %add3A_1534 : i32 to vector<16xi32>
    %add3A_1536 = arith.addi %add3A_1535, %mul3A_8 : vector<16xi32>
    %add3A_1537 = arith.addi %add3A_1536, %get3A_1533 : vector<16xi32>
    tpu.vector_store_idx %arg5[%add3A_1537], %broadcast_in_dim3A_3 {add = true} : memref<4096xf32, #tpu.memory_space<vmem>>[vector<16xi32>], vector<16xf32>,
    %scan3A_1538 = arith.constant 0 : i32
    %scan3A_1539 = arith.constant 509 : i32
    %scan3A_1540 = arith.addi %scan3A_1469, %scan3A_1539 : i32
    %mul3A_1541 = arith.constant 16 : i32
    %mul3A_1542 = arith.muli %scan3A_1540, %mul3A_1541 : i32
    %get3A_1543 = arith.constant 3 : i32
    %get3A_1544 = arith.index_cast %get3A_1543 : i32 to index
    %get3A_1545 = arith.index_cast %mul3A_1542 : i32 to index
    %get3A_1546 = tpu.vector_load %arg4[%get3A_1544, %get3A_1545] {strides = array<i32>} : memref<4x8192xi32, #tpu.memory_space<vmem>>, vector<16xi32>,
    %add3A_1547 = arith.constant 3072 : i32
    %add3A_1548 = vector.broadcast %add3A_1547 : i32 to vector<16xi32>
    %add3A_1549 = arith.addi %add3A_1548, %mul3A_8 : vector<16xi32>
    %add3A_1550 = arith.addi %add3A_1549, %get3A_1546 : vector<16xi32>
    tpu.vector_store_idx %arg5[%add3A_1550], %broadcast_in_dim3A_3 {add = true} : memref<4096xf32, #tpu.memory_space<vmem>>[vector<16xi32>], vector<16xf32>,
    %scan3A_1551 = arith.constant 0 : i32
    %scan3A_1552 = arith.constant 510 : i32
    %scan3A_1553 = arith.addi %scan3A_1469, %scan3A_1552 : i32
    %mul3A_1554 = arith.constant 16 : i32
    %mul3A_1555 = arith.muli %scan3A_1553, %mul3A_1554 : i32
    %get3A_1556 = arith.constant 3 : i32
    %get3A_1557 = arith.index_cast %get3A_1556 : i32 to index
    %get3A_1558 = arith.index_cast %mul3A_1555 : i32 to index
    %get3A_1559 = tpu.vector_load %arg4[%get3A_1557, %get3A_1558] {strides = array<i32>} : memref<4x8192xi32, #tpu.memory_space<vmem>>, vector<16xi32>,
    %add3A_1560 = arith.constant 3072 : i32
    %add3A_1561 = vector.broadcast %add3A_1560 : i32 to vector<16xi32>
    %add3A_1562 = arith.addi %add3A_1561, %mul3A_8 : vector<16xi32>
    %add3A_1563 = arith.addi %add3A_1562, %get3A_1559 : vector<16xi32>
    tpu.vector_store_idx %arg5[%add3A_1563], %broadcast_in_dim3A_3 {add = true} : memref<4096xf32, #tpu.memory_space<vmem>>[vector<16xi32>], vector<16xf32>,
    %scan3A_1564 = arith.constant 0 : i32
    %scan3A_1565 = arith.constant 511 : i32
    %get3A_1566 = arith.constant 3 : i32
    %get3A_1567 = arith.index_cast %get3A_1566 : i32 to index
    %get3A_1568 = arith.constant 8176 : index
    %get3A_1569 = tpu.vector_load %arg4[%get3A_1567, %get3A_1568] {strides = array<i32>} : memref<4x8192xi32, #tpu.memory_space<vmem>>, vector<16xi32>,
    %add3A_1570 = arith.constant 3072 : i32
    %add3A_1571 = vector.broadcast %add3A_1570 : i32 to vector<16xi32>
    %add3A_1572 = arith.addi %add3A_1571, %mul3A_8 : vector<16xi32>
    %add3A_1573 = arith.addi %add3A_1572, %get3A_1569 : vector<16xi32>
    %lt3A_1574 = arith.constant 13 : i32
    %lt3A_1575 = vector.broadcast %lt3A_1574 : i32 to vector<16xi32>
    %lt3A_1576 = arith.cmpi slt, %iota3A, %lt3A_1575 : vector<16xi32>
    tpu.vector_store_idx %arg5[%add3A_1573], %broadcast_in_dim3A_3 masked %lt3A_1576 {add = true} : memref<4096xf32, #tpu.memory_space<vmem>>[vector<16xi32>], vector<16xf32>, vector<16xi1>
    %get3A_1577 = arith.constant 3072 : index
    %get3A_1578 = tpu.vector_load %arg5[%get3A_1577] {strides = array<i32>} : memref<4096xf32, #tpu.memory_space<vmem>>, vector<16xf32>,
    %add3A_1579 = arith.addf %broadcast_in_dim3A_5, %get3A_1578 : vector<16xf32>
    %get3A_1580 = arith.constant 3136 : index
    %get3A_1581 = tpu.vector_load %arg5[%get3A_1580] {strides = array<i32>} : memref<4096xf32, #tpu.memory_space<vmem>>, vector<16xf32>,
    %add3A_1582 = arith.addf %add3A_1579, %get3A_1581 : vector<16xf32>
    %get3A_1583 = arith.constant 3200 : index
    %get3A_1584 = tpu.vector_load %arg5[%get3A_1583] {strides = array<i32>} : memref<4096xf32, #tpu.memory_space<vmem>>, vector<16xf32>,
    %add3A_1585 = arith.addf %add3A_1582, %get3A_1584 : vector<16xf32>
    %get3A_1586 = arith.constant 3264 : index
    %get3A_1587 = tpu.vector_load %arg5[%get3A_1586] {strides = array<i32>} : memref<4096xf32, #tpu.memory_space<vmem>>, vector<16xf32>,
    %add3A_1588 = arith.addf %add3A_1585, %get3A_1587 : vector<16xf32>
    %get3A_1589 = arith.constant 3328 : index
    %get3A_1590 = tpu.vector_load %arg5[%get3A_1589] {strides = array<i32>} : memref<4096xf32, #tpu.memory_space<vmem>>, vector<16xf32>,
    %add3A_1591 = arith.addf %add3A_1588, %get3A_1590 : vector<16xf32>
    %get3A_1592 = arith.constant 3392 : index
    %get3A_1593 = tpu.vector_load %arg5[%get3A_1592] {strides = array<i32>} : memref<4096xf32, #tpu.memory_space<vmem>>, vector<16xf32>,
    %add3A_1594 = arith.addf %add3A_1591, %get3A_1593 : vector<16xf32>
    %get3A_1595 = arith.constant 3456 : index
    %get3A_1596 = tpu.vector_load %arg5[%get3A_1595] {strides = array<i32>} : memref<4096xf32, #tpu.memory_space<vmem>>, vector<16xf32>,
    %add3A_1597 = arith.addf %add3A_1594, %get3A_1596 : vector<16xf32>
    %get3A_1598 = arith.constant 3520 : index
    %get3A_1599 = tpu.vector_load %arg5[%get3A_1598] {strides = array<i32>} : memref<4096xf32, #tpu.memory_space<vmem>>, vector<16xf32>,
    %add3A_1600 = arith.addf %add3A_1597, %get3A_1599 : vector<16xf32>
    %get3A_1601 = arith.constant 3584 : index
    %get3A_1602 = tpu.vector_load %arg5[%get3A_1601] {strides = array<i32>} : memref<4096xf32, #tpu.memory_space<vmem>>, vector<16xf32>,
    %add3A_1603 = arith.addf %add3A_1600, %get3A_1602 : vector<16xf32>
    %get3A_1604 = arith.constant 3648 : index
    %get3A_1605 = tpu.vector_load %arg5[%get3A_1604] {strides = array<i32>} : memref<4096xf32, #tpu.memory_space<vmem>>, vector<16xf32>,
    %add3A_1606 = arith.addf %add3A_1603, %get3A_1605 : vector<16xf32>
    %get3A_1607 = arith.constant 3712 : index
    %get3A_1608 = tpu.vector_load %arg5[%get3A_1607] {strides = array<i32>} : memref<4096xf32, #tpu.memory_space<vmem>>, vector<16xf32>,
    %add3A_1609 = arith.addf %add3A_1606, %get3A_1608 : vector<16xf32>
    %get3A_1610 = arith.constant 3776 : index
    %get3A_1611 = tpu.vector_load %arg5[%get3A_1610] {strides = array<i32>} : memref<4096xf32, #tpu.memory_space<vmem>>, vector<16xf32>,
    %add3A_1612 = arith.addf %add3A_1609, %get3A_1611 : vector<16xf32>
    %get3A_1613 = arith.constant 3840 : index
    %get3A_1614 = tpu.vector_load %arg5[%get3A_1613] {strides = array<i32>} : memref<4096xf32, #tpu.memory_space<vmem>>, vector<16xf32>,
    %add3A_1615 = arith.addf %add3A_1612, %get3A_1614 : vector<16xf32>
    %get3A_1616 = arith.constant 3904 : index
    %get3A_1617 = tpu.vector_load %arg5[%get3A_1616] {strides = array<i32>} : memref<4096xf32, #tpu.memory_space<vmem>>, vector<16xf32>,
    %add3A_1618 = arith.addf %add3A_1615, %get3A_1617 : vector<16xf32>
    %get3A_1619 = arith.constant 3968 : index
    %get3A_1620 = tpu.vector_load %arg5[%get3A_1619] {strides = array<i32>} : memref<4096xf32, #tpu.memory_space<vmem>>, vector<16xf32>,
    %add3A_1621 = arith.addf %add3A_1618, %get3A_1620 : vector<16xf32>
    %get3A_1622 = arith.constant 4032 : index
    %get3A_1623 = tpu.vector_load %arg5[%get3A_1622] {strides = array<i32>} : memref<4096xf32, #tpu.memory_space<vmem>>, vector<16xf32>,
    %add3A_1624 = arith.addf %add3A_1621, %get3A_1623 : vector<16xf32>
    %swap3A_1625 = arith.constant 3 : i32
    %swap3A_1626 = arith.index_cast %swap3A_1625 : i32 to index
    %swap3A_1627 = arith.constant 0 : index
    %swap3A_1628 = tpu.vector_load %arg6[%swap3A_1626, %swap3A_1627] {strides = array<i32>} : memref<4x64xf32, #tpu.memory_space<vmem>>, vector<16xf32>,
    tpu.vector_store %arg6[%swap3A_1626, %swap3A_1627], %add3A_1624 {strides = array<i32>} : memref<4x64xf32, #tpu.memory_space<vmem>>, vector<16xf32>,
    %get3A_1629 = arith.constant 3088 : index
    %get3A_1630 = tpu.vector_load %arg5[%get3A_1629] {strides = array<i32>} : memref<4096xf32, #tpu.memory_space<vmem>>, vector<16xf32>,
    %add3A_1631 = arith.addf %broadcast_in_dim3A_5, %get3A_1630 : vector<16xf32>
    %get3A_1632 = arith.constant 3152 : index
    %get3A_1633 = tpu.vector_load %arg5[%get3A_1632] {strides = array<i32>} : memref<4096xf32, #tpu.memory_space<vmem>>, vector<16xf32>,
    %add3A_1634 = arith.addf %add3A_1631, %get3A_1633 : vector<16xf32>
    %get3A_1635 = arith.constant 3216 : index
    %get3A_1636 = tpu.vector_load %arg5[%get3A_1635] {strides = array<i32>} : memref<4096xf32, #tpu.memory_space<vmem>>, vector<16xf32>,
    %add3A_1637 = arith.addf %add3A_1634, %get3A_1636 : vector<16xf32>
    %get3A_1638 = arith.constant 3280 : index
    %get3A_1639 = tpu.vector_load %arg5[%get3A_1638] {strides = array<i32>} : memref<4096xf32, #tpu.memory_space<vmem>>, vector<16xf32>,
    %add3A_1640 = arith.addf %add3A_1637, %get3A_1639 : vector<16xf32>
    %get3A_1641 = arith.constant 3344 : index
    %get3A_1642 = tpu.vector_load %arg5[%get3A_1641] {strides = array<i32>} : memref<4096xf32, #tpu.memory_space<vmem>>, vector<16xf32>,
    %add3A_1643 = arith.addf %add3A_1640, %get3A_1642 : vector<16xf32>
    %get3A_1644 = arith.constant 3408 : index
    %get3A_1645 = tpu.vector_load %arg5[%get3A_1644] {strides = array<i32>} : memref<4096xf32, #tpu.memory_space<vmem>>, vector<16xf32>,
    %add3A_1646 = arith.addf %add3A_1643, %get3A_1645 : vector<16xf32>
    %get3A_1647 = arith.constant 3472 : index
    %get3A_1648 = tpu.vector_load %arg5[%get3A_1647] {strides = array<i32>} : memref<4096xf32, #tpu.memory_space<vmem>>, vector<16xf32>,
    %add3A_1649 = arith.addf %add3A_1646, %get3A_1648 : vector<16xf32>
    %get3A_1650 = arith.constant 3536 : index
    %get3A_1651 = tpu.vector_load %arg5[%get3A_1650] {strides = array<i32>} : memref<4096xf32, #tpu.memory_space<vmem>>, vector<16xf32>,
    %add3A_1652 = arith.addf %add3A_1649, %get3A_1651 : vector<16xf32>
    %get3A_1653 = arith.constant 3600 : index
    %get3A_1654 = tpu.vector_load %arg5[%get3A_1653] {strides = array<i32>} : memref<4096xf32, #tpu.memory_space<vmem>>, vector<16xf32>,
    %add3A_1655 = arith.addf %add3A_1652, %get3A_1654 : vector<16xf32>
    %get3A_1656 = arith.constant 3664 : index
    %get3A_1657 = tpu.vector_load %arg5[%get3A_1656] {strides = array<i32>} : memref<4096xf32, #tpu.memory_space<vmem>>, vector<16xf32>,
    %add3A_1658 = arith.addf %add3A_1655, %get3A_1657 : vector<16xf32>
    %get3A_1659 = arith.constant 3728 : index
    %get3A_1660 = tpu.vector_load %arg5[%get3A_1659] {strides = array<i32>} : memref<4096xf32, #tpu.memory_space<vmem>>, vector<16xf32>,
    %add3A_1661 = arith.addf %add3A_1658, %get3A_1660 : vector<16xf32>
    %get3A_1662 = arith.constant 3792 : index
    %get3A_1663 = tpu.vector_load %arg5[%get3A_1662] {strides = array<i32>} : memref<4096xf32, #tpu.memory_space<vmem>>, vector<16xf32>,
    %add3A_1664 = arith.addf %add3A_1661, %get3A_1663 : vector<16xf32>
    %get3A_1665 = arith.constant 3856 : index
    %get3A_1666 = tpu.vector_load %arg5[%get3A_1665] {strides = array<i32>} : memref<4096xf32, #tpu.memory_space<vmem>>, vector<16xf32>,
    %add3A_1667 = arith.addf %add3A_1664, %get3A_1666 : vector<16xf32>
    %get3A_1668 = arith.constant 3920 : index
    %get3A_1669 = tpu.vector_load %arg5[%get3A_1668] {strides = array<i32>} : memref<4096xf32, #tpu.memory_space<vmem>>, vector<16xf32>,
    %add3A_1670 = arith.addf %add3A_1667, %get3A_1669 : vector<16xf32>
    %get3A_1671 = arith.constant 3984 : index
    %get3A_1672 = tpu.vector_load %arg5[%get3A_1671] {strides = array<i32>} : memref<4096xf32, #tpu.memory_space<vmem>>, vector<16xf32>,
    %add3A_1673 = arith.addf %add3A_1670, %get3A_1672 : vector<16xf32>
    %get3A_1674 = arith.constant 4048 : index
    %get3A_1675 = tpu.vector_load %arg5[%get3A_1674] {strides = array<i32>} : memref<4096xf32, #tpu.memory_space<vmem>>, vector<16xf32>,
    %add3A_1676 = arith.addf %add3A_1673, %get3A_1675 : vector<16xf32>
    %swap3A_1677 = arith.constant 3 : i32
    %swap3A_1678 = arith.index_cast %swap3A_1677 : i32 to index
    %swap3A_1679 = arith.constant 16 : index
    %swap3A_1680 = tpu.vector_load %arg6[%swap3A_1678, %swap3A_1679] {strides = array<i32>} : memref<4x64xf32, #tpu.memory_space<vmem>>, vector<16xf32>,
    tpu.vector_store %arg6[%swap3A_1678, %swap3A_1679], %add3A_1676 {strides = array<i32>} : memref<4x64xf32, #tpu.memory_space<vmem>>, vector<16xf32>,
    %get3A_1681 = arith.constant 3104 : index
    %get3A_1682 = tpu.vector_load %arg5[%get3A_1681] {strides = array<i32>} : memref<4096xf32, #tpu.memory_space<vmem>>, vector<16xf32>,
    %add3A_1683 = arith.addf %broadcast_in_dim3A_5, %get3A_1682 : vector<16xf32>
    %get3A_1684 = arith.constant 3168 : index
    %get3A_1685 = tpu.vector_load %arg5[%get3A_1684] {strides = array<i32>} : memref<4096xf32, #tpu.memory_space<vmem>>, vector<16xf32>,
    %add3A_1686 = arith.addf %add3A_1683, %get3A_1685 : vector<16xf32>
    %get3A_1687 = arith.constant 3232 : index
    %get3A_1688 = tpu.vector_load %arg5[%get3A_1687] {strides = array<i32>} : memref<4096xf32, #tpu.memory_space<vmem>>, vector<16xf32>,
    %add3A_1689 = arith.addf %add3A_1686, %get3A_1688 : vector<16xf32>
    %get3A_1690 = arith.constant 3296 : index
    %get3A_1691 = tpu.vector_load %arg5[%get3A_1690] {strides = array<i32>} : memref<4096xf32, #tpu.memory_space<vmem>>, vector<16xf32>,
    %add3A_1692 = arith.addf %add3A_1689, %get3A_1691 : vector<16xf32>
    %get3A_1693 = arith.constant 3360 : index
    %get3A_1694 = tpu.vector_load %arg5[%get3A_1693] {strides = array<i32>} : memref<4096xf32, #tpu.memory_space<vmem>>, vector<16xf32>,
    %add3A_1695 = arith.addf %add3A_1692, %get3A_1694 : vector<16xf32>
    %get3A_1696 = arith.constant 3424 : index
    %get3A_1697 = tpu.vector_load %arg5[%get3A_1696] {strides = array<i32>} : memref<4096xf32, #tpu.memory_space<vmem>>, vector<16xf32>,
    %add3A_1698 = arith.addf %add3A_1695, %get3A_1697 : vector<16xf32>
    %get3A_1699 = arith.constant 3488 : index
    %get3A_1700 = tpu.vector_load %arg5[%get3A_1699] {strides = array<i32>} : memref<4096xf32, #tpu.memory_space<vmem>>, vector<16xf32>,
    %add3A_1701 = arith.addf %add3A_1698, %get3A_1700 : vector<16xf32>
    %get3A_1702 = arith.constant 3552 : index
    %get3A_1703 = tpu.vector_load %arg5[%get3A_1702] {strides = array<i32>} : memref<4096xf32, #tpu.memory_space<vmem>>, vector<16xf32>,
    %add3A_1704 = arith.addf %add3A_1701, %get3A_1703 : vector<16xf32>
    %get3A_1705 = arith.constant 3616 : index
    %get3A_1706 = tpu.vector_load %arg5[%get3A_1705] {strides = array<i32>} : memref<4096xf32, #tpu.memory_space<vmem>>, vector<16xf32>,
    %add3A_1707 = arith.addf %add3A_1704, %get3A_1706 : vector<16xf32>
    %get3A_1708 = arith.constant 3680 : index
    %get3A_1709 = tpu.vector_load %arg5[%get3A_1708] {strides = array<i32>} : memref<4096xf32, #tpu.memory_space<vmem>>, vector<16xf32>,
    %add3A_1710 = arith.addf %add3A_1707, %get3A_1709 : vector<16xf32>
    %get3A_1711 = arith.constant 3744 : index
    %get3A_1712 = tpu.vector_load %arg5[%get3A_1711] {strides = array<i32>} : memref<4096xf32, #tpu.memory_space<vmem>>, vector<16xf32>,
    %add3A_1713 = arith.addf %add3A_1710, %get3A_1712 : vector<16xf32>
    %get3A_1714 = arith.constant 3808 : index
    %get3A_1715 = tpu.vector_load %arg5[%get3A_1714] {strides = array<i32>} : memref<4096xf32, #tpu.memory_space<vmem>>, vector<16xf32>,
    %add3A_1716 = arith.addf %add3A_1713, %get3A_1715 : vector<16xf32>
    %get3A_1717 = arith.constant 3872 : index
    %get3A_1718 = tpu.vector_load %arg5[%get3A_1717] {strides = array<i32>} : memref<4096xf32, #tpu.memory_space<vmem>>, vector<16xf32>,
    %add3A_1719 = arith.addf %add3A_1716, %get3A_1718 : vector<16xf32>
    %get3A_1720 = arith.constant 3936 : index
    %get3A_1721 = tpu.vector_load %arg5[%get3A_1720] {strides = array<i32>} : memref<4096xf32, #tpu.memory_space<vmem>>, vector<16xf32>,
    %add3A_1722 = arith.addf %add3A_1719, %get3A_1721 : vector<16xf32>
    %get3A_1723 = arith.constant 4000 : index
    %get3A_1724 = tpu.vector_load %arg5[%get3A_1723] {strides = array<i32>} : memref<4096xf32, #tpu.memory_space<vmem>>, vector<16xf32>,
    %add3A_1725 = arith.addf %add3A_1722, %get3A_1724 : vector<16xf32>
    %get3A_1726 = arith.constant 4064 : index
    %get3A_1727 = tpu.vector_load %arg5[%get3A_1726] {strides = array<i32>} : memref<4096xf32, #tpu.memory_space<vmem>>, vector<16xf32>,
    %add3A_1728 = arith.addf %add3A_1725, %get3A_1727 : vector<16xf32>
    %swap3A_1729 = arith.constant 3 : i32
    %swap3A_1730 = arith.index_cast %swap3A_1729 : i32 to index
    %swap3A_1731 = arith.constant 32 : index
    %swap3A_1732 = tpu.vector_load %arg6[%swap3A_1730, %swap3A_1731] {strides = array<i32>} : memref<4x64xf32, #tpu.memory_space<vmem>>, vector<16xf32>,
    tpu.vector_store %arg6[%swap3A_1730, %swap3A_1731], %add3A_1728 {strides = array<i32>} : memref<4x64xf32, #tpu.memory_space<vmem>>, vector<16xf32>,
    %get3A_1733 = arith.constant 3120 : index
    %get3A_1734 = tpu.vector_load %arg5[%get3A_1733] {strides = array<i32>} : memref<4096xf32, #tpu.memory_space<vmem>>, vector<16xf32>,
    %add3A_1735 = arith.addf %broadcast_in_dim3A_5, %get3A_1734 : vector<16xf32>
    %get3A_1736 = arith.constant 3184 : index
    %get3A_1737 = tpu.vector_load %arg5[%get3A_1736] {strides = array<i32>} : memref<4096xf32, #tpu.memory_space<vmem>>, vector<16xf32>,
    %add3A_1738 = arith.addf %add3A_1735, %get3A_1737 : vector<16xf32>
    %get3A_1739 = arith.constant 3248 : index
    %get3A_1740 = tpu.vector_load %arg5[%get3A_1739] {strides = array<i32>} : memref<4096xf32, #tpu.memory_space<vmem>>, vector<16xf32>,
    %add3A_1741 = arith.addf %add3A_1738, %get3A_1740 : vector<16xf32>
    %get3A_1742 = arith.constant 3312 : index
    %get3A_1743 = tpu.vector_load %arg5[%get3A_1742] {strides = array<i32>} : memref<4096xf32, #tpu.memory_space<vmem>>, vector<16xf32>,
    %add3A_1744 = arith.addf %add3A_1741, %get3A_1743 : vector<16xf32>
    %get3A_1745 = arith.constant 3376 : index
    %get3A_1746 = tpu.vector_load %arg5[%get3A_1745] {strides = array<i32>} : memref<4096xf32, #tpu.memory_space<vmem>>, vector<16xf32>,
    %add3A_1747 = arith.addf %add3A_1744, %get3A_1746 : vector<16xf32>
    %get3A_1748 = arith.constant 3440 : index
    %get3A_1749 = tpu.vector_load %arg5[%get3A_1748] {strides = array<i32>} : memref<4096xf32, #tpu.memory_space<vmem>>, vector<16xf32>,
    %add3A_1750 = arith.addf %add3A_1747, %get3A_1749 : vector<16xf32>
    %get3A_1751 = arith.constant 3504 : index
    %get3A_1752 = tpu.vector_load %arg5[%get3A_1751] {strides = array<i32>} : memref<4096xf32, #tpu.memory_space<vmem>>, vector<16xf32>,
    %add3A_1753 = arith.addf %add3A_1750, %get3A_1752 : vector<16xf32>
    %get3A_1754 = arith.constant 3568 : index
    %get3A_1755 = tpu.vector_load %arg5[%get3A_1754] {strides = array<i32>} : memref<4096xf32, #tpu.memory_space<vmem>>, vector<16xf32>,
    %add3A_1756 = arith.addf %add3A_1753, %get3A_1755 : vector<16xf32>
    %get3A_1757 = arith.constant 3632 : index
    %get3A_1758 = tpu.vector_load %arg5[%get3A_1757] {strides = array<i32>} : memref<4096xf32, #tpu.memory_space<vmem>>, vector<16xf32>,
    %add3A_1759 = arith.addf %add3A_1756, %get3A_1758 : vector<16xf32>
    %get3A_1760 = arith.constant 3696 : index
    %get3A_1761 = tpu.vector_load %arg5[%get3A_1760] {strides = array<i32>} : memref<4096xf32, #tpu.memory_space<vmem>>, vector<16xf32>,
    %add3A_1762 = arith.addf %add3A_1759, %get3A_1761 : vector<16xf32>
    %get3A_1763 = arith.constant 3760 : index
    %get3A_1764 = tpu.vector_load %arg5[%get3A_1763] {strides = array<i32>} : memref<4096xf32, #tpu.memory_space<vmem>>, vector<16xf32>,
    %add3A_1765 = arith.addf %add3A_1762, %get3A_1764 : vector<16xf32>
    %get3A_1766 = arith.constant 3824 : index
    %get3A_1767 = tpu.vector_load %arg5[%get3A_1766] {strides = array<i32>} : memref<4096xf32, #tpu.memory_space<vmem>>, vector<16xf32>,
    %add3A_1768 = arith.addf %add3A_1765, %get3A_1767 : vector<16xf32>
    %get3A_1769 = arith.constant 3888 : index
    %get3A_1770 = tpu.vector_load %arg5[%get3A_1769] {strides = array<i32>} : memref<4096xf32, #tpu.memory_space<vmem>>, vector<16xf32>,
    %add3A_1771 = arith.addf %add3A_1768, %get3A_1770 : vector<16xf32>
    %get3A_1772 = arith.constant 3952 : index
    %get3A_1773 = tpu.vector_load %arg5[%get3A_1772] {strides = array<i32>} : memref<4096xf32, #tpu.memory_space<vmem>>, vector<16xf32>,
    %add3A_1774 = arith.addf %add3A_1771, %get3A_1773 : vector<16xf32>
    %get3A_1775 = arith.constant 4016 : index
    %get3A_1776 = tpu.vector_load %arg5[%get3A_1775] {strides = array<i32>} : memref<4096xf32, #tpu.memory_space<vmem>>, vector<16xf32>,
    %add3A_1777 = arith.addf %add3A_1774, %get3A_1776 : vector<16xf32>
    %get3A_1778 = arith.constant 4080 : index
    %get3A_1779 = tpu.vector_load %arg5[%get3A_1778] {strides = array<i32>} : memref<4096xf32, #tpu.memory_space<vmem>>, vector<16xf32>,
    %add3A_1780 = arith.addf %add3A_1777, %get3A_1779 : vector<16xf32>
    %swap3A_1781 = arith.constant 3 : i32
    %swap3A_1782 = arith.index_cast %swap3A_1781 : i32 to index
    %swap3A_1783 = arith.constant 48 : index
    %swap3A_1784 = tpu.vector_load %arg6[%swap3A_1782, %swap3A_1783] {strides = array<i32>} : memref<4x64xf32, #tpu.memory_space<vmem>>, vector<16xf32>,
    tpu.vector_store %arg6[%swap3A_1782, %swap3A_1783], %add3A_1780 {strides = array<i32>} : memref<4x64xf32, #tpu.memory_space<vmem>>, vector<16xf32>,
    "tpu.region"() ({
      %run_scoped3A = tpu.sem_alloc : memref<!tpu.dma_semaphore, #tpu.memory_space<semaphore_mem>>
      %dma_start3A = arith.constant 0 : i32
      %dma_start3A_1785 = tpu.memref_slice %arg3[%mul3A_2, %dma_start3A] : memref<128x64xf32, #tpu.memory_space<hbm>> -> memref<4x64xf32, #tpu.memory_space<hbm>>
      %dma_start3A_1786 = arith.constant 0 : i32
      %dma_start3A_1787 = tpu.memref_slice %arg3[%mul3A_2, %dma_start3A_1786] : memref<128x64xf32, #tpu.memory_space<hbm>> -> memref<4x64xf32, #tpu.memory_space<hbm>>
      tpu.enqueue_dma source(%arg6 : memref<4x64xf32, #tpu.memory_space<vmem>>) target(%dma_start3A_1787 : memref<4x64xf32, #tpu.memory_space<hbm>>) target_semaphore(%run_scoped3A : memref<!tpu.dma_semaphore, #tpu.memory_space<semaphore_mem>>)
      %dma_wait3A = arith.constant 0 : i32
      %dma_wait3A_1788 = tpu.memref_slice %arg3[%mul3A_2, %dma_wait3A] : memref<128x64xf32, #tpu.memory_space<hbm>> -> memref<4x64xf32, #tpu.memory_space<hbm>>
      %dma_wait3A_1789 = arith.constant 0 : i32
      %dma_wait3A_1790 = tpu.memref_slice %arg3[%mul3A_2, %dma_wait3A_1789] : memref<128x64xf32, #tpu.memory_space<hbm>> -> memref<4x64xf32, #tpu.memory_space<hbm>>
      tpu.wait_dma2 semaphore(%run_scoped3A : memref<!tpu.dma_semaphore, #tpu.memory_space<semaphore_mem>>) src(%arg6 : memref<4x64xf32, #tpu.memory_space<vmem>>) dst(%dma_wait3A_1790 : memref<4x64xf32, #tpu.memory_space<hbm>>)
      tpu.yield
    }) : () -> ()
    return
  }
}

module attributes {stable_mosaic.version = 14 : i64} {
  func.func @_attn_body(%arg0: memref<128x64xf32, #tpu.memory_space<vmem>>, %arg1: memref<128x1xi32, #tpu.memory_space<vmem>>, %arg2: memref<64x64xf32, #tpu.memory_space<vmem>>, %arg3: memref<64x128xf32, #tpu.memory_space<vmem>>, %arg4: memref<128xf32, #tpu.memory_space<vmem>>, %arg5: memref<128x64xf32, #tpu.memory_space<vmem>>, %arg6: memref<64xf32, #tpu.memory_space<vmem>>, %arg7: memref<64xf32, #tpu.memory_space<vmem>>, %arg8: memref<64xf32, #tpu.memory_space<vmem>>, %arg9: memref<64x64xf32, #tpu.memory_space<vmem>>, %arg10: memref<64xf32, #tpu.memory_space<vmem>>, %arg11: memref<64x64xf32, #tpu.memory_space<vmem>>, %arg12: memref<64xf32, #tpu.memory_space<vmem>>, %arg13: memref<128x64xf32, #tpu.memory_space<vmem>>) attributes {dimension_semantics = [], scalar_prefetch = 0 : i64, scratch_operands = 0 : i64, tpu.core_type = #tpu.core_type<tc>} {
    %get3A = arith.constant 0 : index
    %get3A_0 = arith.constant 0 : index
    %get3A_1 = vector.load %arg0[%get3A, %get3A_0] : memref<128x64xf32, #tpu.memory_space<vmem>>, vector<128x64xf32>
    %get3A_2 = arith.constant 0 : index
    %get3A_3 = arith.constant 0 : index
    %get3A_4 = vector.load %arg2[%get3A_2, %get3A_3] : memref<64x64xf32, #tpu.memory_space<vmem>>, vector<64x64xf32>
    %get3A_5 = arith.constant 0 : index
    %get3A_6 = arith.constant 0 : index
    %get3A_7 = vector.load %arg3[%get3A_5, %get3A_6] : memref<64x128xf32, #tpu.memory_space<vmem>>, vector<64x128xf32>
    %dot_general3A = arith.constant dense<0.000000e+00> : vector<64x128xf32>
    %dot_general3A_8 = tpu.matmul %get3A_4, %get3A_7, %dot_general3A {dimension_numbers = #tpu.dot_dimension_numbers<[1], [0], [0], [1], [0, 0, 1, 1], [], []>, precision = #tpu.contract_precision<fp32>, transpose_lhs_hint = false} : vector<64x64xf32>, vector<64x128xf32>, vector<64x128xf32> -> vector<64x128xf32>
    %get3A_9 = arith.constant 0 : index
    %get3A_10 = vector.load %arg4[%get3A_9] : memref<128xf32, #tpu.memory_space<vmem>>, vector<128xf32>
    %broadcast_in_dim3A = vector.shape_cast %get3A_10 : vector<128xf32> to vector<1x128xf32>
    %add3A = vector.broadcast %broadcast_in_dim3A : vector<1x128xf32> to vector<64x128xf32>
    %add3A_11 = arith.addf %dot_general3A_8, %add3A : vector<64x128xf32>
    %max3A = arith.constant 0.000000e+00 : f32
    %max3A_12 = vector.broadcast %max3A : f32 to vector<64x128xf32>
    %max3A_13 = arith.maximumf %add3A_11, %max3A_12 : vector<64x128xf32>
    %get3A_14 = arith.constant 0 : index
    %get3A_15 = arith.constant 0 : index
    %get3A_16 = vector.load %arg5[%get3A_14, %get3A_15] : memref<128x64xf32, #tpu.memory_space<vmem>>, vector<128x64xf32>
    %dot_general3A_17 = arith.constant dense<0.000000e+00> : vector<64x64xf32>
    %dot_general3A_18 = tpu.matmul %max3A_13, %get3A_16, %dot_general3A_17 {dimension_numbers = #tpu.dot_dimension_numbers<[1], [0], [0], [1], [0, 0, 1, 1], [], []>, precision = #tpu.contract_precision<fp32>, transpose_lhs_hint = false} : vector<64x128xf32>, vector<128x64xf32>, vector<64x64xf32> -> vector<64x64xf32>
    %get3A_19 = arith.constant 0 : index
    %get3A_20 = vector.load %arg6[%get3A_19] : memref<64xf32, #tpu.memory_space<vmem>>, vector<64xf32>
    %broadcast_in_dim3A_21 = vector.shape_cast %get3A_20 : vector<64xf32> to vector<1x64xf32>
    %add3A_22 = vector.broadcast %broadcast_in_dim3A_21 : vector<1x64xf32> to vector<64x64xf32>
    %add3A_23 = arith.addf %dot_general3A_18, %add3A_22 : vector<64x64xf32>
    %add3A_24 = arith.addf %get3A_4, %add3A_23 : vector<64x64xf32>
    %reduce_sum3A = arith.constant dense<0.000000e+00> : vector<64xf32>
    %reduce_sum3A_25 = vector.multi_reduction <add>, %add3A_24, %reduce_sum3A [1] : vector<64x64xf32> to vector<64xf32>
    %broadcast_in_dim3A_26 = vector.shape_cast %reduce_sum3A_25 : vector<64xf32> to vector<64x1xf32>
    %div3A = arith.constant 6.400000e+01 : f32
    %div3A_27 = vector.broadcast %div3A : f32 to vector<64x1xf32>
    %div3A_28 = arith.divf %broadcast_in_dim3A_26, %div3A_27 : vector<64x1xf32>
    %sub3A = vector.broadcast %div3A_28 : vector<64x1xf32> to vector<64x64xf32>
    %sub3A_29 = arith.subf %add3A_24, %sub3A : vector<64x64xf32>
    %integer_pow3A = arith.mulf %sub3A_29, %sub3A_29 : vector<64x64xf32>
    %reduce_sum3A_30 = arith.constant dense<0.000000e+00> : vector<64xf32>
    %reduce_sum3A_31 = vector.multi_reduction <add>, %integer_pow3A, %reduce_sum3A_30 [1] : vector<64x64xf32> to vector<64xf32>
    %broadcast_in_dim3A_32 = vector.shape_cast %reduce_sum3A_31 : vector<64xf32> to vector<64x1xf32>
    %div3A_33 = arith.constant 6.400000e+01 : f32
    %div3A_34 = vector.broadcast %div3A_33 : f32 to vector<64x1xf32>
    %div3A_35 = arith.divf %broadcast_in_dim3A_32, %div3A_34 : vector<64x1xf32>
    %get3A_36 = arith.constant 0 : index
    %get3A_37 = vector.load %arg7[%get3A_36] : memref<64xf32, #tpu.memory_space<vmem>>, vector<64xf32>
    %sub3A_38 = vector.broadcast %div3A_28 : vector<64x1xf32> to vector<64x64xf32>
    %sub3A_39 = arith.subf %add3A_24, %sub3A_38 : vector<64x64xf32>
    %broadcast_in_dim3A_40 = vector.shape_cast %get3A_37 : vector<64xf32> to vector<1x64xf32>
    %mul3A = vector.broadcast %broadcast_in_dim3A_40 : vector<1x64xf32> to vector<64x64xf32>
    %mul3A_41 = arith.mulf %mul3A, %sub3A_39 : vector<64x64xf32>
    %add3A_42 = arith.constant 9.99999974E-6 : f32
    %add3A_43 = vector.broadcast %add3A_42 : f32 to vector<64x1xf32>
    %add3A_44 = arith.addf %div3A_35, %add3A_43 : vector<64x1xf32>
    %sqrt3A = math.sqrt %add3A_44 : vector<64x1xf32>
    %div3A_45 = vector.broadcast %sqrt3A : vector<64x1xf32> to vector<64x64xf32>
    %div3A_46 = arith.divf %mul3A_41, %div3A_45 : vector<64x64xf32>
    %get3A_47 = arith.constant 0 : index
    %get3A_48 = vector.load %arg8[%get3A_47] : memref<64xf32, #tpu.memory_space<vmem>>, vector<64xf32>
    %broadcast_in_dim3A_49 = vector.shape_cast %get3A_48 : vector<64xf32> to vector<1x64xf32>
    %add3A_50 = vector.broadcast %broadcast_in_dim3A_49 : vector<1x64xf32> to vector<64x64xf32>
    %add3A_51 = arith.addf %div3A_46, %add3A_50 : vector<64x64xf32>
    %mul3A_52 = arith.mulf %add3A_51, %add3A_51 : vector<64x64xf32>
    %reduce_sum3A_53 = arith.constant dense<0.000000e+00> : vector<64xf32>
    %reduce_sum3A_54 = vector.multi_reduction <add>, %mul3A_52, %reduce_sum3A_53 [1] : vector<64x64xf32> to vector<64xf32>
    %broadcast_in_dim3A_55 = vector.shape_cast %reduce_sum3A_54 : vector<64xf32> to vector<64x1xf32>
    %broadcast_in_dim3A_56 = vector.shape_cast %reduce_sum3A_54 : vector<64xf32> to vector<1x64xf32>
    %gt3A = vector.broadcast %broadcast_in_dim3A_55 : vector<64x1xf32> to vector<64x64xf32>
    %gt3A_57 = vector.broadcast %broadcast_in_dim3A_56 : vector<1x64xf32> to vector<64x64xf32>
    %gt3A_58 = arith.cmpf ogt, %gt3A, %gt3A_57 : vector<64x64xf32>
    %convert_element_type3A = arith.extui %gt3A_58 : vector<64x64xi1> to vector<64x64xi32>
    %convert_element_type3A_59 = arith.sitofp %convert_element_type3A : vector<64x64xi32> to vector<64x64xf32>
    %dot_general3A_60 = arith.constant dense<0.000000e+00> : vector<128x64xf32>
    %dot_general3A_61 = tpu.matmul %get3A_1, %convert_element_type3A_59, %dot_general3A_60 {dimension_numbers = #tpu.dot_dimension_numbers<[1], [0], [0], [1], [0, 0, 1, 1], [], []>, precision = #tpu.contract_precision<fp32>, transpose_lhs_hint = false} : vector<128x64xf32>, vector<64x64xf32>, vector<128x64xf32> -> vector<128x64xf32>
    %round3A = math.roundeven %dot_general3A_61 : vector<128x64xf32>
    %sub3A_62 = arith.constant 6.400000e+01 : f32
    %sub3A_63 = vector.broadcast %sub3A_62 : f32 to vector<128x64xf32>
    %sub3A_64 = arith.subf %sub3A_63, %round3A : vector<128x64xf32>
    %jit3A = arith.constant 0.000000e+00 : f32
    %max3A_65 = vector.broadcast %jit3A : f32 to vector<128x64xf32>
    %max3A_66 = arith.maximumf %max3A_65, %sub3A_64 : vector<128x64xf32>
    %min3A = arith.minimumf %get3A_1, %max3A_66 : vector<128x64xf32>
    %get3A_67 = arith.constant 0 : index
    %get3A_68 = arith.constant 0 : index
    %get3A_69 = vector.load %arg1[%get3A_67, %get3A_68] : memref<128x1xi32, #tpu.memory_space<vmem>>, vector<128x1xi32>
    %iota3A = tpu.iota {dimensions = array<i32: 1>} : vector<128x64xi32>
    %eq3A = vector.broadcast %get3A_69 : vector<128x1xi32> to vector<128x64xi32>
    %eq3A_70 = arith.cmpi eq, %eq3A, %iota3A : vector<128x64xi32>
    %convert_element_type3A_71 = arith.extui %eq3A_70 : vector<128x64xi1> to vector<128x64xi32>
    %convert_element_type3A_72 = arith.sitofp %convert_element_type3A_71 : vector<128x64xi32> to vector<128x64xf32>
    %dot_general3A_73 = arith.constant dense<0.000000e+00> : vector<128x64xf32>
    %dot_general3A_74 = tpu.matmul %convert_element_type3A_72, %add3A_51, %dot_general3A_73 {dimension_numbers = #tpu.dot_dimension_numbers<[1], [0], [0], [1], [0, 0, 1, 1], [], []>, precision = #tpu.contract_precision<fp32>, transpose_lhs_hint = false} : vector<128x64xf32>, vector<64x64xf32>, vector<128x64xf32> -> vector<128x64xf32>
    %get3A_75 = arith.constant 0 : index
    %get3A_76 = arith.constant 0 : index
    %get3A_77 = vector.load %arg9[%get3A_75, %get3A_76] : memref<64x64xf32, #tpu.memory_space<vmem>>, vector<64x64xf32>
    %dot_general3A_78 = arith.constant dense<0.000000e+00> : vector<128x64xf32>
    %dot_general3A_79 = tpu.matmul %dot_general3A_74, %get3A_77, %dot_general3A_78 {dimension_numbers = #tpu.dot_dimension_numbers<[1], [0], [0], [1], [0, 0, 1, 1], [], []>, precision = #tpu.contract_precision<fp32>, transpose_lhs_hint = false} : vector<128x64xf32>, vector<64x64xf32>, vector<128x64xf32> -> vector<128x64xf32>
    %get3A_80 = arith.constant 0 : index
    %get3A_81 = vector.load %arg10[%get3A_80] : memref<64xf32, #tpu.memory_space<vmem>>, vector<64xf32>
    %broadcast_in_dim3A_82 = vector.shape_cast %get3A_81 : vector<64xf32> to vector<1x64xf32>
    %add3A_83 = vector.broadcast %broadcast_in_dim3A_82 : vector<1x64xf32> to vector<128x64xf32>
    %add3A_84 = arith.addf %dot_general3A_79, %add3A_83 : vector<128x64xf32>
    %dot_general3A_85 = arith.constant dense<0.000000e+00> : vector<128x64xf32>
    %dot_general3A_86 = tpu.matmul %add3A_84, %add3A_51, %dot_general3A_85 {dimension_numbers = #tpu.dot_dimension_numbers<[1], [1], [0], [0], [0, 0, 1, 0], [], []>, precision = #tpu.contract_precision<fp32>, transpose_lhs_hint = false} : vector<128x64xf32>, vector<64x64xf32>, vector<128x64xf32> -> vector<128x64xf32>
    %mul3A_87 = arith.constant 1.250000e-01 : f32
    %mul3A_88 = vector.broadcast %mul3A_87 : f32 to vector<128x64xf32>
    %mul3A_89 = arith.mulf %dot_general3A_86, %mul3A_88 : vector<128x64xf32>
    %gt3A_90 = arith.constant 0.000000e+00 : f32
    %gt3A_91 = vector.broadcast %gt3A_90 : f32 to vector<128x64xf32>
    %gt3A_92 = arith.cmpf ogt, %min3A, %gt3A_91 : vector<128x64xf32>
    %jit3A_93 = arith.constant -1.000000e+30 : f32
    %broadcast_in_dim3A_94 = vector.broadcast %jit3A_93 : f32 to vector<128x64xf32>
    %select_n3A = arith.select %gt3A_92, %mul3A_89, %broadcast_in_dim3A_94 : vector<128x64xi1>, vector<128x64xf32>
    %reduce_max3A = arith.constant dense<0xFF800000> : vector<128xf32>
    %reduce_max3A_95 = vector.multi_reduction <maximumf>, %select_n3A, %reduce_max3A [1] : vector<128x64xf32> to vector<128xf32>
    %broadcast_in_dim3A_96 = vector.shape_cast %reduce_max3A_95 : vector<128xf32> to vector<128x1xf32>
    %sub3A_97 = vector.broadcast %broadcast_in_dim3A_96 : vector<128x1xf32> to vector<128x64xf32>
    %sub3A_98 = arith.subf %mul3A_89, %sub3A_97 : vector<128x64xf32>
    %exp3A = math.exp %sub3A_98 : vector<128x64xf32>
    %mul3A_99 = arith.mulf %min3A, %exp3A : vector<128x64xf32>
    %dot_general3A_100 = arith.constant dense<0.000000e+00> : vector<128x64xf32>
    %dot_general3A_101 = tpu.matmul %mul3A_99, %add3A_51, %dot_general3A_100 {dimension_numbers = #tpu.dot_dimension_numbers<[1], [0], [0], [1], [0, 0, 1, 1], [], []>, precision = #tpu.contract_precision<fp32>, transpose_lhs_hint = false} : vector<128x64xf32>, vector<64x64xf32>, vector<128x64xf32> -> vector<128x64xf32>
    %reduce_sum3A_102 = arith.constant dense<0.000000e+00> : vector<128xf32>
    %reduce_sum3A_103 = vector.multi_reduction <add>, %mul3A_99, %reduce_sum3A_102 [1] : vector<128x64xf32> to vector<128xf32>
    %broadcast_in_dim3A_104 = vector.shape_cast %reduce_sum3A_103 : vector<128xf32> to vector<128x1xf32>
    %div3A_105 = vector.broadcast %broadcast_in_dim3A_104 : vector<128x1xf32> to vector<128x64xf32>
    %div3A_106 = arith.divf %dot_general3A_101, %div3A_105 : vector<128x64xf32>
    %get3A_107 = arith.constant 0 : index
    %get3A_108 = arith.constant 0 : index
    %get3A_109 = vector.load %arg11[%get3A_107, %get3A_108] : memref<64x64xf32, #tpu.memory_space<vmem>>, vector<64x64xf32>
    %dot_general3A_110 = arith.constant dense<0.000000e+00> : vector<128x64xf32>
    %dot_general3A_111 = tpu.matmul %div3A_106, %get3A_109, %dot_general3A_110 {dimension_numbers = #tpu.dot_dimension_numbers<[1], [0], [0], [1], [0, 0, 1, 1], [], []>, precision = #tpu.contract_precision<fp32>, transpose_lhs_hint = false} : vector<128x64xf32>, vector<64x64xf32>, vector<128x64xf32> -> vector<128x64xf32>
    %get3A_112 = arith.constant 0 : index
    %get3A_113 = vector.load %arg12[%get3A_112] : memref<64xf32, #tpu.memory_space<vmem>>, vector<64xf32>
    %broadcast_in_dim3A_114 = vector.shape_cast %get3A_113 : vector<64xf32> to vector<1x64xf32>
    %add3A_115 = vector.broadcast %broadcast_in_dim3A_114 : vector<1x64xf32> to vector<128x64xf32>
    %add3A_116 = arith.addf %dot_general3A_111, %add3A_115 : vector<128x64xf32>
    %swap3A = arith.constant 0 : index
    %swap3A_117 = arith.constant 0 : index
    %swap3A_118 = vector.load %arg13[%swap3A, %swap3A_117] : memref<128x64xf32, #tpu.memory_space<vmem>>, vector<128x64xf32>
    tpu.vector_store %arg13[%swap3A, %swap3A_117], %add3A_116 {strides = array<i32>} : memref<128x64xf32, #tpu.memory_space<vmem>>, vector<128x64xf32>,
    return
  }
}

</mosaic_0001>

<sc_bundles>
// kernel: kernel.4.cloned.1.call-start
scs
__scs_entry_jumppad:
0x0: {  	(pc) =	sbr.rel $0x88, $3  }
0x1: {  	(tag) =	ssettag $0x0;
	lr =	simm.s32 $0x1  }
0x2: {  	[smem:$0x3F95] =	sst lr;
	_ =	strace $0xD0000000  }
0x3: {  	_ = 	snop  }
0x4: {  	_ = 	snop  }
0x5: {  	_ = 	snop  }
0x6: {  	_ = 	snop  }
0x7: {  	_ = 	snop  }
__scs_overlays_trampoline_lowered:
0x8: {  	[smem:$0x3FA4] =	sst s0  }
0x9: {  	[smem:$0x3FA5] =	sst s1  }
0xa: {  	[smem:$0x3FA6] =	sst s2  }
0xb: {  	[smem:$0x3FA7] =	sst s3  }
0xc: {  	[smem:$0x3FA8] =	sst s4  }
0xd: {  	[smem:$0x3FA9] =	sst s5  }
0xe: {  	[smem:$0x3FAA] =	sst s6  }
0xf: {  	[smem:$0x3FAB] =	sst s7  }
0x10: {  	[smem:$0x3FAC] =	sst s8  }
0x11: {  	[smem:$0x3FAD] =	sst s9;
	s0 =	simm.s32 @!p0 $0x0  }
0x12: {  	s1 =	sld [smem:$0x3F93];
	s0 =	simm.s32 @p0 $0x1  }
0x13: {  	[smem:$0x3FAE] =	sst s0;
	s0 =	simm.s32 @!p1 $0x0  }
0x14: {  	s2 =	sld [smem:$0x3F92];
	s0 =	simm.s32 @p1 $0x1  }
0x15: {  	[smem:$0x3FAF] =	sst s0;
	s0 =	simm.s32 @!p2 $0x0  }
0x16: {  	s3 =	sld [smem:$0x3FDB];
	s0 =	simm.s32 @p2 $0x1  }
0x17: {  	s4 =	simm.s32 $0x1BF5;
	[smem:$0x3FB1] =	sst s0  }
0x18: {  	s0 =	sld [smem:$0x3F94];
	_ =	swait.ge [sflag:s4], $0x0  }
0x19: {  	s7 =	sld [smem:$0x3F95]  }
0x1a: {  	s8 =	sadd.s32 $0xFFFFE003, lr  }
0x1b: {  	s9 =	sadd.s32 $0xFFFFFEF7, lr;
	s5 =	simm.s32 $0xFFFFFFFF;
	p2 =	slt.u32 s8, $0xFFFFF086  }
0x1c: {  	p1 =	slt.u32 s9, $0xF7A;
	s5 =	simm.s32 @!p2 $0x0  }
0x1d: {  	s5 =	simm.s32 @p1 $0x1;
	p0 =	seq.s32 s7, s2  }
0x1e: {  	s7 =	smul.u32 @!p0 $0xF7A, s2;
	p2 =	seq.s32 @!p0 s5, $0x0  }
0x1f: {  	s9 =	smul.u32 $0xF7A, s1;
	s8 =	simm.s32 @!p0 $0x1BF5;
	p2 =	por !p2, p0  }
0x20: {  	[sflag:s8] =	ssyncset.s32 @!p0 $0xFFFFF086;
	s6 =	sadd.s32 @!p0 s3, s7;
	s7 =	simm.s32 @!p0 $0x108  }
0x21: {  	s3 =	sadd.s32 s3, s9;
	s6 =	sadd.s32 @!p0 $0x88, s6;
	s7 =	simm.s32 @p2 $0x1082  }
0x22: {  	[simem:s7], [sflag:s8] =	dma.local @!p0 [hbm:s6], $0xF7A  }
0x23: {  	s9 =	sor.u32 $0xD0000000, s2;
	s6 =	simm.s32 $0x108;
	_ =	swait.ge @!p0 [sflag:s8], $0x0  }
0x24: {  	s3 =	sadd.s32 $0x88, s3;
	s6 =	simm.s32 @!p1 $0x1082;
	[sflag:s4] =	ssyncset.s32 $0xFFFFF086  }
0x25: {  	[simem:s6], [sflag:s4] =	dma.local [hbm:s3], $0xF7A  }
0x26: {  	[smem:$0x3F95] =	sst s1;
	(tag) =	ssettag s2;
	_ =	strace s9  }
0x27: {  	s1 =	sld [smem:$0x3FA5]  }
0x28: {  	s2 =	sld [smem:$0x3FA6]  }
0x29: {  	s4 =	sld [smem:$0x3FA8]  }
0x2a: {  	p0 =	seq.s32 s5, $0x0;
	s5 =	sld [smem:$0x3FA9]  }
0x2b: {  	s6 =	sld [smem:$0x3FAA]  }
0x2c: {  	s7 =	sld [smem:$0x3FAB]  }
0x2d: {  	s3 =	simm.s32 $0x108;
	s8 =	sld [smem:$0x3FAC]  }
0x2e: {  	s3 =	simm.s32 @!p0 $0x1082;
	s9 =	sld [smem:$0x3FAD]  }
0x2f: {  	lr =	sadd.s32 s0, s3;
	s0 =	sld [smem:$0x3FA4]  }
0x30: {  	s3 =	sld [smem:$0x3FA7]  }
0x31: {  	[smem:$0x3FB0] =	sst s10  }
0x32: {  	s10 =	sld [smem:$0x3FAE];
	_ =	sdelay $0x3  }
0x33: {  	p0 =	seq.s32 s10, $0x1;
	s10 =	sld [smem:$0x3FB0];
	_ =	sdelay $0x3  }
0x34: {  	[smem:$0x3FB0] =	sst s10  }
0x35: {  	s10 =	sld [smem:$0x3FAF];
	_ =	sdelay $0x3  }
0x36: {  	p1 =	seq.s32 s10, $0x1;
	s10 =	sld [smem:$0x3FB0];
	_ =	sdelay $0x3  }
0x37: {  	[smem:$0x3FB0] =	sst s10  }
0x38: {  	s10 =	sld [smem:$0x3FB1]  }
0x39: {  	_ = 	snop;
	(pc) =	sbr.ind lr, $3  }
0x3a: {  	_ = 	snop  }
0x3b: {  	_ = 	snop  }
0x3c: {  	p2 =	seq.s32 s10, $0x1;
	s10 =	sld [smem:$0x3FB0]  }
0x3d: {  	_ =	shalt  }
0x3e: {  	_ =	shalt  }
0x3f: {  	_ =	shalt  }
0x40: {  	_ =	shalt  }
0x41: {  	_ =	shalt  }
0x42: {  	_ =	shalt  }
0x43: {  	_ =	shalt  }
0x44: {  	_ =	shalt  }
0x45: {  	_ =	shalt  }
0x46: {  	_ =	shalt  }
0x47: {  	_ =	shalt  }
0x48: {  	_ =	shalt  }
0x49: {  	_ =	shalt  }
0x4a: {  	_ =	shalt  }
0x4b: {  	_ =	shalt  }
0x4c: {  	_ =	shalt  }
0x4d: {  	_ =	shalt  }
0x4e: {  	_ =	shalt  }
0x4f: {  	_ =	shalt  }
0x50: {  	_ =	shalt  }
0x51: {  	_ =	shalt  }
0x52: {  	_ =	shalt  }
0x53: {  	_ =	shalt  }
0x54: {  	_ =	shalt  }
0x55: {  	_ =	shalt  }
0x56: {  	_ =	shalt  }
0x57: {  	_ =	shalt  }
0x58: {  	_ =	shalt  }
0x59: {  	_ =	shalt  }
0x5a: {  	_ =	shalt  }
0x5b: {  	_ =	shalt  }
0x5c: {  	_ =	shalt  }
0x5d: {  	_ =	shalt  }
0x5e: {  	_ =	shalt  }
0x5f: {  	_ =	shalt  }
0x60: {  	_ =	shalt  }
0x61: {  	_ =	shalt  }
0x62: {  	_ =	shalt  }
0x63: {  	_ =	shalt  }
0x64: {  	_ =	shalt  }
0x65: {  	_ =	shalt  }
0x66: {  	_ =	shalt  }
0x67: {  	_ =	shalt  }
0x68: {  	_ =	shalt  }
0x69: {  	_ =	shalt  }
0x6a: {  	_ =	shalt  }
0x6b: {  	_ =	shalt  }
0x6c: {  	_ =	shalt  }
0x6d: {  	_ =	shalt  }
0x6e: {  	_ =	shalt  }
0x6f: {  	_ =	shalt  }
0x70: {  	_ =	shalt  }
0x71: {  	_ =	shalt  }
0x72: {  	_ =	shalt  }
0x73: {  	_ =	shalt  }
0x74: {  	_ =	shalt  }
0x75: {  	_ =	shalt  }
0x76: {  	_ =	shalt  }
0x77: {  	_ =	shalt  }
0x78: {  	_ =	shalt  }
0x79: {  	_ =	shalt  }
0x7a: {  	_ =	shalt  }
0x7b: {  	_ =	shalt  }
0x7c: {  	_ =	shalt  }
0x7d: {  	_ =	shalt  }
0x7e: {  	_ =	shalt  }
0x7f: {  	_ =	shalt  }
0x80: {  	_ =	shalt  }
0x81: {  	_ =	shalt  }
0x82: {  	_ =	shalt  }
0x83: {  	_ =	shalt  }
0x84: {  	_ =	shalt  }
0x85: {  	_ =	shalt  }
0x86: {  	_ =	shalt  }
0x87: {  	_ =	shalt  }
.Lfunc_end0:
.L_simem_size_0:
called_computation_lowered:
.L_overlay_start_0:
0x88: {  	s2 =	sld [smem:$0x3FD9]  }
0x89: {  	s3 =	sld [smem:$0x3FFE];
	_ =	sdelay $0x1  }
0x8a: {  	s1 =	srdreg.scid  }
0x8b: {  	s0 =	sand.u32 $0x1, s1  }
0x8c: {  	s17 =	sshll.u32 s0, $0xA;
	s2 =	sadd.s32 s3, s2  }
0x8d: {  	s2 =	sadd.s32 s2, s17  }
0x8e: {  	[smem:$0x3FBC] =	sst s2  }
0x8f: {  	_ = 	snop  }
0x90: {  	s2 =	sld [smem:$0x3FC9];
	(tm) =	ssettm $0x1  }
0x91: {  	s18 =	sld [smem:$0x3FFB];
	_ =	sdelay $0x3  }
0x92: {  	_ =	strace s18  }
0x93: {  	s3 =	sld [smem:$0x3FFC];
	_ =	sdelay $0x3  }
0x94: {  	_ =	strace s3  }
0x95: {  	s3 =	sld [smem:$0x3FFD];
	_ =	sdelay $0x3  }
0x96: {  	_ =	strace s3  }
0x97: {  	_ =	strace $0x8FFFFFFF  }
0x98: {  	s19 =	sld [smem:$0x3FDB];
	_ =	sdelay $0x1  }
0x99: {  	s4 =	simm.s32 $_scs_section_size  }
0x9a: {  	s5 =	simm.s32 $_size__tile_overlayer_lowered;
	s6 =	simm.s32 $_tile_overlayer_lowered  }
0x9b: {  	s22 =	simm.s32 $0x1BFF;
	s21 =	sshll.u32 s6, $0x1;
	s3 =	sadd.s32 s4, s19  }
0x9c: {  	s7 =	simm.s32 $0x0;
	s20 =	sshll.u32 s5, $0x1;
	s5 =	sadd.s32 s21, s3  }
0x9d: {  	[timem:s7], [sflag:s22] =	dma.local [hbm:s5], s20  }
0x9e: {  	_ =	swait.ge [sflag:s22], s20  }
0x9f: {  	s4 =	ssub.s32 $0x0, s20;
	[sflag:s22] =	ssyncset.done $0x0  }
0xa0: {  	[sflag:s22] =	ssyncadd.s32 s4;
	_ =	sdelay $0x1  }
0xa1: {  	s23 =	simm.s32 $0x1B8B  }
0xa2: {  	_ =	swait.ge [sflag:s23], $0x1  }
0xa3: {  	[sflag:s23] =	ssyncset.done $0x0  }
0xa4: {  	s25 =	simm.s32 $0x1B8E;
	s24 =	sld [smem:$0x3FFE];
	[sflag:s23] =	ssyncadd.s32 $0xFFFFFFFF  }
0xa5: {  	s26 =	simm.s32 $execute0_lowered;
	[smem:$0x3FD2] =	sst s25  }
0xa6: {  	s5 =	sshll.u32 s26, $0x1;
	_ =	strace $0x80000046;
	[dreg:$0x1] =	wrdreg $0xFFFFFFFF  }
0xa7: {  	s28 =	simm.s32 $_size_execute0_lowered;
	s3 =	sadd.s32 s3, s5;
	[dreg:$0x0] =	wrdreg $0x0  }
0xa8: {  	s5 =	sshll.u32 s28, $0x1;
	[dreg:$0x2] =	wrdreg s3  }
0xa9: {  	[dreg:$0x3] =	wrdreg s5  }
0xaa: {  	[dreg:$0x4] =	wrdreg $0xC0  }
0xab: {  	_ =	task [dreg:s7], $0x5FFFF  }
0xac: {  	[dreg:$0x1] =	wrdreg $0xFFFFFFFF  }
0xad: {  	[dreg:$0x0] =	wrdreg $0x60  }
0xae: {  	[dreg:$0x2] =	wrdreg s2  }
0xaf: {  	[dreg:$0x3] =	wrdreg s24  }
0xb0: {  	[dreg:$0x4] =	wrdreg $0x9  }
0xb1: {  	_ =	task.clear_ibuf [dreg:s7], $0x5FFFF;
	_ =	strace $0x90000046  }
0xb2: {  	s29 =	simm.s32 $0x9;
	_ =	strace $0x80000048  }
0xb3: {  	_ =	swait.ge [sflag:s29], $0x1  }
0xb4: {  	[sflag:s29] =	ssyncadd.s32 $0xFFFFFFFF  }
0xb5: {  	_ =	strace $0x90000048  }
0xb6: {  	_ =	sfence  }
0xb7: {  	s30 =	sld [smem:$0x0];
	_ =	sdelay $0x2  }
0xb8: {  	s31 =	sshll.u32 s1, $0xD;
	s1 =	sshrl.u32 s1, $0x2  }
0xb9: {  	s3 =	sand.u32 $0x4000, s31;
	s1 =	sadd.s32 s1, s30  }
0xba: {  	s0 =	sor.u32 s3, s0;
	s1 =	sshll.u32 s1, $0x11  }
0xbb: {  	s0 =	sor.u32 s1, s0  }
0xbc: {  	s0 =	sadd.s32 $0x8F2B, s0  }
0xbd: {  	[sflag:s0] =	ssyncadd.remote.s32 $0x1  }
0xbe: {  	_ =	sfence.sel $0xFFFF  }
0xbf: {  	[dreg:$0x0] =	wrdreg $0xFFFFFFFF;
	(pc) =	sbr.abs _section_cstart, $3  }
0xc0: {  	[dreg:$0x1] =	wrdreg $0xFFFFFFFF  }
0xc1: {  	_ =	task.clear_ibuf [dreg:s7], $0x2FFFF;
	_ =	strace $0x9FFFFFFF  }
0xc2: {  	(tm) =	ssettm $0x7FFFFFFF  }
0xc3: {  	_ =	shalt  }
tec
execute0_lowered:
.L_overlay_start_1:
0x0: {  	(tag) =	ssettag $0x1  }
0x1: {  	s3 =	rddreg [dreg:$0x0]  }
0x2: {  	s4 =	rddreg [dreg:$0x1]  }
0x3: {  	s0 =	rddreg [dreg:$0x2];
	s2 =	simm.s32 $0x0;
	s5 =	srdreg.scid  }
0x4: {  	s1 =	stileid.u32;
	s10 =	simm.s32 $0x9000;
	s11 =	simm.s32 $0x0  }
0x5: {  	[smem:$0x7FF] =	sst s2;
	s5 =	sand.u32 $0x1, s5;
	s7 =	sshll.u32 s1, $0xA  }
0x6: {  	s8 =	sshll.u32 s1, $0x10;
	s6 =	sshll.u32 s5, $0x9;
	s5 =	ssub.s32 $0x2, s5  }
0x7: {  	_ =	strace $0x80000047;
	s7 =	sor.u32 s6, s7;
	s9 =	sshrl.u32 s5, $0x1  }
0x8: {  	v0 =	vlaneseq.u32;
	s6 =	sor.u32 s6, s8;
	s8 =	simm.s32 $0x1;
	s7 =	sshrl.u32 s7, $0x3  }
0x9: {  	v0 =	vmul.u32 $0x40, v0;
	s5 =	ssub.s32 s5, s9;
	s6 =	sshrl.u32 s6, $0x3;
	s9 =	simm.s32 $0x8000  }
0xa: {  	v1 =	vimm.f32 $0.0e+00;
	v2 =	vimm.f32 $1.000000000e+00;
	s4 =	sadd.s32 s7, s4;
	s3 =	sadd.s32 s3, s6;
	s5 =	smax.u32 s5, $0x1  }
0xb: {  	v3 =	vor.u32 $0x400, v0;
	v4 =	vor.u32 $0x800, v0;
	v5 =	vor.u32 $0xC00, v0;
	s6 =	simm.s32 $0x200;
	s7 =	simm.s32 $0x400;
	s4 =	sadd.s32 $0x1C00, s4  }
.LBB2_1:
0xc: {  	[tilespmem:s2], [sflag:$0x1] =	stream.strided.gather [hbm4b:s3+s6], $0x8000, s7, s6, $0x38;
	[tilespmem:$0x9200] =	vst v63  }
0xd: {  	_ =	swait.ge [sflag:s8], $0x8000  }
0xe: {  	[sflag:s8] =	ssyncset.done $0x0  }
0xf: {  	[sflag:s8] =	ssyncadd.s32 $0xFFFF8000  }
0x10: {  	[tilespmem:$0x8000] =	vst v1  }
0x11: {  	[tilespmem:$0x8010] =	vst v1  }
0x12: {  	[tilespmem:$0x8020] =	vst v1  }
0x13: {  	[tilespmem:$0x8030] =	vst v1  }
0x14: {  	[tilespmem:$0x8040] =	vst v1  }
0x15: {  	[tilespmem:$0x8050] =	vst v1  }
0x16: {  	[tilespmem:$0x8060] =	vst v1  }
0x17: {  	[tilespmem:$0x8070] =	vst v1  }
0x18: {  	[tilespmem:$0x8080] =	vst v1  }
0x19: {  	[tilespmem:$0x8090] =	vst v1  }
0x1a: {  	[tilespmem:$0x80A0] =	vst v1  }
0x1b: {  	[tilespmem:$0x80B0] =	vst v1  }
0x1c: {  	[tilespmem:$0x80C0] =	vst v1  }
0x1d: {  	[tilespmem:$0x80D0] =	vst v1  }
0x1e: {  	[tilespmem:$0x80E0] =	vst v1  }
0x1f: {  	[tilespmem:$0x80F0] =	vst v1  }
0x20: {  	[tilespmem:$0x8100] =	vst v1  }
0x21: {  	[tilespmem:$0x8110] =	vst v1  }
0x22: {  	[tilespmem:$0x8120] =	vst v1  }
0x23: {  	[tilespmem:$0x8130] =	vst v1  }
0x24: {  	[tilespmem:$0x8140] =	vst v1  }
0x25: {  	[tilespmem:$0x8150] =	vst v1  }
0x26: {  	[tilespmem:$0x8160] =	vst v1  }
0x27: {  	[tilespmem:$0x8170] =	vst v1  }
0x28: {  	[tilespmem:$0x8180] =	vst v1  }
0x29: {  	[tilespmem:$0x8190] =	vst v1  }
0x2a: {  	[tilespmem:$0x81A0] =	vst v1  }
0x2b: {  	[tilespmem:$0x81B0] =	vst v1  }
0x2c: {  	[tilespmem:$0x81C0] =	vst v1  }
0x2d: {  	[tilespmem:$0x81D0] =	vst v1  }
0x2e: {  	[tilespmem:$0x81E0] =	vst v1  }
0x2f: {  	[tilespmem:$0x81F0] =	vst v1  }
0x30: {  	[tilespmem:$0x8200] =	vst v1  }
0x31: {  	[tilespmem:$0x8210] =	vst v1  }
0x32: {  	[tilespmem:$0x8220] =	vst v1  }
0x33: {  	[tilespmem:$0x8230] =	vst v1  }
0x34: {  	[tilespmem:$0x8240] =	vst v1  }
0x35: {  	[tilespmem:$0x8250] =	vst v1  }
0x36: {  	[tilespmem:$0x8260] =	vst v1  }
0x37: {  	[tilespmem:$0x8270] =	vst v1  }
0x38: {  	[tilespmem:$0x8280] =	vst v1  }
0x39: {  	[tilespmem:$0x8290] =	vst v1  }
0x3a: {  	[tilespmem:$0x82A0] =	vst v1  }
0x3b: {  	[tilespmem:$0x82B0] =	vst v1  }
0x3c: {  	[tilespmem:$0x82C0] =	vst v1  }
0x3d: {  	[tilespmem:$0x82D0] =	vst v1  }
0x3e: {  	[tilespmem:$0x82E0] =	vst v1  }
0x3f: {  	[tilespmem:$0x82F0] =	vst v1  }
0x40: {  	[tilespmem:$0x8300] =	vst v1  }
0x41: {  	[tilespmem:$0x8310] =	vst v1  }
0x42: {  	[tilespmem:$0x8320] =	vst v1  }
0x43: {  	[tilespmem:$0x8330] =	vst v1  }
0x44: {  	[tilespmem:$0x8340] =	vst v1  }
0x45: {  	[tilespmem:$0x8350] =	vst v1  }
0x46: {  	[tilespmem:$0x8360] =	vst v1  }
0x47: {  	[tilespmem:$0x8370] =	vst v1  }
0x48: {  	[tilespmem:$0x8380] =	vst v1  }
0x49: {  	[tilespmem:$0x8390] =	vst v1  }
0x4a: {  	[tilespmem:$0x83A0] =	vst v1  }
0x4b: {  	[tilespmem:$0x83B0] =	vst v1  }
0x4c: {  	[tilespmem:$0x83C0] =	vst v1  }
0x4d: {  	[tilespmem:$0x83D0] =	vst v1  }
0x4e: {  	[tilespmem:$0x83E0] =	vst v1  }
0x4f: {  	[tilespmem:$0x83F0] =	vst v1  }
0x50: {  	[tilespmem:$0x8400] =	vst v1  }
0x51: {  	[tilespmem:$0x8410] =	vst v1  }
0x52: {  	[tilespmem:$0x8420] =	vst v1  }
0x53: {  	[tilespmem:$0x8430] =	vst v1  }
0x54: {  	[tilespmem:$0x8440] =	vst v1  }
0x55: {  	[tilespmem:$0x8450] =	vst v1  }
0x56: {  	[tilespmem:$0x8460] =	vst v1  }
0x57: {  	[tilespmem:$0x8470] =	vst v1  }
0x58: {  	[tilespmem:$0x8480] =	vst v1  }
0x59: {  	[tilespmem:$0x8490] =	vst v1  }
0x5a: {  	[tilespmem:$0x84A0] =	vst v1  }
0x5b: {  	[tilespmem:$0x84B0] =	vst v1  }
0x5c: {  	[tilespmem:$0x84C0] =	vst v1  }
0x5d: {  	[tilespmem:$0x84D0] =	vst v1  }
0x5e: {  	[tilespmem:$0x84E0] =	vst v1  }
0x5f: {  	[tilespmem:$0x84F0] =	vst v1  }
0x60: {  	[tilespmem:$0x8500] =	vst v1  }
0x61: {  	[tilespmem:$0x8510] =	vst v1  }
0x62: {  	[tilespmem:$0x8520] =	vst v1  }
0x63: {  	[tilespmem:$0x8530] =	vst v1  }
0x64: {  	[tilespmem:$0x8540] =	vst v1  }
0x65: {  	[tilespmem:$0x8550] =	vst v1  }
0x66: {  	[tilespmem:$0x8560] =	vst v1  }
0x67: {  	[tilespmem:$0x8570] =	vst v1  }
0x68: {  	[tilespmem:$0x8580] =	vst v1  }
0x69: {  	[tilespmem:$0x8590] =	vst v1  }
0x6a: {  	[tilespmem:$0x85A0] =	vst v1  }
0x6b: {  	[tilespmem:$0x85B0] =	vst v1  }
0x6c: {  	[tilespmem:$0x85C0] =	vst v1  }
0x6d: {  	[tilespmem:$0x85D0] =	vst v1  }
0x6e: {  	[tilespmem:$0x85E0] =	vst v1  }
0x6f: {  	[tilespmem:$0x85F0] =	vst v1  }
0x70: {  	[tilespmem:$0x8600] =	vst v1  }
0x71: {  	[tilespmem:$0x8610] =	vst v1  }
0x72: {  	[tilespmem:$0x8620] =	vst v1  }
0x73: {  	[tilespmem:$0x8630] =	vst v1  }
0x74: {  	[tilespmem:$0x8640] =	vst v1  }
0x75: {  	[tilespmem:$0x8650] =	vst v1  }
0x76: {  	[tilespmem:$0x8660] =	vst v1  }
0x77: {  	[tilespmem:$0x8670] =	vst v1  }
0x78: {  	[tilespmem:$0x8680] =	vst v1  }
0x79: {  	[tilespmem:$0x8690] =	vst v1  }
0x7a: {  	[tilespmem:$0x86A0] =	vst v1  }
0x7b: {  	[tilespmem:$0x86B0] =	vst v1  }
0x7c: {  	[tilespmem:$0x86C0] =	vst v1  }
0x7d: {  	[tilespmem:$0x86D0] =	vst v1  }
0x7e: {  	[tilespmem:$0x86E0] =	vst v1  }
0x7f: {  	[tilespmem:$0x86F0] =	vst v1  }
0x80: {  	[tilespmem:$0x8700] =	vst v1  }
0x81: {  	[tilespmem:$0x8710] =	vst v1  }
0x82: {  	[tilespmem:$0x8720] =	vst v1  }
0x83: {  	[tilespmem:$0x8730] =	vst v1  }
0x84: {  	[tilespmem:$0x8740] =	vst v1  }
0x85: {  	[tilespmem:$0x8750] =	vst v1  }
0x86: {  	[tilespmem:$0x8760] =	vst v1  }
0x87: {  	[tilespmem:$0x8770] =	vst v1  }
0x88: {  	[tilespmem:$0x8780] =	vst v1  }
0x89: {  	[tilespmem:$0x8790] =	vst v1  }
0x8a: {  	[tilespmem:$0x87A0] =	vst v1  }
0x8b: {  	[tilespmem:$0x87B0] =	vst v1  }
0x8c: {  	[tilespmem:$0x87C0] =	vst v1  }
0x8d: {  	[tilespmem:$0x87D0] =	vst v1  }
0x8e: {  	[tilespmem:$0x87E0] =	vst v1  }
0x8f: {  	[tilespmem:$0x87F0] =	vst v1  }
0x90: {  	[tilespmem:$0x8800] =	vst v1  }
0x91: {  	[tilespmem:$0x8810] =	vst v1  }
0x92: {  	[tilespmem:$0x8820] =	vst v1  }
0x93: {  	[tilespmem:$0x8830] =	vst v1  }
0x94: {  	[tilespmem:$0x8840] =	vst v1  }
0x95: {  	[tilespmem:$0x8850] =	vst v1  }
0x96: {  	[tilespmem:$0x8860] =	vst v1  }
0x97: {  	[tilespmem:$0x8870] =	vst v1  }
0x98: {  	[tilespmem:$0x8880] =	vst v1  }
0x99: {  	[tilespmem:$0x8890] =	vst v1  }
0x9a: {  	[tilespmem:$0x88A0] =	vst v1  }
0x9b: {  	[tilespmem:$0x88B0] =	vst v1  }
0x9c: {  	[tilespmem:$0x88C0] =	vst v1  }
0x9d: {  	[tilespmem:$0x88D0] =	vst v1  }
0x9e: {  	[tilespmem:$0x88E0] =	vst v1  }
0x9f: {  	[tilespmem:$0x88F0] =	vst v1  }
0xa0: {  	[tilespmem:$0x8900] =	vst v1  }
0xa1: {  	[tilespmem:$0x8910] =	vst v1  }
0xa2: {  	[tilespmem:$0x8920] =	vst v1  }
0xa3: {  	[tilespmem:$0x8930] =	vst v1  }
0xa4: {  	[tilespmem:$0x8940] =	vst v1  }
0xa5: {  	[tilespmem:$0x8950] =	vst v1  }
0xa6: {  	[tilespmem:$0x8960] =	vst v1  }
0xa7: {  	[tilespmem:$0x8970] =	vst v1  }
0xa8: {  	[tilespmem:$0x8980] =	vst v1  }
0xa9: {  	[tilespmem:$0x8990] =	vst v1  }
0xaa: {  	[tilespmem:$0x89A0] =	vst v1  }
0xab: {  	[tilespmem:$0x89B0] =	vst v1  }
0xac: {  	[tilespmem:$0x89C0] =	vst v1  }
0xad: {  	[tilespmem:$0x89D0] =	vst v1  }
0xae: {  	[tilespmem:$0x89E0] =	vst v1  }
0xaf: {  	[tilespmem:$0x89F0] =	vst v1  }
0xb0: {  	[tilespmem:$0x8A00] =	vst v1  }
0xb1: {  	[tilespmem:$0x8A10] =	vst v1  }
0xb2: {  	[tilespmem:$0x8A20] =	vst v1  }
0xb3: {  	[tilespmem:$0x8A30] =	vst v1  }
0xb4: {  	[tilespmem:$0x8A40] =	vst v1  }
0xb5: {  	[tilespmem:$0x8A50] =	vst v1  }
0xb6: {  	[tilespmem:$0x8A60] =	vst v1  }
0xb7: {  	[tilespmem:$0x8A70] =	vst v1  }
0xb8: {  	[tilespmem:$0x8A80] =	vst v1  }
0xb9: {  	[tilespmem:$0x8A90] =	vst v1  }
0xba: {  	[tilespmem:$0x8AA0] =	vst v1  }
0xbb: {  	[tilespmem:$0x8AB0] =	vst v1  }
0xbc: {  	[tilespmem:$0x8AC0] =	vst v1  }
0xbd: {  	[tilespmem:$0x8AD0] =	vst v1  }
0xbe: {  	[tilespmem:$0x8AE0] =	vst v1  }
0xbf: {  	[tilespmem:$0x8AF0] =	vst v1  }
0xc0: {  	[tilespmem:$0x8B00] =	vst v1  }
0xc1: {  	[tilespmem:$0x8B10] =	vst v1  }
0xc2: {  	[tilespmem:$0x8B20] =	vst v1  }
0xc3: {  	[tilespmem:$0x8B30] =	vst v1  }
0xc4: {  	[tilespmem:$0x8B40] =	vst v1  }
0xc5: {  	[tilespmem:$0x8B50] =	vst v1  }
0xc6: {  	[tilespmem:$0x8B60] =	vst v1  }
0xc7: {  	[tilespmem:$0x8B70] =	vst v1  }
0xc8: {  	[tilespmem:$0x8B80] =	vst v1  }
0xc9: {  	[tilespmem:$0x8B90] =	vst v1  }
0xca: {  	[tilespmem:$0x8BA0] =	vst v1  }
0xcb: {  	[tilespmem:$0x8BB0] =	vst v1  }
0xcc: {  	[tilespmem:$0x8BC0] =	vst v1  }
0xcd: {  	[tilespmem:$0x8BD0] =	vst v1  }
0xce: {  	[tilespmem:$0x8BE0] =	vst v1  }
0xcf: {  	[tilespmem:$0x8BF0] =	vst v1  }
0xd0: {  	[tilespmem:$0x8C00] =	vst v1  }
0xd1: {  	[tilespmem:$0x8C10] =	vst v1  }
0xd2: {  	[tilespmem:$0x8C20] =	vst v1  }
0xd3: {  	[tilespmem:$0x8C30] =	vst v1  }
0xd4: {  	[tilespmem:$0x8C40] =	vst v1  }
0xd5: {  	[tilespmem:$0x8C50] =	vst v1  }
0xd6: {  	[tilespmem:$0x8C60] =	vst v1  }
0xd7: {  	[tilespmem:$0x8C70] =	vst v1  }
0xd8: {  	[tilespmem:$0x8C80] =	vst v1  }
0xd9: {  	[tilespmem:$0x8C90] =	vst v1  }
0xda: {  	[tilespmem:$0x8CA0] =	vst v1  }
0xdb: {  	[tilespmem:$0x8CB0] =	vst v1  }
0xdc: {  	[tilespmem:$0x8CC0] =	vst v1  }
0xdd: {  	[tilespmem:$0x8CD0] =	vst v1  }
0xde: {  	[tilespmem:$0x8CE0] =	vst v1  }
0xdf: {  	[tilespmem:$0x8CF0] =	vst v1  }
0xe0: {  	[tilespmem:$0x8D00] =	vst v1  }
0xe1: {  	[tilespmem:$0x8D10] =	vst v1  }
0xe2: {  	[tilespmem:$0x8D20] =	vst v1  }
0xe3: {  	[tilespmem:$0x8D30] =	vst v1  }
0xe4: {  	[tilespmem:$0x8D40] =	vst v1  }
0xe5: {  	[tilespmem:$0x8D50] =	vst v1  }
0xe6: {  	[tilespmem:$0x8D60] =	vst v1  }
0xe7: {  	[tilespmem:$0x8D70] =	vst v1  }
0xe8: {  	[tilespmem:$0x8D80] =	vst v1  }
0xe9: {  	[tilespmem:$0x8D90] =	vst v1  }
0xea: {  	[tilespmem:$0x8DA0] =	vst v1  }
0xeb: {  	[tilespmem:$0x8DB0] =	vst v1  }
0xec: {  	[tilespmem:$0x8DC0] =	vst v1  }
0xed: {  	[tilespmem:$0x8DD0] =	vst v1  }
0xee: {  	[tilespmem:$0x8DE0] =	vst v1  }
0xef: {  	[tilespmem:$0x8DF0] =	vst v1  }
0xf0: {  	[tilespmem:$0x8E00] =	vst v1  }
0xf1: {  	[tilespmem:$0x8E10] =	vst v1  }
0xf2: {  	[tilespmem:$0x8E20] =	vst v1  }
0xf3: {  	[tilespmem:$0x8E30] =	vst v1  }
0xf4: {  	[tilespmem:$0x8E40] =	vst v1  }
0xf5: {  	[tilespmem:$0x8E50] =	vst v1  }
0xf6: {  	[tilespmem:$0x8E60] =	vst v1  }
0xf7: {  	[tilespmem:$0x8E70] =	vst v1  }
0xf8: {  	[tilespmem:$0x8E80] =	vst v1  }
0xf9: {  	[tilespmem:$0x8E90] =	vst v1  }
0xfa: {  	[tilespmem:$0x8EA0] =	vst v1  }
0xfb: {  	[tilespmem:$0x8EB0] =	vst v1  }
0xfc: {  	[tilespmem:$0x8EC0] =	vst v1  }
0xfd: {  	[tilespmem:$0x8ED0] =	vst v1  }
0xfe: {  	[tilespmem:$0x8EE0] =	vst v1  }
0xff: {  	[tilespmem:$0x8EF0] =	vst v1  }
0x100: {  	[tilespmem:$0x8F00] =	vst v1  }
0x101: {  	[tilespmem:$0x8F10] =	vst v1  }
0x102: {  	[tilespmem:$0x8F20] =	vst v1  }
0x103: {  	[tilespmem:$0x8F30] =	vst v1  }
0x104: {  	[tilespmem:$0x8F40] =	vst v1  }
0x105: {  	[tilespmem:$0x8F50] =	vst v1  }
0x106: {  	[tilespmem:$0x8F60] =	vst v1  }
0x107: {  	[tilespmem:$0x8F70] =	vst v1  }
0x108: {  	[tilespmem:$0x8F80] =	vst v1  }
0x109: {  	[tilespmem:$0x8F90] =	vst v1  }
0x10a: {  	[tilespmem:$0x8FA0] =	vst v1  }
0x10b: {  	[tilespmem:$0x8FB0] =	vst v1  }
0x10c: {  	[tilespmem:$0x8FC0] =	vst v1  }
0x10d: {  	[tilespmem:$0x8FD0] =	vst v1  }
0x10e: {  	[tilespmem:$0x8FE0] =	vst v1  }
0x10f: {  	s12 =	simm.s32 $0xFFFFFFF8;
	s13 =	simm.s32 $0x40;
	[tilespmem:$0x8FF0] =	vst v1  }
.LBB2_2:
0x110: {  	v6 =	vld [tilespmem:s13+$0xFFFFFFC0];
	_ =	sdelay $0x4  }
0x111: {  	v6 =	vadd.s32 v0, v6;
	_ =	sdelay $0x4  }
0x112: {  	[tilespmem:v6+s9+$0x0] =	vst.idx.add.f32.msk $0xffff, v2  }
0x113: {  	v6 =	vld [tilespmem:s13+$0xFFFFFFD0];
	_ =	sdelay $0x4  }
0x114: {  	v6 =	vadd.s32 v0, v6;
	_ =	sdelay $0x4  }
0x115: {  	[tilespmem:v6+s9+$0x0] =	vst.idx.add.f32.msk $0xffff, v2  }
0x116: {  	v6 =	vld [tilespmem:s13+$0xFFFFFFE0];
	_ =	sdelay $0x4  }
0x117: {  	v6 =	vadd.s32 v0, v6;
	_ =	sdelay $0x4  }
0x118: {  	[tilespmem:v6+s9+$0x0] =	vst.idx.add.f32.msk $0xffff, v2  }
0x119: {  	v6 =	vld [tilespmem:s13+$0xFFFFFFF0];
	_ =	sdelay $0x4  }
0x11a: {  	v6 =	vadd.s32 v0, v6;
	_ =	sdelay $0x4  }
0x11b: {  	[tilespmem:v6+s9+$0x0] =	vst.idx.add.f32.msk $0xffff, v2  }
0x11c: {  	v6 =	vld [tilespmem:s13+$0x0];
	_ =	sdelay $0x4  }
0x11d: {  	v6 =	vadd.s32 v0, v6;
	_ =	sdelay $0x4  }
0x11e: {  	[tilespmem:v6+s9+$0x0] =	vst.idx.add.f32.msk $0xffff, v2  }
0x11f: {  	v6 =	vld [tilespmem:s13+$0x10];
	_ =	sdelay $0x4  }
0x120: {  	v6 =	vadd.s32 v0, v6;
	_ =	sdelay $0x4  }
0x121: {  	[tilespmem:v6+s9+$0x0] =	vst.idx.add.f32.msk $0xffff, v2  }
0x122: {  	v6 =	vld [tilespmem:s13+$0x20];
	_ =	sdelay $0x4  }
0x123: {  	v6 =	vadd.s32 v0, v6;
	_ =	sdelay $0x4  }
0x124: {  	[tilespmem:v6+s9+$0x0] =	vst.idx.add.f32.msk $0xffff, v2  }
0x125: {  	v6 =	vld [tilespmem:s13+$0x30];
	_ =	sdelay $0x3  }
0x126: {  	s12 =	sadd.s32 $0x8, s12  }
0x127: {  	p0 =	slt.u32 s12, $0x1F0;
	v6 =	vadd.s32 v0, v6  }
.Ltmp0:
0x128: {  	_ = 	snop;
	(pc) =	sbr.rel @p0 .LBB2_2-.Ltmp0, $2  }
0x129: {  	_ =	sdelay $0x2  }
0x12a: {  	s13 =	sadd.s32 $0x200, s13;
	[tilespmem:v6+s9+$0x0] =	vst.idx.add.f32.msk $0xffff, v2  }
0x12b: {  	v6 =	vld [tilespmem:$0x7E00];
	_ =	sdelay $0x4  }
0x12c: {  	v6 =	vadd.s32 v0, v6;
	_ =	sdelay $0x4  }
0x12d: {  	[tilespmem:v6+s9+$0x0] =	vst.idx.add.f32.msk $0xffff, v2  }
0x12e: {  	v6 =	vld [tilespmem:$0x7E10];
	_ =	sdelay $0x4  }
0x12f: {  	v6 =	vadd.s32 v0, v6;
	_ =	sdelay $0x4  }
0x130: {  	[tilespmem:v6+s9+$0x0] =	vst.idx.add.f32.msk $0xffff, v2  }
0x131: {  	v6 =	vld [tilespmem:$0x7E20];
	_ =	sdelay $0x4  }
0x132: {  	v6 =	vadd.s32 v0, v6;
	_ =	sdelay $0x4  }
0x133: {  	[tilespmem:v6+s9+$0x0] =	vst.idx.add.f32.msk $0xffff, v2  }
0x134: {  	v6 =	vld [tilespmem:$0x7E30];
	_ =	sdelay $0x4  }
0x135: {  	v6 =	vadd.s32 v0, v6;
	_ =	sdelay $0x4  }
0x136: {  	[tilespmem:v6+s9+$0x0] =	vst.idx.add.f32.msk $0xffff, v2  }
0x137: {  	v6 =	vld [tilespmem:$0x7E40];
	_ =	sdelay $0x4  }
0x138: {  	v6 =	vadd.s32 v0, v6;
	_ =	sdelay $0x4  }
0x139: {  	[tilespmem:v6+s9+$0x0] =	vst.idx.add.f32.msk $0xffff, v2  }
0x13a: {  	v6 =	vld [tilespmem:$0x7E50];
	_ =	sdelay $0x4  }
0x13b: {  	v6 =	vadd.s32 v0, v6;
	_ =	sdelay $0x4  }
0x13c: {  	[tilespmem:v6+s9+$0x0] =	vst.idx.add.f32.msk $0xffff, v2  }
0x13d: {  	v6 =	vld [tilespmem:$0x7E60];
	_ =	sdelay $0x4  }
0x13e: {  	v6 =	vadd.s32 v0, v6;
	_ =	sdelay $0x4  }
0x13f: {  	[tilespmem:v6+s9+$0x0] =	vst.idx.add.f32.msk $0xffff, v2  }
0x140: {  	v6 =	vld [tilespmem:$0x7E70];
	_ =	sdelay $0x4  }
0x141: {  	v6 =	vadd.s32 v0, v6;
	_ =	sdelay $0x4  }
0x142: {  	[tilespmem:v6+s9+$0x0] =	vst.idx.add.f32.msk $0x1fff, v2  }
0x143: {  	v6 =	vld [tilespmem:$0x8000]  }
0x144: {  	v7 =	vld [tilespmem:$0x8040]  }
0x145: {  	v8 =	vld [tilespmem:$0x8080]  }
0x146: {  	v9 =	vld [tilespmem:$0x80C0]  }
0x147: {  	v10 =	vld [tilespmem:$0x8100]  }
0x148: {  	v11 =	vld [tilespmem:$0x8140]  }
0x149: {  	v12 =	vld [tilespmem:$0x8180]  }
0x14a: {  	v13 =	vld [tilespmem:$0x81C0]  }
0x14b: {  	v14 =	vld [tilespmem:$0x8200]  }
0x14c: {  	v15 =	vld [tilespmem:$0x8240]  }
0x14d: {  	v16 =	vld [tilespmem:$0x8280]  }
0x14e: {  	v17 =	vld [tilespmem:$0x82C0]  }
0x14f: {  	v18 =	vld [tilespmem:$0x8300]  }
0x150: {  	v19 =	vld [tilespmem:$0x8340]  }
0x151: {  	v20 =	vld [tilespmem:$0x8380]  }
0x152: {  	v21 =	vld [tilespmem:$0x83C0]  }
0x153: {  	v22 =	vld [tilespmem:$0x8010]  }
0x154: {  	v23 =	vld [tilespmem:$0x8050]  }
0x155: {  	v24 =	vld [tilespmem:$0x8090]  }
0x156: {  	v25 =	vld [tilespmem:$0x80D0]  }
0x157: {  	v26 =	vld [tilespmem:$0x8110]  }
0x158: {  	v27 =	vld [tilespmem:$0x8150]  }
0x159: {  	v28 =	vld [tilespmem:$0x8190]  }
0x15a: {  	v29 =	vld [tilespmem:$0x81D0]  }
0x15b: {  	v30 =	vld [tilespmem:$0x8210]  }
0x15c: {  	v31 =	vld [tilespmem:$0x8250]  }
0x15d: {  	v32 =	vld [tilespmem:$0x8290]  }
0x15e: {  	v33 =	vld [tilespmem:$0x82D0]  }
0x15f: {  	v34 =	vld [tilespmem:$0x8310]  }
0x160: {  	v35 =	vld [tilespmem:$0x8350]  }
0x161: {  	v36 =	vld [tilespmem:$0x8390]  }
0x162: {  	v37 =	vld [tilespmem:$0x83D0]  }
0x163: {  	v38 =	vld [tilespmem:$0x8020]  }
0x164: {  	v39 =	vld [tilespmem:$0x8030]  }
0x165: {  	v40 =	vld [tilespmem:$0x8060]  }
0x166: {  	v41 =	vld [tilespmem:$0x8070];
	v6 =	vadd.f32 $0.0e+00, v6  }
0x167: {  	v42 =	vld [tilespmem:$0x80A0];
	v22 =	vadd.f32 $0.0e+00, v22  }
0x168: {  	v58 =	vld [tilespmem:$0x80B0];
	v6 =	vadd.f32 v7, v6;
	v7 =	vadd.f32 $0.0e+00, v38  }
0x169: {  	v59 =	vld [tilespmem:$0x80E0];
	v39 =	vadd.f32 $0.0e+00, v39;
	v22 =	vadd.f32 v23, v22  }
0x16a: {  	v60 =	vld [tilespmem:$0x80F0];
	v6 =	vadd.f32 v8, v6;
	v7 =	vadd.f32 v40, v7  }
0x16b: {  	v62 =	vld [tilespmem:$0x8120];
	v61 =	vadd.f32 v41, v39;
	v22 =	vadd.f32 v24, v22  }
0x16c: {  	v63 =	vld [tilespmem:$0x8130];
	v6 =	vadd.f32 v9, v6;
	v7 =	vadd.f32 v42, v7  }
0x16d: {  	v24 =	vadd.f32 v58, v61;
	v40 =	vld [tilespmem:$0x8160];
	v22 =	vadd.f32 v25, v22  }
0x16e: {  	v41 =	vld [tilespmem:$0x8170];
	v6 =	vadd.f32 v10, v6;
	v7 =	vadd.f32 v59, v7  }
0x16f: {  	v8 =	vadd.f32 v60, v24;
	v42 =	vld [tilespmem:$0x81A0];
	v22 =	vadd.f32 v26, v22  }
0x170: {  	v43 =	vld [tilespmem:$0x81B0];
	v6 =	vadd.f32 v11, v6;
	v7 =	vadd.f32 v62, v7  }
0x171: {  	v44 =	vld [tilespmem:$0x81E0];
	v8 =	vadd.f32 v63, v8;
	v22 =	vadd.f32 v27, v22  }
0x172: {  	v45 =	vld [tilespmem:$0x81F0];
	v6 =	vadd.f32 v12, v6;
	v7 =	vadd.f32 v40, v7  }
0x173: {  	v46 =	vld [tilespmem:$0x8220];
	v8 =	vadd.f32 v41, v8;
	v22 =	vadd.f32 v28, v22  }
0x174: {  	v47 =	vld [tilespmem:$0x8230];
	v6 =	vadd.f32 v13, v6;
	v7 =	vadd.f32 v42, v7  }
0x175: {  	v48 =	vld [tilespmem:$0x8260];
	v8 =	vadd.f32 v43, v8;
	v22 =	vadd.f32 v29, v22  }
0x176: {  	v49 =	vld [tilespmem:$0x8270];
	v6 =	vadd.f32 v14, v6;
	v7 =	vadd.f32 v44, v7  }
0x177: {  	v51 =	vld [tilespmem:$0x82A0];
	v8 =	vadd.f32 v45, v8;
	v50 =	vadd.f32 v30, v22  }
0x178: {  	v52 =	vld [tilespmem:$0x82B0];
	v6 =	vadd.f32 v15, v6;
	v7 =	vadd.f32 v46, v7  }
0x179: {  	v53 =	vld [tilespmem:$0x82E0];
	v8 =	vadd.f32 v47, v8;
	v14 =	vadd.f32 v31, v50  }
0x17a: {  	v54 =	vld [tilespmem:$0x82F0];
	v6 =	vadd.f32 v16, v6;
	v7 =	vadd.f32 v48, v7  }
0x17b: {  	v55 =	vld [tilespmem:$0x8320];
	v8 =	vadd.f32 v49, v8;
	v14 =	vadd.f32 v32, v14  }
0x17c: {  	v56 =	vld [tilespmem:$0x8330];
	v6 =	vadd.f32 v17, v6;
	v7 =	vadd.f32 v51, v7  }
0x17d: {  	v57 =	vld [tilespmem:$0x8360];
	v8 =	vadd.f32 v52, v8;
	v14 =	vadd.f32 v33, v14  }
0x17e: {  	v58 =	vld [tilespmem:$0x8370];
	v6 =	vadd.f32 v18, v6;
	v7 =	vadd.f32 v53, v7  }
0x17f: {  	v59 =	vld [tilespmem:$0x83A0];
	v8 =	vadd.f32 v54, v8;
	v14 =	vadd.f32 v34, v14  }
0x180: {  	v60 =	vld [tilespmem:$0x83B0];
	v6 =	vadd.f32 v19, v6;
	v7 =	vadd.f32 v55, v7  }
0x181: {  	v61 =	vld [tilespmem:$0x83E0];
	v8 =	vadd.f32 v56, v8;
	v14 =	vadd.f32 v35, v14  }
0x182: {  	v62 =	vld [tilespmem:$0x83F0];
	v6 =	vadd.f32 v20, v6;
	v7 =	vadd.f32 v57, v7  }
0x183: {  	v8 =	vadd.f32 v58, v8;
	v14 =	vadd.f32 v36, v14  }
0x184: {  	v6 =	vadd.f32 v21, v6;
	v7 =	vadd.f32 v59, v7  }
0x185: {  	v8 =	vadd.f32 v60, v8;
	v63 =	vadd.f32 v37, v14  }
0x186: {  	[tilespmem:$0x9000] =	vst v6;
	v6 =	vadd.f32 v61, v7  }
0x187: {  	[tilespmem:$0x9010] =	vst v63;
	v7 =	vadd.f32 v62, v8  }
0x188: {  	[tilespmem:$0x9020] =	vst v6  }
0x189: {  	s12 =	simm.s32 $0xFFFFFFF8;
	s13 =	simm.s32 $0xF0;
	[tilespmem:$0x9030] =	vst v7  }
.LBB2_4:
0x18a: {  	v6 =	vld [tilespmem:s13+$0xFFFFFF90];
	_ =	sdelay $0x4  }
0x18b: {  	v6 =	vadd.s32 v3, v6;
	_ =	sdelay $0x4  }
0x18c: {  	[tilespmem:v6+s9+$0x0] =	vst.idx.add.f32.msk $0xffff, v2  }
0x18d: {  	v6 =	vld [tilespmem:s13+$0xFFFFFFA0];
	_ =	sdelay $0x4  }
0x18e: {  	v6 =	vadd.s32 v3, v6;
	_ =	sdelay $0x4  }
0x18f: {  	[tilespmem:v6+s9+$0x0] =	vst.idx.add.f32.msk $0xffff, v2  }
0x190: {  	v6 =	vld [tilespmem:s13+$0xFFFFFFB0];
	_ =	sdelay $0x4  }
0x191: {  	v6 =	vadd.s32 v3, v6;
	_ =	sdelay $0x4  }
0x192: {  	[tilespmem:v6+s9+$0x0] =	vst.idx.add.f32.msk $0xffff, v2  }
0x193: {  	v6 =	vld [tilespmem:s13+$0xFFFFFFC0];
	_ =	sdelay $0x4  }
0x194: {  	v6 =	vadd.s32 v3, v6;
	_ =	sdelay $0x4  }
0x195: {  	[tilespmem:v6+s9+$0x0] =	vst.idx.add.f32.msk $0xffff, v2  }
0x196: {  	v6 =	vld [tilespmem:s13+$0xFFFFFFD0];
	_ =	sdelay $0x4  }
0x197: {  	v6 =	vadd.s32 v3, v6;
	_ =	sdelay $0x4  }
0x198: {  	[tilespmem:v6+s9+$0x0] =	vst.idx.add.f32.msk $0xffff, v2  }
0x199: {  	v6 =	vld [tilespmem:s13+$0xFFFFFFE0];
	_ =	sdelay $0x4  }
0x19a: {  	v6 =	vadd.s32 v3, v6;
	_ =	sdelay $0x4  }
0x19b: {  	[tilespmem:v6+s9+$0x0] =	vst.idx.add.f32.msk $0xffff, v2  }
0x19c: {  	v6 =	vld [tilespmem:s13+$0xFFFFFFF0];
	_ =	sdelay $0x4  }
0x19d: {  	v6 =	vadd.s32 v3, v6;
	_ =	sdelay $0x4  }
0x19e: {  	[tilespmem:v6+s9+$0x0] =	vst.idx.add.f32.msk $0xffff, v2  }
0x19f: {  	v6 =	vld [tilespmem:s13+$0x0];
	_ =	sdelay $0x3  }
0x1a0: {  	s12 =	sadd.s32 $0x8, s12  }
0x1a1: {  	p0 =	slt.u32 s12, $0x1F0;
	v6 =	vadd.s32 v3, v6  }
.Ltmp1:
0x1a2: {  	_ = 	snop;
	(pc) =	sbr.rel @p0 .LBB2_4-.Ltmp1, $2  }
0x1a3: {  	_ =	sdelay $0x2  }
0x1a4: {  	s13 =	sadd.s32 $0x200, s13;
	[tilespmem:v6+s9+$0x0] =	vst.idx.add.f32.msk $0xffff, v2  }
0x1a5: {  	v6 =	vld [tilespmem:$0x7E80];
	_ =	sdelay $0x4  }
0x1a6: {  	v6 =	vadd.s32 v3, v6;
	_ =	sdelay $0x4  }
0x1a7: {  	[tilespmem:v6+s9+$0x0] =	vst.idx.add.f32.msk $0xffff, v2  }
0x1a8: {  	v6 =	vld [tilespmem:$0x7E90];
	_ =	sdelay $0x4  }
0x1a9: {  	v6 =	vadd.s32 v3, v6;
	_ =	sdelay $0x4  }
0x1aa: {  	[tilespmem:v6+s9+$0x0] =	vst.idx.add.f32.msk $0xffff, v2  }
0x1ab: {  	v6 =	vld [tilespmem:$0x7EA0];
	_ =	sdelay $0x4  }
0x1ac: {  	v6 =	vadd.s32 v3, v6;
	_ =	sdelay $0x4  }
0x1ad: {  	[tilespmem:v6+s9+$0x0] =	vst.idx.add.f32.msk $0xffff, v2  }
0x1ae: {  	v6 =	vld [tilespmem:$0x7EB0];
	_ =	sdelay $0x4  }
0x1af: {  	v6 =	vadd.s32 v3, v6;
	_ =	sdelay $0x4  }
0x1b0: {  	[tilespmem:v6+s9+$0x0] =	vst.idx.add.f32.msk $0xffff, v2  }
0x1b1: {  	v6 =	vld [tilespmem:$0x7EC0];
	_ =	sdelay $0x4  }
0x1b2: {  	v6 =	vadd.s32 v3, v6;
	_ =	sdelay $0x4  }
0x1b3: {  	[tilespmem:v6+s9+$0x0] =	vst.idx.add.f32.msk $0xffff, v2  }
0x1b4: {  	v6 =	vld [tilespmem:$0x7ED0];
	_ =	sdelay $0x4  }
0x1b5: {  	v6 =	vadd.s32 v3, v6;
	_ =	sdelay $0x4  }
0x1b6: {  	[tilespmem:v6+s9+$0x0] =	vst.idx.add.f32.msk $0xffff, v2  }
0x1b7: {  	v6 =	vld [tilespmem:$0x7EE0];
	_ =	sdelay $0x4  }
0x1b8: {  	v6 =	vadd.s32 v3, v6;
	_ =	sdelay $0x4  }
0x1b9: {  	[tilespmem:v6+s9+$0x0] =	vst.idx.add.f32.msk $0xffff, v2  }
0x1ba: {  	v6 =	vld [tilespmem:$0x7EF0];
	_ =	sdelay $0x4  }
0x1bb: {  	v6 =	vadd.s32 v3, v6;
	_ =	sdelay $0x4  }
0x1bc: {  	[tilespmem:v6+s9+$0x0] =	vst.idx.add.f32.msk $0x1fff, v2  }
0x1bd: {  	v6 =	vld [tilespmem:$0x8400]  }
0x1be: {  	v7 =	vld [tilespmem:$0x8440]  }
0x1bf: {  	v8 =	vld [tilespmem:$0x8480]  }
0x1c0: {  	v9 =	vld [tilespmem:$0x84C0]  }
0x1c1: {  	v10 =	vld [tilespmem:$0x8500]  }
0x1c2: {  	v11 =	vld [tilespmem:$0x8540]  }
0x1c3: {  	v12 =	vld [tilespmem:$0x8580]  }
0x1c4: {  	v13 =	vld [tilespmem:$0x85C0]  }
0x1c5: {  	v14 =	vld [tilespmem:$0x8600]  }
0x1c6: {  	v15 =	vld [tilespmem:$0x8640]  }
0x1c7: {  	v16 =	vld [tilespmem:$0x8680]  }
0x1c8: {  	v17 =	vld [tilespmem:$0x86C0]  }
0x1c9: {  	v18 =	vld [tilespmem:$0x8700]  }
0x1ca: {  	v19 =	vld [tilespmem:$0x8740]  }
0x1cb: {  	v20 =	vld [tilespmem:$0x8780]  }
0x1cc: {  	v21 =	vld [tilespmem:$0x87C0]  }
0x1cd: {  	v22 =	vld [tilespmem:$0x8410]  }
0x1ce: {  	v23 =	vld [tilespmem:$0x8450]  }
0x1cf: {  	v24 =	vld [tilespmem:$0x8490]  }
0x1d0: {  	v25 =	vld [tilespmem:$0x84D0]  }
0x1d1: {  	v26 =	vld [tilespmem:$0x8510]  }
0x1d2: {  	v27 =	vld [tilespmem:$0x8550]  }
0x1d3: {  	v28 =	vld [tilespmem:$0x8590]  }
0x1d4: {  	v29 =	vld [tilespmem:$0x85D0]  }
0x1d5: {  	v30 =	vld [tilespmem:$0x8610]  }
0x1d6: {  	v31 =	vld [tilespmem:$0x8650]  }
0x1d7: {  	v32 =	vld [tilespmem:$0x8690]  }
0x1d8: {  	v33 =	vld [tilespmem:$0x86D0]  }
0x1d9: {  	v34 =	vld [tilespmem:$0x8710]  }
0x1da: {  	v35 =	vld [tilespmem:$0x8750]  }
0x1db: {  	v36 =	vld [tilespmem:$0x8790]  }
0x1dc: {  	v37 =	vld [tilespmem:$0x87D0]  }
0x1dd: {  	v38 =	vld [tilespmem:$0x8420]  }
0x1de: {  	v39 =	vld [tilespmem:$0x8430]  }
0x1df: {  	v40 =	vld [tilespmem:$0x8460]  }
0x1e0: {  	v41 =	vld [tilespmem:$0x8470];
	v6 =	vadd.f32 $0.0e+00, v6  }
0x1e1: {  	v42 =	vld [tilespmem:$0x84A0];
	v22 =	vadd.f32 $0.0e+00, v22  }
0x1e2: {  	v58 =	vld [tilespmem:$0x84B0];
	v6 =	vadd.f32 v7, v6;
	v7 =	vadd.f32 $0.0e+00, v38  }
0x1e3: {  	v59 =	vld [tilespmem:$0x84E0];
	v39 =	vadd.f32 $0.0e+00, v39;
	v22 =	vadd.f32 v23, v22  }
0x1e4: {  	v60 =	vld [tilespmem:$0x84F0];
	v6 =	vadd.f32 v8, v6;
	v7 =	vadd.f32 v40, v7  }
0x1e5: {  	v62 =	vld [tilespmem:$0x8520];
	v61 =	vadd.f32 v41, v39;
	v22 =	vadd.f32 v24, v22  }
0x1e6: {  	v63 =	vld [tilespmem:$0x8530];
	v6 =	vadd.f32 v9, v6;
	v7 =	vadd.f32 v42, v7  }
0x1e7: {  	v24 =	vadd.f32 v58, v61;
	v40 =	vld [tilespmem:$0x8560];
	v22 =	vadd.f32 v25, v22  }
0x1e8: {  	v41 =	vld [tilespmem:$0x8570];
	v6 =	vadd.f32 v10, v6;
	v7 =	vadd.f32 v59, v7  }
0x1e9: {  	v8 =	vadd.f32 v60, v24;
	v42 =	vld [tilespmem:$0x85A0];
	v22 =	vadd.f32 v26, v22  }
0x1ea: {  	v43 =	vld [tilespmem:$0x85B0];
	v6 =	vadd.f32 v11, v6;
	v7 =	vadd.f32 v62, v7  }
0x1eb: {  	v44 =	vld [tilespmem:$0x85E0];
	v8 =	vadd.f32 v63, v8;
	v22 =	vadd.f32 v27, v22  }
0x1ec: {  	v45 =	vld [tilespmem:$0x85F0];
	v6 =	vadd.f32 v12, v6;
	v7 =	vadd.f32 v40, v7  }
0x1ed: {  	v46 =	vld [tilespmem:$0x8620];
	v8 =	vadd.f32 v41, v8;
	v22 =	vadd.f32 v28, v22  }
0x1ee: {  	v47 =	vld [tilespmem:$0x8630];
	v6 =	vadd.f32 v13, v6;
	v7 =	vadd.f32 v42, v7  }
0x1ef: {  	v48 =	vld [tilespmem:$0x8660];
	v8 =	vadd.f32 v43, v8;
	v22 =	vadd.f32 v29, v22  }
0x1f0: {  	v49 =	vld [tilespmem:$0x8670];
	v6 =	vadd.f32 v14, v6;
	v7 =	vadd.f32 v44, v7  }
0x1f1: {  	v51 =	vld [tilespmem:$0x86A0];
	v8 =	vadd.f32 v45, v8;
	v50 =	vadd.f32 v30, v22  }
0x1f2: {  	v52 =	vld [tilespmem:$0x86B0];
	v6 =	vadd.f32 v15, v6;
	v7 =	vadd.f32 v46, v7  }
0x1f3: {  	v53 =	vld [tilespmem:$0x86E0];
	v8 =	vadd.f32 v47, v8;
	v14 =	vadd.f32 v31, v50  }
0x1f4: {  	v54 =	vld [tilespmem:$0x86F0];
	v6 =	vadd.f32 v16, v6;
	v7 =	vadd.f32 v48, v7  }
0x1f5: {  	v55 =	vld [tilespmem:$0x8720];
	v8 =	vadd.f32 v49, v8;
	v14 =	vadd.f32 v32, v14  }
0x1f6: {  	v56 =	vld [tilespmem:$0x8730];
	v6 =	vadd.f32 v17, v6;
	v7 =	vadd.f32 v51, v7  }
0x1f7: {  	v57 =	vld [tilespmem:$0x8760];
	v8 =	vadd.f32 v52, v8;
	v14 =	vadd.f32 v33, v14  }
0x1f8: {  	v58 =	vld [tilespmem:$0x8770];
	v6 =	vadd.f32 v18, v6;
	v7 =	vadd.f32 v53, v7  }
0x1f9: {  	v59 =	vld [tilespmem:$0x87A0];
	v8 =	vadd.f32 v54, v8;
	v14 =	vadd.f32 v34, v14  }
0x1fa: {  	v60 =	vld [tilespmem:$0x87B0];
	v6 =	vadd.f32 v19, v6;
	v7 =	vadd.f32 v55, v7  }
0x1fb: {  	v61 =	vld [tilespmem:$0x87E0];
	v8 =	vadd.f32 v56, v8;
	v14 =	vadd.f32 v35, v14  }
0x1fc: {  	v62 =	vld [tilespmem:$0x87F0];
	v6 =	vadd.f32 v20, v6;
	v7 =	vadd.f32 v57, v7  }
0x1fd: {  	v8 =	vadd.f32 v58, v8;
	v14 =	vadd.f32 v36, v14  }
0x1fe: {  	v6 =	vadd.f32 v21, v6;
	v7 =	vadd.f32 v59, v7  }
0x1ff: {  	v8 =	vadd.f32 v60, v8;
	v63 =	vadd.f32 v37, v14  }
0x200: {  	[tilespmem:$0x9080] =	vst v6;
	v6 =	vadd.f32 v61, v7  }
0x201: {  	[tilespmem:$0x9090] =	vst v63;
	v7 =	vadd.f32 v62, v8  }
0x202: {  	[tilespmem:$0x90A0] =	vst v6  }
0x203: {  	s12 =	simm.s32 $0xFFFFFFF8;
	s13 =	simm.s32 $0x170;
	[tilespmem:$0x90B0] =	vst v7  }
.LBB2_6:
0x204: {  	v6 =	vld [tilespmem:s13+$0xFFFFFF90];
	_ =	sdelay $0x4  }
0x205: {  	v6 =	vadd.s32 v4, v6;
	_ =	sdelay $0x4  }
0x206: {  	[tilespmem:v6+s9+$0x0] =	vst.idx.add.f32.msk $0xffff, v2  }
0x207: {  	v6 =	vld [tilespmem:s13+$0xFFFFFFA0];
	_ =	sdelay $0x4  }
0x208: {  	v6 =	vadd.s32 v4, v6;
	_ =	sdelay $0x4  }
0x209: {  	[tilespmem:v6+s9+$0x0] =	vst.idx.add.f32.msk $0xffff, v2  }
0x20a: {  	v6 =	vld [tilespmem:s13+$0xFFFFFFB0];
	_ =	sdelay $0x4  }
0x20b: {  	v6 =	vadd.s32 v4, v6;
	_ =	sdelay $0x4  }
0x20c: {  	[tilespmem:v6+s9+$0x0] =	vst.idx.add.f32.msk $0xffff, v2  }
0x20d: {  	v6 =	vld [tilespmem:s13+$0xFFFFFFC0];
	_ =	sdelay $0x4  }
0x20e: {  	v6 =	vadd.s32 v4, v6;
	_ =	sdelay $0x4  }
0x20f: {  	[tilespmem:v6+s9+$0x0] =	vst.idx.add.f32.msk $0xffff, v2  }
0x210: {  	v6 =	vld [tilespmem:s13+$0xFFFFFFD0];
	_ =	sdelay $0x4  }
0x211: {  	v6 =	vadd.s32 v4, v6;
	_ =	sdelay $0x4  }
0x212: {  	[tilespmem:v6+s9+$0x0] =	vst.idx.add.f32.msk $0xffff, v2  }
0x213: {  	v6 =	vld [tilespmem:s13+$0xFFFFFFE0];
	_ =	sdelay $0x4  }
0x214: {  	v6 =	vadd.s32 v4, v6;
	_ =	sdelay $0x4  }
0x215: {  	[tilespmem:v6+s9+$0x0] =	vst.idx.add.f32.msk $0xffff, v2  }
0x216: {  	v6 =	vld [tilespmem:s13+$0xFFFFFFF0];
	_ =	sdelay $0x4  }
0x217: {  	v6 =	vadd.s32 v4, v6;
	_ =	sdelay $0x4  }
0x218: {  	[tilespmem:v6+s9+$0x0] =	vst.idx.add.f32.msk $0xffff, v2  }
0x219: {  	v6 =	vld [tilespmem:s13+$0x0];
	_ =	sdelay $0x3  }
0x21a: {  	s12 =	sadd.s32 $0x8, s12  }
0x21b: {  	p0 =	slt.u32 s12, $0x1F0;
	v6 =	vadd.s32 v4, v6  }
.Ltmp2:
0x21c: {  	_ = 	snop;
	(pc) =	sbr.rel @p0 .LBB2_6-.Ltmp2, $2  }
0x21d: {  	_ =	sdelay $0x2  }
0x21e: {  	s13 =	sadd.s32 $0x200, s13;
	[tilespmem:v6+s9+$0x0] =	vst.idx.add.f32.msk $0xffff, v2  }
0x21f: {  	v6 =	vld [tilespmem:$0x7F00];
	_ =	sdelay $0x4  }
0x220: {  	v6 =	vadd.s32 v4, v6;
	_ =	sdelay $0x4  }
0x221: {  	[tilespmem:v6+s9+$0x0] =	vst.idx.add.f32.msk $0xffff, v2  }
0x222: {  	v6 =	vld [tilespmem:$0x7F10];
	_ =	sdelay $0x4  }
0x223: {  	v6 =	vadd.s32 v4, v6;
	_ =	sdelay $0x4  }
0x224: {  	[tilespmem:v6+s9+$0x0] =	vst.idx.add.f32.msk $0xffff, v2  }
0x225: {  	v6 =	vld [tilespmem:$0x7F20];
	_ =	sdelay $0x4  }
0x226: {  	v6 =	vadd.s32 v4, v6;
	_ =	sdelay $0x4  }
0x227: {  	[tilespmem:v6+s9+$0x0] =	vst.idx.add.f32.msk $0xffff, v2  }
0x228: {  	v6 =	vld [tilespmem:$0x7F30];
	_ =	sdelay $0x4  }
0x229: {  	v6 =	vadd.s32 v4, v6;
	_ =	sdelay $0x4  }
0x22a: {  	[tilespmem:v6+s9+$0x0] =	vst.idx.add.f32.msk $0xffff, v2  }
0x22b: {  	v6 =	vld [tilespmem:$0x7F40];
	_ =	sdelay $0x4  }
0x22c: {  	v6 =	vadd.s32 v4, v6;
	_ =	sdelay $0x4  }
0x22d: {  	[tilespmem:v6+s9+$0x0] =	vst.idx.add.f32.msk $0xffff, v2  }
0x22e: {  	v6 =	vld [tilespmem:$0x7F50];
	_ =	sdelay $0x4  }
0x22f: {  	v6 =	vadd.s32 v4, v6;
	_ =	sdelay $0x4  }
0x230: {  	[tilespmem:v6+s9+$0x0] =	vst.idx.add.f32.msk $0xffff, v2  }
0x231: {  	v6 =	vld [tilespmem:$0x7F60];
	_ =	sdelay $0x4  }
0x232: {  	v6 =	vadd.s32 v4, v6;
	_ =	sdelay $0x4  }
0x233: {  	[tilespmem:v6+s9+$0x0] =	vst.idx.add.f32.msk $0xffff, v2  }
0x234: {  	v6 =	vld [tilespmem:$0x7F70];
	_ =	sdelay $0x4  }
0x235: {  	v6 =	vadd.s32 v4, v6;
	_ =	sdelay $0x4  }
0x236: {  	[tilespmem:v6+s9+$0x0] =	vst.idx.add.f32.msk $0x1fff, v2  }
0x237: {  	v6 =	vld [tilespmem:$0x8800]  }
0x238: {  	v7 =	vld [tilespmem:$0x8840]  }
0x239: {  	v8 =	vld [tilespmem:$0x8880]  }
0x23a: {  	v9 =	vld [tilespmem:$0x88C0]  }
0x23b: {  	v10 =	vld [tilespmem:$0x8900]  }
0x23c: {  	v11 =	vld [tilespmem:$0x8940]  }
0x23d: {  	v12 =	vld [tilespmem:$0x8980]  }
0x23e: {  	v13 =	vld [tilespmem:$0x89C0]  }
0x23f: {  	v14 =	vld [tilespmem:$0x8A00]  }
0x240: {  	v15 =	vld [tilespmem:$0x8A40]  }
0x241: {  	v16 =	vld [tilespmem:$0x8A80]  }
0x242: {  	v17 =	vld [tilespmem:$0x8AC0]  }
0x243: {  	v18 =	vld [tilespmem:$0x8B00]  }
0x244: {  	v19 =	vld [tilespmem:$0x8B40]  }
0x245: {  	v20 =	vld [tilespmem:$0x8B80]  }
0x246: {  	v21 =	vld [tilespmem:$0x8BC0]  }
0x247: {  	v22 =	vld [tilespmem:$0x8810]  }
0x248: {  	v23 =	vld [tilespmem:$0x8850]  }
0x249: {  	v24 =	vld [tilespmem:$0x8890]  }
0x24a: {  	v25 =	vld [tilespmem:$0x88D0]  }
0x24b: {  	v26 =	vld [tilespmem:$0x8910]  }
0x24c: {  	v27 =	vld [tilespmem:$0x8950]  }
0x24d: {  	v28 =	vld [tilespmem:$0x8990]  }
0x24e: {  	v29 =	vld [tilespmem:$0x89D0]  }
0x24f: {  	v30 =	vld [tilespmem:$0x8A10]  }
0x250: {  	v31 =	vld [tilespmem:$0x8A50]  }
0x251: {  	v32 =	vld [tilespmem:$0x8A90]  }
0x252: {  	v33 =	vld [tilespmem:$0x8AD0]  }
0x253: {  	v34 =	vld [tilespmem:$0x8B10]  }
0x254: {  	v35 =	vld [tilespmem:$0x8B50]  }
0x255: {  	v36 =	vld [tilespmem:$0x8B90]  }
0x256: {  	v37 =	vld [tilespmem:$0x8BD0]  }
0x257: {  	v38 =	vld [tilespmem:$0x8820]  }
0x258: {  	v39 =	vld [tilespmem:$0x8830]  }
0x259: {  	v40 =	vld [tilespmem:$0x8860]  }
0x25a: {  	v41 =	vld [tilespmem:$0x8870];
	v6 =	vadd.f32 $0.0e+00, v6  }
0x25b: {  	v42 =	vld [tilespmem:$0x88A0];
	v22 =	vadd.f32 $0.0e+00, v22  }
0x25c: {  	v58 =	vld [tilespmem:$0x88B0];
	v6 =	vadd.f32 v7, v6;
	v7 =	vadd.f32 $0.0e+00, v38  }
0x25d: {  	v59 =	vld [tilespmem:$0x88E0];
	v39 =	vadd.f32 $0.0e+00, v39;
	v22 =	vadd.f32 v23, v22  }
0x25e: {  	v60 =	vld [tilespmem:$0x88F0];
	v6 =	vadd.f32 v8, v6;
	v7 =	vadd.f32 v40, v7  }
0x25f: {  	v62 =	vld [tilespmem:$0x8920];
	v61 =	vadd.f32 v41, v39;
	v22 =	vadd.f32 v24, v22  }
0x260: {  	v63 =	vld [tilespmem:$0x8930];
	v6 =	vadd.f32 v9, v6;
	v7 =	vadd.f32 v42, v7  }
0x261: {  	v24 =	vadd.f32 v58, v61;
	v40 =	vld [tilespmem:$0x8960];
	v22 =	vadd.f32 v25, v22  }
0x262: {  	v41 =	vld [tilespmem:$0x8970];
	v6 =	vadd.f32 v10, v6;
	v7 =	vadd.f32 v59, v7  }
0x263: {  	v8 =	vadd.f32 v60, v24;
	v42 =	vld [tilespmem:$0x89A0];
	v22 =	vadd.f32 v26, v22  }
0x264: {  	v43 =	vld [tilespmem:$0x89B0];
	v6 =	vadd.f32 v11, v6;
	v7 =	vadd.f32 v62, v7  }
0x265: {  	v44 =	vld [tilespmem:$0x89E0];
	v8 =	vadd.f32 v63, v8;
	v22 =	vadd.f32 v27, v22  }
0x266: {  	v45 =	vld [tilespmem:$0x89F0];
	v6 =	vadd.f32 v12, v6;
	v7 =	vadd.f32 v40, v7  }
0x267: {  	v46 =	vld [tilespmem:$0x8A20];
	v8 =	vadd.f32 v41, v8;
	v22 =	vadd.f32 v28, v22  }
0x268: {  	v47 =	vld [tilespmem:$0x8A30];
	v6 =	vadd.f32 v13, v6;
	v7 =	vadd.f32 v42, v7  }
0x269: {  	v48 =	vld [tilespmem:$0x8A60];
	v8 =	vadd.f32 v43, v8;
	v22 =	vadd.f32 v29, v22  }
0x26a: {  	v49 =	vld [tilespmem:$0x8A70];
	v6 =	vadd.f32 v14, v6;
	v7 =	vadd.f32 v44, v7  }
0x26b: {  	v51 =	vld [tilespmem:$0x8AA0];
	v8 =	vadd.f32 v45, v8;
	v50 =	vadd.f32 v30, v22  }
0x26c: {  	v52 =	vld [tilespmem:$0x8AB0];
	v6 =	vadd.f32 v15, v6;
	v7 =	vadd.f32 v46, v7  }
0x26d: {  	v53 =	vld [tilespmem:$0x8AE0];
	v8 =	vadd.f32 v47, v8;
	v14 =	vadd.f32 v31, v50  }
0x26e: {  	v54 =	vld [tilespmem:$0x8AF0];
	v6 =	vadd.f32 v16, v6;
	v7 =	vadd.f32 v48, v7  }
0x26f: {  	v55 =	vld [tilespmem:$0x8B20];
	v8 =	vadd.f32 v49, v8;
	v14 =	vadd.f32 v32, v14  }
0x270: {  	v56 =	vld [tilespmem:$0x8B30];
	v6 =	vadd.f32 v17, v6;
	v7 =	vadd.f32 v51, v7  }
0x271: {  	v57 =	vld [tilespmem:$0x8B60];
	v8 =	vadd.f32 v52, v8;
	v14 =	vadd.f32 v33, v14  }
0x272: {  	v58 =	vld [tilespmem:$0x8B70];
	v6 =	vadd.f32 v18, v6;
	v7 =	vadd.f32 v53, v7  }
0x273: {  	v59 =	vld [tilespmem:$0x8BA0];
	v8 =	vadd.f32 v54, v8;
	v14 =	vadd.f32 v34, v14  }
0x274: {  	v60 =	vld [tilespmem:$0x8BB0];
	v6 =	vadd.f32 v19, v6;
	v7 =	vadd.f32 v55, v7  }
0x275: {  	v61 =	vld [tilespmem:$0x8BE0];
	v8 =	vadd.f32 v56, v8;
	v14 =	vadd.f32 v35, v14  }
0x276: {  	v62 =	vld [tilespmem:$0x8BF0];
	v6 =	vadd.f32 v20, v6;
	v7 =	vadd.f32 v57, v7  }
0x277: {  	v8 =	vadd.f32 v58, v8;
	v14 =	vadd.f32 v36, v14  }
0x278: {  	v6 =	vadd.f32 v21, v6;
	v7 =	vadd.f32 v59, v7  }
0x279: {  	v8 =	vadd.f32 v60, v8;
	v63 =	vadd.f32 v37, v14  }
0x27a: {  	[tilespmem:$0x9100] =	vst v6;
	v6 =	vadd.f32 v61, v7  }
0x27b: {  	[tilespmem:$0x9110] =	vst v63;
	v7 =	vadd.f32 v62, v8  }
0x27c: {  	[tilespmem:$0x9120] =	vst v6  }
0x27d: {  	s12 =	simm.s32 $0xFFFFFFF8;
	s13 =	simm.s32 $0x1F0;
	[tilespmem:$0x9130] =	vst v7  }
.LBB2_8:
0x27e: {  	v6 =	vld [tilespmem:s13+$0xFFFFFF90];
	_ =	sdelay $0x4  }
0x27f: {  	v6 =	vadd.s32 v5, v6;
	_ =	sdelay $0x4  }
0x280: {  	[tilespmem:v6+s9+$0x0] =	vst.idx.add.f32.msk $0xffff, v2  }
0x281: {  	v6 =	vld [tilespmem:s13+$0xFFFFFFA0];
	_ =	sdelay $0x4  }
0x282: {  	v6 =	vadd.s32 v5, v6;
	_ =	sdelay $0x4  }
0x283: {  	[tilespmem:v6+s9+$0x0] =	vst.idx.add.f32.msk $0xffff, v2  }
0x284: {  	v6 =	vld [tilespmem:s13+$0xFFFFFFB0];
	_ =	sdelay $0x4  }
0x285: {  	v6 =	vadd.s32 v5, v6;
	_ =	sdelay $0x4  }
0x286: {  	[tilespmem:v6+s9+$0x0] =	vst.idx.add.f32.msk $0xffff, v2  }
0x287: {  	v6 =	vld [tilespmem:s13+$0xFFFFFFC0];
	_ =	sdelay $0x4  }
0x288: {  	v6 =	vadd.s32 v5, v6;
	_ =	sdelay $0x4  }
0x289: {  	[tilespmem:v6+s9+$0x0] =	vst.idx.add.f32.msk $0xffff, v2  }
0x28a: {  	v6 =	vld [tilespmem:s13+$0xFFFFFFD0];
	_ =	sdelay $0x4  }
0x28b: {  	v6 =	vadd.s32 v5, v6;
	_ =	sdelay $0x4  }
0x28c: {  	[tilespmem:v6+s9+$0x0] =	vst.idx.add.f32.msk $0xffff, v2  }
0x28d: {  	v6 =	vld [tilespmem:s13+$0xFFFFFFE0];
	_ =	sdelay $0x4  }
0x28e: {  	v6 =	vadd.s32 v5, v6;
	_ =	sdelay $0x4  }
0x28f: {  	[tilespmem:v6+s9+$0x0] =	vst.idx.add.f32.msk $0xffff, v2  }
0x290: {  	v6 =	vld [tilespmem:s13+$0xFFFFFFF0];
	_ =	sdelay $0x4  }
0x291: {  	v6 =	vadd.s32 v5, v6;
	_ =	sdelay $0x4  }
0x292: {  	[tilespmem:v6+s9+$0x0] =	vst.idx.add.f32.msk $0xffff, v2  }
0x293: {  	v6 =	vld [tilespmem:s13+$0x0];
	_ =	sdelay $0x3  }
0x294: {  	s12 =	sadd.s32 $0x8, s12  }
0x295: {  	p0 =	slt.u32 s12, $0x1F0;
	v6 =	vadd.s32 v5, v6  }
.Ltmp3:
0x296: {  	_ = 	snop;
	(pc) =	sbr.rel @p0 .LBB2_8-.Ltmp3, $2  }
0x297: {  	_ =	sdelay $0x2  }
0x298: {  	s13 =	sadd.s32 $0x200, s13;
	[tilespmem:v6+s9+$0x0] =	vst.idx.add.f32.msk $0xffff, v2  }
0x299: {  	v6 =	vld [tilespmem:$0x7F80];
	_ =	sdelay $0x4  }
0x29a: {  	v6 =	vadd.s32 v5, v6;
	_ =	sdelay $0x4  }
0x29b: {  	[tilespmem:v6+s9+$0x0] =	vst.idx.add.f32.msk $0xffff, v2  }
0x29c: {  	v6 =	vld [tilespmem:$0x7F90];
	_ =	sdelay $0x4  }
0x29d: {  	v6 =	vadd.s32 v5, v6;
	_ =	sdelay $0x4  }
0x29e: {  	[tilespmem:v6+s9+$0x0] =	vst.idx.add.f32.msk $0xffff, v2  }
0x29f: {  	v6 =	vld [tilespmem:$0x7FA0];
	_ =	sdelay $0x4  }
0x2a0: {  	v6 =	vadd.s32 v5, v6;
	_ =	sdelay $0x4  }
0x2a1: {  	[tilespmem:v6+s9+$0x0] =	vst.idx.add.f32.msk $0xffff, v2  }
0x2a2: {  	v6 =	vld [tilespmem:$0x7FB0];
	_ =	sdelay $0x4  }
0x2a3: {  	v6 =	vadd.s32 v5, v6;
	_ =	sdelay $0x4  }
0x2a4: {  	[tilespmem:v6+s9+$0x0] =	vst.idx.add.f32.msk $0xffff, v2  }
0x2a5: {  	v6 =	vld [tilespmem:$0x7FC0];
	_ =	sdelay $0x4  }
0x2a6: {  	v6 =	vadd.s32 v5, v6;
	_ =	sdelay $0x4  }
0x2a7: {  	[tilespmem:v6+s9+$0x0] =	vst.idx.add.f32.msk $0xffff, v2  }
0x2a8: {  	v6 =	vld [tilespmem:$0x7FD0];
	_ =	sdelay $0x4  }
0x2a9: {  	v6 =	vadd.s32 v5, v6;
	_ =	sdelay $0x4  }
0x2aa: {  	[tilespmem:v6+s9+$0x0] =	vst.idx.add.f32.msk $0xffff, v2  }
0x2ab: {  	v6 =	vld [tilespmem:$0x7FE0];
	_ =	sdelay $0x4  }
0x2ac: {  	v6 =	vadd.s32 v5, v6;
	_ =	sdelay $0x4  }
0x2ad: {  	[tilespmem:v6+s9+$0x0] =	vst.idx.add.f32.msk $0xffff, v2  }
0x2ae: {  	v6 =	vld [tilespmem:$0x7FF0];
	_ =	sdelay $0x4  }
0x2af: {  	v6 =	vadd.s32 v5, v6;
	_ =	sdelay $0x4  }
0x2b0: {  	[tilespmem:v6+s9+$0x0] =	vst.idx.add.f32.msk $0x1fff, v2  }
0x2b1: {  	v6 =	vld [tilespmem:$0x8C00]  }
0x2b2: {  	v7 =	vld [tilespmem:$0x8C40]  }
0x2b3: {  	v8 =	vld [tilespmem:$0x8C80]  }
0x2b4: {  	v9 =	vld [tilespmem:$0x8CC0]  }
0x2b5: {  	v10 =	vld [tilespmem:$0x8D00]  }
0x2b6: {  	v11 =	vld [tilespmem:$0x8D40]  }
0x2b7: {  	v12 =	vld [tilespmem:$0x8D80]  }
0x2b8: {  	v13 =	vld [tilespmem:$0x8DC0]  }
0x2b9: {  	v14 =	vld [tilespmem:$0x8E00]  }
0x2ba: {  	v15 =	vld [tilespmem:$0x8E40]  }
0x2bb: {  	v16 =	vld [tilespmem:$0x8E80]  }
0x2bc: {  	v17 =	vld [tilespmem:$0x8EC0]  }
0x2bd: {  	v18 =	vld [tilespmem:$0x8F00]  }
0x2be: {  	v19 =	vld [tilespmem:$0x8F40]  }
0x2bf: {  	v20 =	vld [tilespmem:$0x8F80]  }
0x2c0: {  	v21 =	vld [tilespmem:$0x8FC0]  }
0x2c1: {  	v22 =	vld [tilespmem:$0x8C10]  }
0x2c2: {  	v23 =	vld [tilespmem:$0x8C50]  }
0x2c3: {  	v24 =	vld [tilespmem:$0x8C90]  }
0x2c4: {  	v25 =	vld [tilespmem:$0x8CD0]  }
0x2c5: {  	v26 =	vld [tilespmem:$0x8D10]  }
0x2c6: {  	v27 =	vld [tilespmem:$0x8D50]  }
0x2c7: {  	v28 =	vld [tilespmem:$0x8D90]  }
0x2c8: {  	v29 =	vld [tilespmem:$0x8DD0]  }
0x2c9: {  	v30 =	vld [tilespmem:$0x8E10]  }
0x2ca: {  	v31 =	vld [tilespmem:$0x8E50]  }
0x2cb: {  	v32 =	vld [tilespmem:$0x8E90]  }
0x2cc: {  	v33 =	vld [tilespmem:$0x8ED0]  }
0x2cd: {  	v34 =	vld [tilespmem:$0x8F10]  }
0x2ce: {  	v35 =	vld [tilespmem:$0x8F50]  }
0x2cf: {  	v36 =	vld [tilespmem:$0x8F90]  }
0x2d0: {  	v37 =	vld [tilespmem:$0x8FD0]  }
0x2d1: {  	v38 =	vld [tilespmem:$0x8C20]  }
0x2d2: {  	v39 =	vld [tilespmem:$0x8C30]  }
0x2d3: {  	v40 =	vld [tilespmem:$0x8C60]  }
0x2d4: {  	v41 =	vld [tilespmem:$0x8C70];
	v6 =	vadd.f32 $0.0e+00, v6  }
0x2d5: {  	v42 =	vld [tilespmem:$0x8CA0];
	v22 =	vadd.f32 $0.0e+00, v22  }
0x2d6: {  	v58 =	vld [tilespmem:$0x8CB0];
	v6 =	vadd.f32 v7, v6;
	v7 =	vadd.f32 $0.0e+00, v38  }
0x2d7: {  	v59 =	vld [tilespmem:$0x8CE0];
	v39 =	vadd.f32 $0.0e+00, v39;
	v22 =	vadd.f32 v23, v22  }
0x2d8: {  	v60 =	vld [tilespmem:$0x8CF0];
	v6 =	vadd.f32 v8, v6;
	v7 =	vadd.f32 v40, v7  }
0x2d9: {  	v62 =	vld [tilespmem:$0x8D20];
	v61 =	vadd.f32 v41, v39;
	v22 =	vadd.f32 v24, v22  }
0x2da: {  	v63 =	vld [tilespmem:$0x8D30];
	v6 =	vadd.f32 v9, v6;
	v7 =	vadd.f32 v42, v7  }
0x2db: {  	v24 =	vadd.f32 v58, v61;
	v40 =	vld [tilespmem:$0x8D60];
	v22 =	vadd.f32 v25, v22  }
0x2dc: {  	v41 =	vld [tilespmem:$0x8D70];
	v6 =	vadd.f32 v10, v6;
	v7 =	vadd.f32 v59, v7  }
0x2dd: {  	v8 =	vadd.f32 v60, v24;
	v42 =	vld [tilespmem:$0x8DA0];
	v22 =	vadd.f32 v26, v22  }
0x2de: {  	v43 =	vld [tilespmem:$0x8DB0];
	v6 =	vadd.f32 v11, v6;
	v7 =	vadd.f32 v62, v7  }
0x2df: {  	v44 =	vld [tilespmem:$0x8DE0];
	v8 =	vadd.f32 v63, v8;
	v22 =	vadd.f32 v27, v22  }
0x2e0: {  	v45 =	vld [tilespmem:$0x8DF0];
	v6 =	vadd.f32 v12, v6;
	v7 =	vadd.f32 v40, v7  }
0x2e1: {  	v46 =	vld [tilespmem:$0x8E20];
	v8 =	vadd.f32 v41, v8;
	v22 =	vadd.f32 v28, v22  }
0x2e2: {  	v47 =	vld [tilespmem:$0x8E30];
	v6 =	vadd.f32 v13, v6;
	v7 =	vadd.f32 v42, v7  }
0x2e3: {  	v48 =	vld [tilespmem:$0x8E60];
	v8 =	vadd.f32 v43, v8;
	v22 =	vadd.f32 v29, v22  }
0x2e4: {  	v49 =	vld [tilespmem:$0x8E70];
	v6 =	vadd.f32 v14, v6;
	v7 =	vadd.f32 v44, v7  }
0x2e5: {  	v51 =	vld [tilespmem:$0x8EA0];
	v8 =	vadd.f32 v45, v8;
	v50 =	vadd.f32 v30, v22  }
0x2e6: {  	v52 =	vld [tilespmem:$0x8EB0];
	v6 =	vadd.f32 v15, v6;
	v7 =	vadd.f32 v46, v7  }
0x2e7: {  	v53 =	vld [tilespmem:$0x8EE0];
	v8 =	vadd.f32 v47, v8;
	v14 =	vadd.f32 v31, v50  }
0x2e8: {  	v54 =	vld [tilespmem:$0x8EF0];
	v6 =	vadd.f32 v16, v6;
	v7 =	vadd.f32 v48, v7  }
0x2e9: {  	v55 =	vld [tilespmem:$0x8F20];
	v8 =	vadd.f32 v49, v8;
	v14 =	vadd.f32 v32, v14  }
0x2ea: {  	v56 =	vld [tilespmem:$0x8F30];
	v6 =	vadd.f32 v17, v6;
	v7 =	vadd.f32 v51, v7  }
0x2eb: {  	v57 =	vld [tilespmem:$0x8F60];
	v8 =	vadd.f32 v52, v8;
	v14 =	vadd.f32 v33, v14  }
0x2ec: {  	v58 =	vld [tilespmem:$0x8F70];
	v6 =	vadd.f32 v18, v6;
	v7 =	vadd.f32 v53, v7  }
0x2ed: {  	v59 =	vld [tilespmem:$0x8FA0];
	v8 =	vadd.f32 v54, v8;
	v14 =	vadd.f32 v34, v14  }
0x2ee: {  	v60 =	vld [tilespmem:$0x8FB0];
	v6 =	vadd.f32 v19, v6;
	v7 =	vadd.f32 v55, v7  }
0x2ef: {  	v61 =	vld [tilespmem:$0x8FE0];
	v8 =	vadd.f32 v56, v8;
	v14 =	vadd.f32 v35, v14  }
0x2f0: {  	v62 =	vld [tilespmem:$0x8FF0];
	v6 =	vadd.f32 v20, v6;
	v7 =	vadd.f32 v57, v7  }
0x2f1: {  	v8 =	vadd.f32 v58, v8;
	v14 =	vadd.f32 v36, v14  }
0x2f2: {  	v6 =	vadd.f32 v21, v6;
	v7 =	vadd.f32 v59, v7  }
0x2f3: {  	v8 =	vadd.f32 v60, v8;
	v63 =	vadd.f32 v37, v14  }
0x2f4: {  	[tilespmem:$0x9180] =	vst v6;
	v6 =	vadd.f32 v61, v7  }
0x2f5: {  	s11 =	sadd.s32 $0x1, s11;
	[tilespmem:$0x9190] =	vst v63;
	v7 =	vadd.f32 v62, v8  }
0x2f6: {  	p0 =	sne.s32 s11, s5;
	[tilespmem:$0x91A0] =	vst v6  }
.Ltmp4:
0x2f7: {  	[tilespmem:$0x91B0] =	vst v7;
	(pc) =	sbr.rel @p0 .LBB2_1-.Ltmp4, $4  }
0x2f8: {  	[hbm4b:s4+s2] =	stream.linear.scatter [tilespmem:s10], [sflag:$0x1], $0x200, $0x38;
	[tilespmem:$0x9200] =	vst v63  }
0x2f9: {  	_ =	swait.ge [sflag:s8], $0x200  }
0x2fa: {  	[sflag:s8] =	ssyncset.done $0x0  }
0x2fb: {  	[sflag:s8] =	ssyncadd.s32 $0xFFFFFE00  }
0x2fc: {  	_ =	sfence.sel $0x180000  }
0x2fd: {  	[bflag:$0x0] =	sbarrier.arrive $0xFFFF  }
0x2fe: {  	p0 =	sne.s32 s1, $0x0;
	_ =	strace $0x90000047  }
0x2ff: {  	s0 =	sadd.s32 @!p0 $0x100000, s0;
	[bflag:$0x2] =	sbarrier.arrive $0xFFFF  }
0x300: {  	[sflag:s0] =	ssyncadd.tile.s32 @!p0 $0x1;
	_ =	shalt  }
.Lfunc_end2:
_tile_overlayer_lowered:
.L_overlay_start_2:
0x301: {  	(tag) =	ssettag $0x2  }
0x302: {  	s0 =	rddreg [dreg:$0x0];
	s2 =	stileid.u32  }
0x303: {  	s1 =	rddreg [dreg:$0x1];
	p0 =	sne.s32 s2, $0x0  }
0x304: {  	s3 =	rddreg [dreg:$0x2];
	[bflag:$0x3] =	sbarrier.arrive $0xFFFF;
	s2 =	simm.s32 @!p0 $0x1C01  }
0x305: {  	[timem:s3], [sflag:s2] =	dma.local @!p0 [hbm:s0], s1  }
0x306: {  	s0 =	simm.s32 @!p0 $0x1  }
0x307: {  	_ =	swait.ge @!p0 [sflag:s0], s1  }
0x308: {  	s1 =	ssub.s32 @!p0 $0x0, s1;
	[sflag:s0] =	ssyncset.done @!p0 $0x0  }
0x309: {  	[sflag:s0] =	ssyncadd.s32 @!p0 s1  }
0x30a: {  	[bflag:$0x3] =	sbarrier.arrive $0xFFFF  }
0x30b: {  	_ =	shalt  }

</sc_bundles>
